<compile_context>
chip_gen: v7x
topology: tpu7x:2x2x1
jax: 0.10.2.dev20260603
libtpu: 0.0.44.dev20260713+nightly
codegen_flags: <defaults>
</compile_context>

<pallas_src>
import dataclasses
import functools

import jax
import jax.numpy as jnp
from jax.experimental import pallas as pl
from jax.experimental.pallas import tpu as pltpu
from jax.experimental.pallas import tpu_sc as plsc

N = 4096
D = 128
D_OUT = 64
K_IDX = 16609443

BM = 512
NB = N // BM

NW = 32
LANES = 16
H1_ROWS = 130
H2_ROWS = 128

_SC_CP = pltpu.CompilerParams()
if "needs_layout_passes" in pltpu.CompilerParams.__dataclass_fields__:
    _SC_CP = dataclasses.replace(_SC_CP, needs_layout_passes=False)


def _prep_kernel(x_ref, w_in_ref, xn_ref, h_ref):
    x = x_ref[...]
    nrm = jnp.sqrt(jnp.sum(x * x, axis=1, keepdims=True))
    xn_ref[...] = x / jnp.maximum(nrm, 1e-8)
    h = jax.lax.dot_general(
        x, w_in_ref[...], (((1,), (1,)), ((), ())),
        preferred_element_type=jnp.float32,
    )
    h_ref[...] = jnp.maximum(h, 0.0)


def _sim_kernel(xn_blk_ref, xn_ref, bits_ref):
    s = jax.lax.dot_general(
        xn_blk_ref[...], xn_ref[...], (((1,), (1,)), ((), ())),
        preferred_element_type=jnp.float32,
    )
    bits_ref[...] = pltpu.bitcast(jnp.abs(s), jnp.int32)


SC_BLK = 16384
SC_UNROLL = 8


def _make_sc_hist(shift, binmask, match_shift, nbins):

    def sc_hist(bits_hbm, sel_hbm, out_hbm, hist_v, sel_v, sem):
        wid = jax.lax.axis_index("s") * 2 + jax.lax.axis_index("c")
        pltpu.async_copy(sel_hbm, sel_v, sem).wait()
        zeros = jnp.zeros((LANES,), jnp.int32)

        @pl.loop(0, nbins * LANES, step=16 * LANES)
        def _zero(i):
            for u in range(16):
                hist_v.at[pl.ds(i + u * LANES, LANES)][...] = zeros

        ones = jnp.ones((LANES,), jnp.int32)
        lane = jax.lax.iota(jnp.int32, LANES)
        bm = jnp.full((LANES,), binmask, jnp.int32)
        pvec = sel_v.at[0][...]

        def body(in_v):
            @pl.loop(0, SC_BLK, step=SC_UNROLL * LANES)
            def _(c):
                for u in range(SC_UNROLL):
                    v = in_v.at[pl.ds(c + u * LANES, LANES)][...]
                    hi = jax.lax.shift_right_logical(v, match_shift)
                    b = jnp.bitwise_and(
                        jax.lax.shift_right_logical(v, shift), bm)
                    idx = jax.lax.shift_left(b, 4) + lane
                    plsc.addupdate_scatter(hist_v, [idx], ones,
                                           mask=hi == pvec)

        pltpu.emit_pipeline(
            body,
            grid=(N * N // SC_BLK,),
            in_specs=[pl.BlockSpec((SC_BLK,), lambda i: (i,))],
            out_specs=[],
            core_axis_name=("c", "s"),
            dimension_semantics=(pltpu.PARALLEL,),
        )(bits_hbm)
        pltpu.async_copy(hist_v, out_hbm.at[wid], sem).wait()

    return sc_hist


def _rowmajor_cum(hs, rows, cols):
    ric = jax.lax.broadcasted_iota(jnp.int32, (cols, cols), 0)
    cic = jax.lax.broadcasted_iota(jnp.int32, (cols, cols), 1)
    ut = (ric <= cic).astype(jnp.float32)
    cum_row = jax.lax.dot_general(
        hs, ut, (((1,), (0,)), ((), ())), preferred_element_type=jnp.float32)
    tot = cum_row[:, cols - 1:cols]
    rir = jax.lax.broadcasted_iota(jnp.int32, (rows, rows), 0)
    cir = jax.lax.broadcasted_iota(jnp.int32, (rows, rows), 1)
    lt = (cir < rir).astype(jnp.float32)
    prev = jax.lax.dot_general(
        lt, tot, (((1,), (0,)), ((), ())), preferred_element_type=jnp.float32)
    return cum_row + prev


def _make_pick(rows, shift):

    def pick(h_ref, sel_ref, out_ref):
        hs = jnp.sum(h_ref[...].astype(jnp.float32), axis=0)
        gic = jax.lax.broadcasted_iota(jnp.int32, (128, 8), 0)
        ggc = jax.lax.broadcasted_iota(jnp.int32, (128, 8), 1)
        red = (jax.lax.shift_right_logical(gic, 4) == ggc).astype(jnp.float32)
        hg = jax.lax.dot_general(
            hs, red, (((1,), (0,)), ((), ())),
            preferred_element_type=jnp.float32)
        cum = _rowmajor_cum(hg, rows, 8)
        prev_rank = sel_ref[1, 0]
        r1 = prev_rank.astype(jnp.float32) + 1.0
        lin = (jax.lax.broadcasted_iota(jnp.int32, (rows, 8), 0) * 8
               + jax.lax.broadcasted_iota(jnp.int32, (rows, 8), 1))
        mask = cum >= r1
        bsel = jnp.min(jnp.where(mask, lin, jnp.int32(2 ** 30)))
        cum_at_b = jnp.min(jnp.where(mask, cum, jnp.float32(3e8)))
        hist_at_b = jnp.sum(jnp.where(lin == bsel, hg, 0.0))
        count_below = (cum_at_b - hist_at_b).astype(jnp.int32)
        new_rank = prev_rank - count_below
        new_prefix = jnp.left_shift(sel_ref[0, 0], shift) | bsel
        rowi = jax.lax.broadcasted_iota(jnp.int32, (2, LANES), 0)
        out_ref[...] = jnp.where(rowi == 0, new_prefix, new_rank)

    return pick


def _sage_kernel(eps_ref, bits_ref, h_ref, h_blk_ref, wl_ref, bl_ref,
                 wr_ref, wo_ref, bo_ref, out_ref):
    eps = eps_ref[0]
    mask = (bits_ref[...] >= eps).astype(jnp.float32)
    deg = jnp.sum(mask, axis=1, keepdims=True)
    aggn = jnp.dot(mask, h_ref[...], preferred_element_type=jnp.float32)
    agg = aggn / jnp.maximum(deg, 1.0)
    z = (
        jax.lax.dot_general(
            agg, wl_ref[...], (((1,), (1,)), ((), ())),
            preferred_element_type=jnp.float32,
        )
        + bl_ref[...]
        + jax.lax.dot_general(
            h_blk_ref[...], wr_ref[...], (((1,), (1,)), ((), ())),
            preferred_element_type=jnp.float32,
        )
    )
    h2 = jnp.maximum(z, 0.0)
    o = jax.lax.dot_general(
        h2, wo_ref[...], (((1,), (1,)), ((), ())),
        preferred_element_type=jnp.float32,
    ) + bo_ref[...]
    out_ref[...] = jax.nn.sigmoid(o)


@jax.jit
def kernel(x, W_in, W_l, b_l, W_r, W_out, b_out):
    xn, h = pl.pallas_call(
        _prep_kernel,
        out_shape=(
            jax.ShapeDtypeStruct((N, D), jnp.float32),
            jax.ShapeDtypeStruct((N, D), jnp.float32),
        ),
    )(x, W_in)

    bits = pl.pallas_call(
        _sim_kernel,
        grid=(NB,),
        in_specs=[
            pl.BlockSpec((BM, D), lambda i: (i, 0)),
            pl.BlockSpec((N, D), lambda i: (0, 0)),
        ],
        out_specs=pl.BlockSpec((BM, N), lambda i: (i, 0)),
        out_shape=jax.ShapeDtypeStruct((N, N), jnp.int32),
    )(xn, xn)

    mesh = plsc.VectorSubcoreMesh(core_axis_name="c", subcore_axis_name="s")
    bits_flat = bits.reshape(-1)

    def sc_hist(sel, shift, binmask, match_shift, nbins):
        return functools.partial(
            pl.kernel,
            out_type=jax.ShapeDtypeStruct((NW, nbins * LANES), jnp.int32),
            mesh=mesh,
            compiler_params=_SC_CP,
            scratch_types=[
                pltpu.VMEM((nbins * LANES,), jnp.int32),
                pltpu.VMEM((2, LANES), jnp.int32),
                pltpu.SemaphoreType.DMA,
            ],
        )(_make_sc_hist(shift, binmask, match_shift, nbins))(bits_flat, sel)

    def pick(h, sel, rows, shift):
        return pl.pallas_call(
            _make_pick(rows, shift),
            in_specs=[
                pl.BlockSpec((NW, rows, 128), lambda: (0, 0, 0)),
                pl.BlockSpec(memory_space=pltpu.SMEM),
            ],
            out_shape=jax.ShapeDtypeStruct((2, LANES), jnp.int32),
        )(h.reshape(NW, rows, 128), sel)

    sel0 = jnp.concatenate([
        jnp.zeros((1, LANES), jnp.int32),
        jnp.full((1, LANES), K_IDX, jnp.int32),
    ])
    h1 = sc_hist(sel0, 20, 2047, 31, H1_ROWS * 8)
    sel1 = pick(h1, sel0, H1_ROWS, 11)
    h2 = sc_hist(sel1, 10, 1023, 20, H2_ROWS * 8)
    sel2 = pick(h2, sel1, H2_ROWS, 10)
    h3 = sc_hist(sel2, 0, 1023, 10, H2_ROWS * 8)
    sel3 = pick(h3, sel2, H2_ROWS, 10)
    eps_bits = jax.lax.slice(sel3, (0, 0), (1, 1))

    out = pl.pallas_call(
        _sage_kernel,
        grid=(NB,),
        in_specs=[
            pl.BlockSpec(memory_space=pltpu.SMEM),
            pl.BlockSpec((BM, N), lambda i: (i, 0)),
            pl.BlockSpec((N, D), lambda i: (0, 0)),
            pl.BlockSpec((BM, D), lambda i: (i, 0)),
            pl.BlockSpec((D, D), lambda i: (0, 0)),
            pl.BlockSpec((1, D), lambda i: (0, 0)),
            pl.BlockSpec((D, D), lambda i: (0, 0)),
            pl.BlockSpec((D_OUT, D), lambda i: (0, 0)),
            pl.BlockSpec((1, D_OUT), lambda i: (0, 0)),
        ],
        out_specs=pl.BlockSpec((BM, D_OUT), lambda i: (i, 0)),
        out_shape=jax.ShapeDtypeStruct((N, D_OUT), jnp.float32),
    )(
        eps_bits.reshape(-1), bits, h, h,
        W_l, b_l.reshape(1, D), W_r, W_out, b_out.reshape(1, D_OUT),
    )
    return out

# --- scband reference (transcript-rebuilt; emitter-appended) ---
"""Pipeline reference for scband-graph-conv-net-40140764348830 (READ-ONLY COPY).

The authoritative reference and input builder live on the scoring server;
editing this copy changes nothing except your own understanding.
"""

import jax, jax.numpy as jnp
import numpy as np

N = 4096
D_IN = 128
HID = [128, 128]
D_OUT = 64
ALPHA = 0.99


def setup_inputs(seed: int = 0) -> dict:
    key = jax.random.key(seed)
    ks = jax.random.split(key, 8)
    x = jax.random.normal(ks[0], (N, D_IN), dtype=jnp.float32)
    W_in = jax.random.normal(ks[1], (HID[0], D_IN), dtype=jnp.float32) * 0.05
    W_l = jax.random.normal(ks[2], (HID[1], HID[0]), dtype=jnp.float32) * 0.05
    b_l = jnp.zeros((HID[1],), dtype=jnp.float32)
    W_r = jax.random.normal(ks[3], (HID[1], HID[0]), dtype=jnp.float32) * 0.05
    W_out = jax.random.normal(ks[4], (D_OUT, HID[1]), dtype=jnp.float32) * 0.05
    b_out = jnp.zeros((D_OUT,), dtype=jnp.float32)
    return {"x": x, "W_in": W_in, "W_l": W_l, "b_l": b_l, "W_r": W_r, "W_out": W_out, "b_out": b_out}


def _create_edge_index(x, alpha):
    # abs cosine similarity matrix [N, N] (torch F.cosine_similarity with eps=1e-8)
    norm = jnp.linalg.norm(x, axis=-1, keepdims=True)
    xn = x / jnp.maximum(norm, 1e-8)
    sim = jnp.abs(xn @ xn.T)
    s = jnp.sort(sim.reshape(-1))
    eps = jnp.quantile(s, alpha, method="nearest")
    adj = sim >= eps
    return adj


def reference(x, W_in, W_l, b_l, W_r, W_out, b_out):
    adj = _create_edge_index(x, ALPHA)
    # input linear (no bias) + relu
    h = jax.nn.relu(x @ W_in.T)
    # SAGEConv with mean aggregation: out = lin_l(mean_neigh) + b_l + lin_r(x_self)
    a = adj.astype(jnp.float32)
    deg = jnp.sum(a, axis=0)
    agg = (a.T @ h) / jnp.maximum(deg, 1.0)[:, None]
    h2 = jax.nn.relu(agg @ W_l.T + b_l + h @ W_r.T)
    out = jax.nn.sigmoid(h2 @ W_out.T + b_out)
    return out

if __name__ == "__main__":
    import jax
    _d = setup_inputs()
    print(jax.jit(kernel)(*tuple(_d.values())))

</pallas_src>

<mosaic_0001>
#map = affine_map<(d0, d1) -> (0)>
#map1 = affine_map<(d0, d1) -> (0, 0)>
module attributes {stable_mosaic.version = 14 : i64} {
  func.func @sc_hist(%arg0: i32, %arg1: i32, %arg2: memref<16777216xi32, #tpu.memory_space<hbm>>, %arg3: memref<2x16xi32, #tpu.memory_space<hbm>>, %arg4: memref<32x16384xi32, #tpu.memory_space<hbm>>, %arg5: memref<16384xi32, #tpu.memory_space<vmem>>, %arg6: memref<2x16xi32, #tpu.memory_space<vmem>>, %arg7: memref<!tpu.dma_semaphore, #tpu.memory_space<semaphore_mem>>) attributes {dimension_semantics = [#tpu.dimension_semantics<core_parallel>, #tpu.dimension_semantics<subcore_parallel>], iteration_bounds = array<i64: 2, 16>, scalar_prefetch = 0 : i64, scratch_operands = 3 : i64, tpu.core_type = #tpu.core_type<sc_vector_subcore>, window_params = [{transform_indices = #map}, {transform_indices = #map1}, {transform_indices = #map1}]} {
    %mul3A = arith.constant 2 : i32
    %mul3A_0 = arith.muli %arg1, %mul3A : i32
    %add3A = arith.addi %mul3A_0, %arg0 : i32
    tpu.enqueue_dma source(%arg3 : memref<2x16xi32, #tpu.memory_space<hbm>>) target(%arg6 : memref<2x16xi32, #tpu.memory_space<vmem>>) target_semaphore(%arg7 : memref<!tpu.dma_semaphore, #tpu.memory_space<semaphore_mem>>)
    tpu.wait_dma2 semaphore(%arg7 : memref<!tpu.dma_semaphore, #tpu.memory_space<semaphore_mem>>) src(%arg3 : memref<2x16xi32, #tpu.memory_space<hbm>>) dst(%arg6 : memref<2x16xi32, #tpu.memory_space<vmem>>)
    %broadcast_in_dim3A = arith.constant 0 : i32
    %broadcast_in_dim3A_1 = vector.broadcast %broadcast_in_dim3A : i32 to vector<16xi32>
    %scan3A = arith.constant 0 : i32
    %scan3A_2 = arith.constant 64 : i32
    %scan3A_3 = arith.addi %scan3A, %scan3A_2 : i32
    %scan3A_4 = arith.constant 1 : i32
    scf.for %scan3A_32 = %scan3A to %scan3A_3 step %scan3A_4  : i32 {
      %mul3A_33 = arith.constant 256 : i32
      %mul3A_34 = arith.muli %scan3A_32, %mul3A_33 : i32
      %add3A_35 = arith.constant 0 : i32
      %add3A_36 = arith.addi %add3A_35, %mul3A_34 : i32
      %add3A_37 = arith.constant 0 : i32
      %add3A_38 = arith.addi %add3A_36, %add3A_37 : i32
      %swap3A = arith.index_cast %add3A_38 : i32 to index
      %swap3A_39 = tpu.vector_load %arg5[%swap3A] {strides = array<i32>} : memref<16384xi32, #tpu.memory_space<vmem>>, vector<16xi32>,
      tpu.vector_store %arg5[%swap3A], %broadcast_in_dim3A_1 {strides = array<i32>} : memref<16384xi32, #tpu.memory_space<vmem>>, vector<16xi32>,
      %add3A_40 = arith.constant 16 : i32
      %add3A_41 = arith.addi %add3A_36, %add3A_40 : i32
      %swap3A_42 = arith.index_cast %add3A_41 : i32 to index
      %swap3A_43 = tpu.vector_load %arg5[%swap3A_42] {strides = array<i32>} : memref<16384xi32, #tpu.memory_space<vmem>>, vector<16xi32>,
      tpu.vector_store %arg5[%swap3A_42], %broadcast_in_dim3A_1 {strides = array<i32>} : memref<16384xi32, #tpu.memory_space<vmem>>, vector<16xi32>,
      %add3A_44 = arith.constant 32 : i32
      %add3A_45 = arith.addi %add3A_36, %add3A_44 : i32
      %swap3A_46 = arith.index_cast %add3A_45 : i32 to index
      %swap3A_47 = tpu.vector_load %arg5[%swap3A_46] {strides = array<i32>} : memref<16384xi32, #tpu.memory_space<vmem>>, vector<16xi32>,
      tpu.vector_store %arg5[%swap3A_46], %broadcast_in_dim3A_1 {strides = array<i32>} : memref<16384xi32, #tpu.memory_space<vmem>>, vector<16xi32>,
      %add3A_48 = arith.constant 48 : i32
      %add3A_49 = arith.addi %add3A_36, %add3A_48 : i32
      %swap3A_50 = arith.index_cast %add3A_49 : i32 to index
      %swap3A_51 = tpu.vector_load %arg5[%swap3A_50] {strides = array<i32>} : memref<16384xi32, #tpu.memory_space<vmem>>, vector<16xi32>,
      tpu.vector_store %arg5[%swap3A_50], %broadcast_in_dim3A_1 {strides = array<i32>} : memref<16384xi32, #tpu.memory_space<vmem>>, vector<16xi32>,
      %add3A_52 = arith.constant 64 : i32
      %add3A_53 = arith.addi %add3A_36, %add3A_52 : i32
      %swap3A_54 = arith.index_cast %add3A_53 : i32 to index
      %swap3A_55 = tpu.vector_load %arg5[%swap3A_54] {strides = array<i32>} : memref<16384xi32, #tpu.memory_space<vmem>>, vector<16xi32>,
      tpu.vector_store %arg5[%swap3A_54], %broadcast_in_dim3A_1 {strides = array<i32>} : memref<16384xi32, #tpu.memory_space<vmem>>, vector<16xi32>,
      %add3A_56 = arith.constant 80 : i32
      %add3A_57 = arith.addi %add3A_36, %add3A_56 : i32
      %swap3A_58 = arith.index_cast %add3A_57 : i32 to index
      %swap3A_59 = tpu.vector_load %arg5[%swap3A_58] {strides = array<i32>} : memref<16384xi32, #tpu.memory_space<vmem>>, vector<16xi32>,
      tpu.vector_store %arg5[%swap3A_58], %broadcast_in_dim3A_1 {strides = array<i32>} : memref<16384xi32, #tpu.memory_space<vmem>>, vector<16xi32>,
      %add3A_60 = arith.constant 96 : i32
      %add3A_61 = arith.addi %add3A_36, %add3A_60 : i32
      %swap3A_62 = arith.index_cast %add3A_61 : i32 to index
      %swap3A_63 = tpu.vector_load %arg5[%swap3A_62] {strides = array<i32>} : memref<16384xi32, #tpu.memory_space<vmem>>, vector<16xi32>,
      tpu.vector_store %arg5[%swap3A_62], %broadcast_in_dim3A_1 {strides = array<i32>} : memref<16384xi32, #tpu.memory_space<vmem>>, vector<16xi32>,
      %add3A_64 = arith.constant 112 : i32
      %add3A_65 = arith.addi %add3A_36, %add3A_64 : i32
      %swap3A_66 = arith.index_cast %add3A_65 : i32 to index
      %swap3A_67 = tpu.vector_load %arg5[%swap3A_66] {strides = array<i32>} : memref<16384xi32, #tpu.memory_space<vmem>>, vector<16xi32>,
      tpu.vector_store %arg5[%swap3A_66], %broadcast_in_dim3A_1 {strides = array<i32>} : memref<16384xi32, #tpu.memory_space<vmem>>, vector<16xi32>,
      %add3A_68 = arith.constant 128 : i32
      %add3A_69 = arith.addi %add3A_36, %add3A_68 : i32
      %swap3A_70 = arith.index_cast %add3A_69 : i32 to index
      %swap3A_71 = tpu.vector_load %arg5[%swap3A_70] {strides = array<i32>} : memref<16384xi32, #tpu.memory_space<vmem>>, vector<16xi32>,
      tpu.vector_store %arg5[%swap3A_70], %broadcast_in_dim3A_1 {strides = array<i32>} : memref<16384xi32, #tpu.memory_space<vmem>>, vector<16xi32>,
      %add3A_72 = arith.constant 144 : i32
      %add3A_73 = arith.addi %add3A_36, %add3A_72 : i32
      %swap3A_74 = arith.index_cast %add3A_73 : i32 to index
      %swap3A_75 = tpu.vector_load %arg5[%swap3A_74] {strides = array<i32>} : memref<16384xi32, #tpu.memory_space<vmem>>, vector<16xi32>,
      tpu.vector_store %arg5[%swap3A_74], %broadcast_in_dim3A_1 {strides = array<i32>} : memref<16384xi32, #tpu.memory_space<vmem>>, vector<16xi32>,
      %add3A_76 = arith.constant 160 : i32
      %add3A_77 = arith.addi %add3A_36, %add3A_76 : i32
      %swap3A_78 = arith.index_cast %add3A_77 : i32 to index
      %swap3A_79 = tpu.vector_load %arg5[%swap3A_78] {strides = array<i32>} : memref<16384xi32, #tpu.memory_space<vmem>>, vector<16xi32>,
      tpu.vector_store %arg5[%swap3A_78], %broadcast_in_dim3A_1 {strides = array<i32>} : memref<16384xi32, #tpu.memory_space<vmem>>, vector<16xi32>,
      %add3A_80 = arith.constant 176 : i32
      %add3A_81 = arith.addi %add3A_36, %add3A_80 : i32
      %swap3A_82 = arith.index_cast %add3A_81 : i32 to index
      %swap3A_83 = tpu.vector_load %arg5[%swap3A_82] {strides = array<i32>} : memref<16384xi32, #tpu.memory_space<vmem>>, vector<16xi32>,
      tpu.vector_store %arg5[%swap3A_82], %broadcast_in_dim3A_1 {strides = array<i32>} : memref<16384xi32, #tpu.memory_space<vmem>>, vector<16xi32>,
      %add3A_84 = arith.constant 192 : i32
      %add3A_85 = arith.addi %add3A_36, %add3A_84 : i32
      %swap3A_86 = arith.index_cast %add3A_85 : i32 to index
      %swap3A_87 = tpu.vector_load %arg5[%swap3A_86] {strides = array<i32>} : memref<16384xi32, #tpu.memory_space<vmem>>, vector<16xi32>,
      tpu.vector_store %arg5[%swap3A_86], %broadcast_in_dim3A_1 {strides = array<i32>} : memref<16384xi32, #tpu.memory_space<vmem>>, vector<16xi32>,
      %add3A_88 = arith.constant 208 : i32
      %add3A_89 = arith.addi %add3A_36, %add3A_88 : i32
      %swap3A_90 = arith.index_cast %add3A_89 : i32 to index
      %swap3A_91 = tpu.vector_load %arg5[%swap3A_90] {strides = array<i32>} : memref<16384xi32, #tpu.memory_space<vmem>>, vector<16xi32>,
      tpu.vector_store %arg5[%swap3A_90], %broadcast_in_dim3A_1 {strides = array<i32>} : memref<16384xi32, #tpu.memory_space<vmem>>, vector<16xi32>,
      %add3A_92 = arith.constant 224 : i32
      %add3A_93 = arith.addi %add3A_36, %add3A_92 : i32
      %swap3A_94 = arith.index_cast %add3A_93 : i32 to index
      %swap3A_95 = tpu.vector_load %arg5[%swap3A_94] {strides = array<i32>} : memref<16384xi32, #tpu.memory_space<vmem>>, vector<16xi32>,
      tpu.vector_store %arg5[%swap3A_94], %broadcast_in_dim3A_1 {strides = array<i32>} : memref<16384xi32, #tpu.memory_space<vmem>>, vector<16xi32>,
      %add3A_96 = arith.constant 240 : i32
      %add3A_97 = arith.addi %add3A_36, %add3A_96 : i32
      %swap3A_98 = arith.index_cast %add3A_97 : i32 to index
      %swap3A_99 = tpu.vector_load %arg5[%swap3A_98] {strides = array<i32>} : memref<16384xi32, #tpu.memory_space<vmem>>, vector<16xi32>,
      tpu.vector_store %arg5[%swap3A_98], %broadcast_in_dim3A_1 {strides = array<i32>} : memref<16384xi32, #tpu.memory_space<vmem>>, vector<16xi32>,
    }
    %scan3A_5 = arith.constant 64 : i32
    %broadcast_in_dim3A_6 = arith.constant 1 : i32
    %broadcast_in_dim3A_7 = vector.broadcast %broadcast_in_dim3A_6 : i32 to vector<16xi32>
    %iota3A = tpu.iota {dimensions = array<i32: 0>} : vector<16xi32>
    %broadcast_in_dim3A_8 = arith.constant 1023 : i32
    %broadcast_in_dim3A_9 = vector.broadcast %broadcast_in_dim3A_8 : i32 to vector<16xi32>
    %get3A = arith.constant 0 : i32
    %get3A_10 = arith.index_cast %get3A : i32 to index
    %get3A_11 = arith.constant 0 : index
    %get3A_12 = tpu.vector_load %arg6[%get3A_10, %get3A_11] {strides = array<i32>} : memref<2x16xi32, #tpu.memory_space<vmem>>, vector<16xi32>,
    %mul3A_13 = arith.constant 1 : i32
    %mul3A_14 = arith.muli %arg1, %mul3A_13 : i32
    %add3A_15 = arith.constant 0 : i32
    %add3A_16 = arith.addi %add3A_15, %mul3A_14 : i32
    %mul3A_17 = arith.constant 16 : i32
    %mul3A_18 = arith.muli %arg0, %mul3A_17 : i32
    %add3A_19 = arith.addi %add3A_16, %mul3A_18 : i32
    %mul3A_20 = arith.constant 32 : i32
    %mul3A_21 = arith.muli %add3A_19, %mul3A_20 : i32
    "tpu.region"() ({
      %run_scoped3A = memref.alloca() : memref<32768xi32, #tpu.memory_space<vmem>>
      %run_scoped3A_32 = tpu.sem_alloc : memref<2x!tpu.dma_semaphore, #tpu.memory_space<semaphore_mem>>
      %add3A_33 = arith.constant 0 : i32
      %add3A_34 = arith.addi %add3A_33, %mul3A_21 : i32
      %select_n3A = arith.constant true
      %select_n3A_35 = arith.constant 0 : i32
      %select_n3A_36 = arith.constant -1 : i32
      %select_n3A_37 = arith.select %select_n3A, %select_n3A_36, %select_n3A_35 : i32
      %eq3A = arith.constant -1 : i32
      %eq3A_38 = arith.cmpi eq, %select_n3A_37, %eq3A : i32
      %select_n3A_39 = arith.constant 31 : i32
      %select_n3A_40 = arith.select %eq3A_38, %select_n3A_39, %select_n3A_37 : i32
      %add3A_41 = arith.addi %select_n3A_40, %mul3A_21 : i32
      %select_n3A_42 = arith.constant true
      %select_n3A_43 = arith.constant 0 : i32
      %select_n3A_44 = arith.constant 1 : i32
      %select_n3A_45 = arith.select %select_n3A_42, %select_n3A_44, %select_n3A_43 : i32
      %eq3A_46 = arith.constant 32 : i32
      %eq3A_47 = arith.cmpi eq, %select_n3A_45, %eq3A_46 : i32
      %select_n3A_48 = arith.constant 0 : i32
      %select_n3A_49 = arith.select %eq3A_47, %select_n3A_48, %select_n3A_45 : i32
      %add3A_50 = arith.addi %select_n3A_49, %mul3A_21 : i32
      %add3A_51 = arith.constant 1 : i32
      %add3A_52 = arith.addi %select_n3A_49, %add3A_51 : i32
      %select_n3A_53 = arith.constant true
      %select_n3A_54 = arith.select %select_n3A_53, %add3A_52, %select_n3A_49 : i32
      %eq3A_55 = arith.constant 32 : i32
      %eq3A_56 = arith.cmpi eq, %select_n3A_54, %eq3A_55 : i32
      %select_n3A_57 = arith.constant 0 : i32
      %select_n3A_58 = arith.select %eq3A_56, %select_n3A_57, %select_n3A_54 : i32
      %add3A_59 = arith.addi %select_n3A_58, %mul3A_21 : i32
      "tpu.trace_start"() <{level = 10 : i32, message = "ep_initialize_0"}> : () -> ()
      %rem3A = arith.constant 0 : i32
      %rem3A_60 = arith.constant 2 : i32
      %rem3A_61 = arith.remui %rem3A, %rem3A_60 : i32
      %mul3A_62 = arith.constant 16384 : i32
      %mul3A_63 = arith.muli %mul3A_62, %add3A_34 : i32
      %mul3A_64 = arith.constant 16384 : i32
      %mul3A_65 = arith.muli %rem3A_61, %mul3A_64 : i32
      %add3A_66 = arith.constant 0 : i32
      %add3A_67 = arith.addi %mul3A_65, %add3A_66 : i32
      %dma_start3A_68 = tpu.memref_slice %run_scoped3A[%add3A_67] : memref<32768xi32, #tpu.memory_space<vmem>> -> memref<16384xi32, #tpu.memory_space<vmem>>
      %dma_start3A_69 = tpu.memref_slice %arg2[%mul3A_63] : memref<16777216xi32, #tpu.memory_space<hbm>> -> memref<16384xi32, #tpu.memory_space<hbm>>
      %dma_start3A_70 = tpu.memref_slice %run_scoped3A_32[%rem3A_61] : memref<2x!tpu.dma_semaphore, #tpu.memory_space<semaphore_mem>> -> memref<1x!tpu.dma_semaphore, #tpu.memory_space<semaphore_mem>>
      %dma_start3A_71 = tpu.memref_squeeze %dma_start3A_70 : memref<1x!tpu.dma_semaphore, #tpu.memory_space<semaphore_mem>> -> memref<!tpu.dma_semaphore, #tpu.memory_space<semaphore_mem>>
      %dma_start3A_72 = tpu.memref_slice %run_scoped3A[%add3A_67] : memref<32768xi32, #tpu.memory_space<vmem>> -> memref<16384xi32, #tpu.memory_space<vmem>>
      %dma_start3A_73 = tpu.memref_slice %arg2[%mul3A_63] : memref<16777216xi32, #tpu.memory_space<hbm>> -> memref<16384xi32, #tpu.memory_space<hbm>>
      tpu.enqueue_dma source(%dma_start3A_73 : memref<16384xi32, #tpu.memory_space<hbm>>) target(%dma_start3A_72 : memref<16384xi32, #tpu.memory_space<vmem>>) target_semaphore(%dma_start3A_71 : memref<!tpu.dma_semaphore, #tpu.memory_space<semaphore_mem>>)
      %add3A_74 = arith.constant 0 : i32
      %add3A_75 = arith.constant 1 : i32
      %add3A_76 = arith.addi %add3A_74, %add3A_75 : i32
      %select_n3A_77 = arith.constant true
      %select_n3A_78 = arith.constant 0 : i32
      %select_n3A_79 = arith.select %select_n3A_77, %add3A_76, %select_n3A_78 : i32
      "tpu.trace_stop"() : () -> ()
      %scan3A_80 = arith.constant 0 : i32
      %scan3A_81 = arith.constant 0 : i32
      %scan3A_82 = arith.constant 0 : i32
      %scan3A_83 = arith.constant 32 : i32
      %scan3A_84 = arith.addi %scan3A_82, %scan3A_83 : i32
      %scan3A_85 = arith.constant 1 : i32
      %scan3A_86:3 = scf.for %scan3A_123 = %scan3A_82 to %scan3A_84 step %scan3A_85 iter_args(%scan3A_124 = %select_n3A_79, %scan3A_125 = %scan3A_80, %scan3A_126 = %scan3A_81) -> (i32, i32, i32)  : i32 {
        %eq3A_127 = arith.constant 0 : i32
        %eq3A_128 = arith.cmpi eq, %scan3A_123, %eq3A_127 : i32
        %eq3A_129 = arith.constant 31 : i32
        %eq3A_130 = arith.cmpi eq, %scan3A_123, %eq3A_129 : i32
        %add3A_131 = arith.addi %scan3A_126, %mul3A_21 : i32
        %sub3A_132 = arith.constant 1 : i32
        %sub3A_133 = arith.subi %scan3A_126, %sub3A_132 : i32
        %select_n3A_134 = arith.constant true
        %select_n3A_135 = arith.select %select_n3A_134, %sub3A_133, %scan3A_126 : i32
        %eq3A_136 = arith.constant -1 : i32
        %eq3A_137 = arith.cmpi eq, %select_n3A_135, %eq3A_136 : i32
        %select_n3A_138 = arith.constant 31 : i32
        %select_n3A_139 = arith.select %eq3A_137, %select_n3A_138, %select_n3A_135 : i32
        %add3A_140 = arith.addi %select_n3A_139, %mul3A_21 : i32
        %add3A_141 = arith.constant 1 : i32
        %add3A_142 = arith.addi %scan3A_126, %add3A_141 : i32
        %select_n3A_143 = arith.constant true
        %select_n3A_144 = arith.select %select_n3A_143, %add3A_142, %scan3A_126 : i32
        %eq3A_145 = arith.constant 32 : i32
        %eq3A_146 = arith.cmpi eq, %select_n3A_144, %eq3A_145 : i32
        %select_n3A_147 = arith.constant 0 : i32
        %select_n3A_148 = arith.select %eq3A_146, %select_n3A_147, %select_n3A_144 : i32
        %add3A_149 = arith.addi %select_n3A_148, %mul3A_21 : i32
        %add3A_150 = arith.constant 1 : i32
        %add3A_151 = arith.addi %select_n3A_148, %add3A_150 : i32
        %select_n3A_152 = arith.constant true
        %select_n3A_153 = arith.select %select_n3A_152, %add3A_151, %select_n3A_148 : i32
        %eq3A_154 = arith.constant 32 : i32
        %eq3A_155 = arith.cmpi eq, %select_n3A_153, %eq3A_154 : i32
        %select_n3A_156 = arith.constant 0 : i32
        %select_n3A_157 = arith.select %eq3A_155, %select_n3A_156, %select_n3A_153 : i32
        %add3A_158 = arith.addi %select_n3A_157, %mul3A_21 : i32
        %ne3A = arith.cmpi ne, %add3A_131, %add3A_149 : i32
        %or3A = arith.constant false
        %or3A_159 = arith.ori %or3A, %ne3A : i1
        %ge3A = arith.constant 31 : i32
        %ge3A_160 = arith.cmpi sge, %scan3A_123, %ge3A : i32
        %not3A = arith.constant true
        %not3A_161 = arith.xori %ge3A_160, %not3A : i1
        %and3A = arith.andi %or3A_159, %not3A_161 : i1
        %convert_element_type3A = arith.extui %and3A : i1 to i32
        %cond3A = arith.constant 0 : i32
        %cond3A_162 = arith.cmpi ne, %convert_element_type3A, %cond3A : i32
        scf.if %cond3A_162 {
          "tpu.trace_start"() <{level = 10 : i32, message = "ep_copy_in"}> : () -> ()
          %rem3A_219 = arith.constant 2 : i32
          %rem3A_220 = arith.remui %scan3A_124, %rem3A_219 : i32
          %mul3A_221 = arith.constant 16384 : i32
          %mul3A_222 = arith.muli %mul3A_221, %add3A_149 : i32
          %mul3A_223 = arith.constant 16384 : i32
          %mul3A_224 = arith.muli %rem3A_220, %mul3A_223 : i32
          %add3A_225 = arith.constant 0 : i32
          %add3A_226 = arith.addi %mul3A_224, %add3A_225 : i32
          %dma_start3A_227 = tpu.memref_slice %run_scoped3A[%add3A_226] : memref<32768xi32, #tpu.memory_space<vmem>> -> memref<16384xi32, #tpu.memory_space<vmem>>
          %dma_start3A_228 = tpu.memref_slice %arg2[%mul3A_222] : memref<16777216xi32, #tpu.memory_space<hbm>> -> memref<16384xi32, #tpu.memory_space<hbm>>
          %dma_start3A_229 = tpu.memref_slice %run_scoped3A_32[%rem3A_220] : memref<2x!tpu.dma_semaphore, #tpu.memory_space<semaphore_mem>> -> memref<1x!tpu.dma_semaphore, #tpu.memory_space<semaphore_mem>>
          %dma_start3A_230 = tpu.memref_squeeze %dma_start3A_229 : memref<1x!tpu.dma_semaphore, #tpu.memory_space<semaphore_mem>> -> memref<!tpu.dma_semaphore, #tpu.memory_space<semaphore_mem>>
          %dma_start3A_231 = tpu.memref_slice %run_scoped3A[%add3A_226] : memref<32768xi32, #tpu.memory_space<vmem>> -> memref<16384xi32, #tpu.memory_space<vmem>>
          %dma_start3A_232 = tpu.memref_slice %arg2[%mul3A_222] : memref<16777216xi32, #tpu.memory_space<hbm>> -> memref<16384xi32, #tpu.memory_space<hbm>>
          tpu.enqueue_dma source(%dma_start3A_232 : memref<16384xi32, #tpu.memory_space<hbm>>) target(%dma_start3A_231 : memref<16384xi32, #tpu.memory_space<vmem>>) target_semaphore(%dma_start3A_230 : memref<!tpu.dma_semaphore, #tpu.memory_space<semaphore_mem>>)
          "tpu.trace_stop"() : () -> ()
        } else {
        }
        %and3A_163 = arith.constant true
        %and3A_164 = arith.andi %and3A, %and3A_163 : i1
        %add3A_165 = arith.constant 1 : i32
        %add3A_166 = arith.addi %scan3A_124, %add3A_165 : i32
        %select_n3A_167 = arith.select %and3A_164, %add3A_166, %scan3A_124 : i32
        %ne3A_168 = arith.cmpi ne, %add3A_131, %add3A_140 : i32
        %or3A_169 = arith.constant false
        %or3A_170 = arith.ori %or3A_169, %ne3A_168 : i1
        %or3A_171 = arith.ori %or3A_170, %eq3A_128 : i1
        %convert_element_type3A_172 = arith.extui %or3A_171 : i1 to i32
        %cond3A_173 = arith.constant 0 : i32
        %cond3A_174 = arith.cmpi ne, %convert_element_type3A_172, %cond3A_173 : i32
        scf.if %cond3A_174 {
          "tpu.trace_start"() <{level = 10 : i32, message = "ep_wait_in"}> : () -> ()
          %mul3A_219 = arith.constant 16384 : i32
          %mul3A_220 = arith.muli %mul3A_219, %add3A_131 : i32
          %rem3A_221 = arith.constant 2 : i32
          %rem3A_222 = arith.remui %scan3A_125, %rem3A_221 : i32
          %mul3A_223 = arith.constant 16384 : i32
          %mul3A_224 = arith.muli %rem3A_222, %mul3A_223 : i32
          %add3A_225 = arith.constant 0 : i32
          %add3A_226 = arith.addi %mul3A_224, %add3A_225 : i32
          %dma_wait3A_227 = tpu.memref_slice %run_scoped3A[%add3A_226] : memref<32768xi32, #tpu.memory_space<vmem>> -> memref<16384xi32, #tpu.memory_space<vmem>>
          %dma_wait3A_228 = tpu.memref_slice %arg2[%mul3A_220] : memref<16777216xi32, #tpu.memory_space<hbm>> -> memref<16384xi32, #tpu.memory_space<hbm>>
          %dma_wait3A_229 = tpu.memref_slice %run_scoped3A_32[%rem3A_222] : memref<2x!tpu.dma_semaphore, #tpu.memory_space<semaphore_mem>> -> memref<1x!tpu.dma_semaphore, #tpu.memory_space<semaphore_mem>>
          %dma_wait3A_230 = tpu.memref_squeeze %dma_wait3A_229 : memref<1x!tpu.dma_semaphore, #tpu.memory_space<semaphore_mem>> -> memref<!tpu.dma_semaphore, #tpu.memory_space<semaphore_mem>>
          %dma_wait3A_231 = tpu.memref_slice %run_scoped3A[%add3A_226] : memref<32768xi32, #tpu.memory_space<vmem>> -> memref<16384xi32, #tpu.memory_space<vmem>>
          %dma_wait3A_232 = tpu.memref_slice %arg2[%mul3A_220] : memref<16777216xi32, #tpu.memory_space<hbm>> -> memref<16384xi32, #tpu.memory_space<hbm>>
          tpu.wait_dma2 semaphore(%dma_wait3A_230 : memref<!tpu.dma_semaphore, #tpu.memory_space<semaphore_mem>>) src(%dma_wait3A_232 : memref<16384xi32, #tpu.memory_space<hbm>>) dst(%dma_wait3A_231 : memref<16384xi32, #tpu.memory_space<vmem>>)
          "tpu.trace_stop"() : () -> ()
        } else {
        }
        %rem3A_175 = arith.constant 2 : i32
        %rem3A_176 = arith.remui %scan3A_125, %rem3A_175 : i32
        %mul3A_177 = arith.constant 16384 : i32
        %mul3A_178 = arith.muli %rem3A_176, %mul3A_177 : i32
        "tpu.trace_start"() <{level = 10 : i32, message = "ep_run_kernel"}> : () -> ()
        %scan3A_179 = arith.constant 0 : i32
        %scan3A_180 = arith.constant 128 : i32
        %scan3A_181 = arith.addi %scan3A_179, %scan3A_180 : i32
        %scan3A_182 = arith.constant 1 : i32
        scf.for %scan3A_219 = %scan3A_179 to %scan3A_181 step %scan3A_182  : i32 {
          %mul3A_220 = arith.constant 128 : i32
          %mul3A_221 = arith.muli %scan3A_219, %mul3A_220 : i32
          %add3A_222 = arith.constant 0 : i32
          %add3A_223 = arith.addi %add3A_222, %mul3A_221 : i32
          %add3A_224 = arith.constant 0 : i32
          %add3A_225 = arith.addi %add3A_223, %add3A_224 : i32
          %get3A_226 = tpu.memref_slice %run_scoped3A[%mul3A_178] : memref<32768xi32, #tpu.memory_space<vmem>> -> memref<16384xi32, #tpu.memory_space<vmem>>
          %get3A_227 = arith.index_cast %add3A_225 : i32 to index
          %get3A_228 = tpu.vector_load %get3A_226[%get3A_227] {strides = array<i32>} : memref<16384xi32, #tpu.memory_space<vmem>>, vector<16xi32>,
          %shift_right_logical3A = arith.constant 10 : i32
          %shift_right_logical3A_229 = vector.broadcast %shift_right_logical3A : i32 to vector<16xi32>
          %shift_right_logical3A_230 = arith.shrui %get3A_228, %shift_right_logical3A_229 : vector<16xi32>
          %shift_right_logical3A_231 = arith.constant 0 : i32
          %shift_right_logical3A_232 = vector.broadcast %shift_right_logical3A_231 : i32 to vector<16xi32>
          %shift_right_logical3A_233 = arith.shrui %get3A_228, %shift_right_logical3A_232 : vector<16xi32>
          %and3A_234 = arith.andi %shift_right_logical3A_233, %broadcast_in_dim3A_9 : vector<16xi32>
          %shift_left3A = arith.constant 4 : i32
          %shift_left3A_235 = vector.broadcast %shift_left3A : i32 to vector<16xi32>
          %shift_left3A_236 = arith.shli %and3A_234, %shift_left3A_235 : vector<16xi32>
          %add3A_237 = arith.addi %shift_left3A_236, %iota3A : vector<16xi32>
          %eq3A_238 = arith.cmpi eq, %shift_right_logical3A_230, %get3A_12 : vector<16xi32>
          tpu.vector_store_idx %arg5[%add3A_237], %broadcast_in_dim3A_7 masked %eq3A_238 {add = true} : memref<16384xi32, #tpu.memory_space<vmem>>[vector<16xi32>], vector<16xi32>, vector<16xi1>
          %add3A_239 = arith.constant 16 : i32
          %add3A_240 = arith.addi %add3A_223, %add3A_239 : i32
          %get3A_241 = tpu.memref_slice %run_scoped3A[%mul3A_178] : memref<32768xi32, #tpu.memory_space<vmem>> -> memref<16384xi32, #tpu.memory_space<vmem>>
          %get3A_242 = arith.index_cast %add3A_240 : i32 to index
          %get3A_243 = tpu.vector_load %get3A_241[%get3A_242] {strides = array<i32>} : memref<16384xi32, #tpu.memory_space<vmem>>, vector<16xi32>,
          %shift_right_logical3A_244 = arith.constant 10 : i32
          %shift_right_logical3A_245 = vector.broadcast %shift_right_logical3A_244 : i32 to vector<16xi32>
          %shift_right_logical3A_246 = arith.shrui %get3A_243, %shift_right_logical3A_245 : vector<16xi32>
          %shift_right_logical3A_247 = arith.constant 0 : i32
          %shift_right_logical3A_248 = vector.broadcast %shift_right_logical3A_247 : i32 to vector<16xi32>
          %shift_right_logical3A_249 = arith.shrui %get3A_243, %shift_right_logical3A_248 : vector<16xi32>
          %and3A_250 = arith.andi %shift_right_logical3A_249, %broadcast_in_dim3A_9 : vector<16xi32>
          %shift_left3A_251 = arith.constant 4 : i32
          %shift_left3A_252 = vector.broadcast %shift_left3A_251 : i32 to vector<16xi32>
          %shift_left3A_253 = arith.shli %and3A_250, %shift_left3A_252 : vector<16xi32>
          %add3A_254 = arith.addi %shift_left3A_253, %iota3A : vector<16xi32>
          %eq3A_255 = arith.cmpi eq, %shift_right_logical3A_246, %get3A_12 : vector<16xi32>
          tpu.vector_store_idx %arg5[%add3A_254], %broadcast_in_dim3A_7 masked %eq3A_255 {add = true} : memref<16384xi32, #tpu.memory_space<vmem>>[vector<16xi32>], vector<16xi32>, vector<16xi1>
          %add3A_256 = arith.constant 32 : i32
          %add3A_257 = arith.addi %add3A_223, %add3A_256 : i32
          %get3A_258 = tpu.memref_slice %run_scoped3A[%mul3A_178] : memref<32768xi32, #tpu.memory_space<vmem>> -> memref<16384xi32, #tpu.memory_space<vmem>>
          %get3A_259 = arith.index_cast %add3A_257 : i32 to index
          %get3A_260 = tpu.vector_load %get3A_258[%get3A_259] {strides = array<i32>} : memref<16384xi32, #tpu.memory_space<vmem>>, vector<16xi32>,
          %shift_right_logical3A_261 = arith.constant 10 : i32
          %shift_right_logical3A_262 = vector.broadcast %shift_right_logical3A_261 : i32 to vector<16xi32>
          %shift_right_logical3A_263 = arith.shrui %get3A_260, %shift_right_logical3A_262 : vector<16xi32>
          %shift_right_logical3A_264 = arith.constant 0 : i32
          %shift_right_logical3A_265 = vector.broadcast %shift_right_logical3A_264 : i32 to vector<16xi32>
          %shift_right_logical3A_266 = arith.shrui %get3A_260, %shift_right_logical3A_265 : vector<16xi32>
          %and3A_267 = arith.andi %shift_right_logical3A_266, %broadcast_in_dim3A_9 : vector<16xi32>
          %shift_left3A_268 = arith.constant 4 : i32
          %shift_left3A_269 = vector.broadcast %shift_left3A_268 : i32 to vector<16xi32>
          %shift_left3A_270 = arith.shli %and3A_267, %shift_left3A_269 : vector<16xi32>
          %add3A_271 = arith.addi %shift_left3A_270, %iota3A : vector<16xi32>
          %eq3A_272 = arith.cmpi eq, %shift_right_logical3A_263, %get3A_12 : vector<16xi32>
          tpu.vector_store_idx %arg5[%add3A_271], %broadcast_in_dim3A_7 masked %eq3A_272 {add = true} : memref<16384xi32, #tpu.memory_space<vmem>>[vector<16xi32>], vector<16xi32>, vector<16xi1>
          %add3A_273 = arith.constant 48 : i32
          %add3A_274 = arith.addi %add3A_223, %add3A_273 : i32
          %get3A_275 = tpu.memref_slice %run_scoped3A[%mul3A_178] : memref<32768xi32, #tpu.memory_space<vmem>> -> memref<16384xi32, #tpu.memory_space<vmem>>
          %get3A_276 = arith.index_cast %add3A_274 : i32 to index
          %get3A_277 = tpu.vector_load %get3A_275[%get3A_276] {strides = array<i32>} : memref<16384xi32, #tpu.memory_space<vmem>>, vector<16xi32>,
          %shift_right_logical3A_278 = arith.constant 10 : i32
          %shift_right_logical3A_279 = vector.broadcast %shift_right_logical3A_278 : i32 to vector<16xi32>
          %shift_right_logical3A_280 = arith.shrui %get3A_277, %shift_right_logical3A_279 : vector<16xi32>
          %shift_right_logical3A_281 = arith.constant 0 : i32
          %shift_right_logical3A_282 = vector.broadcast %shift_right_logical3A_281 : i32 to vector<16xi32>
          %shift_right_logical3A_283 = arith.shrui %get3A_277, %shift_right_logical3A_282 : vector<16xi32>
          %and3A_284 = arith.andi %shift_right_logical3A_283, %broadcast_in_dim3A_9 : vector<16xi32>
          %shift_left3A_285 = arith.constant 4 : i32
          %shift_left3A_286 = vector.broadcast %shift_left3A_285 : i32 to vector<16xi32>
          %shift_left3A_287 = arith.shli %and3A_284, %shift_left3A_286 : vector<16xi32>
          %add3A_288 = arith.addi %shift_left3A_287, %iota3A : vector<16xi32>
          %eq3A_289 = arith.cmpi eq, %shift_right_logical3A_280, %get3A_12 : vector<16xi32>
          tpu.vector_store_idx %arg5[%add3A_288], %broadcast_in_dim3A_7 masked %eq3A_289 {add = true} : memref<16384xi32, #tpu.memory_space<vmem>>[vector<16xi32>], vector<16xi32>, vector<16xi1>
          %add3A_290 = arith.constant 64 : i32
          %add3A_291 = arith.addi %add3A_223, %add3A_290 : i32
          %get3A_292 = tpu.memref_slice %run_scoped3A[%mul3A_178] : memref<32768xi32, #tpu.memory_space<vmem>> -> memref<16384xi32, #tpu.memory_space<vmem>>
          %get3A_293 = arith.index_cast %add3A_291 : i32 to index
          %get3A_294 = tpu.vector_load %get3A_292[%get3A_293] {strides = array<i32>} : memref<16384xi32, #tpu.memory_space<vmem>>, vector<16xi32>,
          %shift_right_logical3A_295 = arith.constant 10 : i32
          %shift_right_logical3A_296 = vector.broadcast %shift_right_logical3A_295 : i32 to vector<16xi32>
          %shift_right_logical3A_297 = arith.shrui %get3A_294, %shift_right_logical3A_296 : vector<16xi32>
          %shift_right_logical3A_298 = arith.constant 0 : i32
          %shift_right_logical3A_299 = vector.broadcast %shift_right_logical3A_298 : i32 to vector<16xi32>
          %shift_right_logical3A_300 = arith.shrui %get3A_294, %shift_right_logical3A_299 : vector<16xi32>
          %and3A_301 = arith.andi %shift_right_logical3A_300, %broadcast_in_dim3A_9 : vector<16xi32>
          %shift_left3A_302 = arith.constant 4 : i32
          %shift_left3A_303 = vector.broadcast %shift_left3A_302 : i32 to vector<16xi32>
          %shift_left3A_304 = arith.shli %and3A_301, %shift_left3A_303 : vector<16xi32>
          %add3A_305 = arith.addi %shift_left3A_304, %iota3A : vector<16xi32>
          %eq3A_306 = arith.cmpi eq, %shift_right_logical3A_297, %get3A_12 : vector<16xi32>
          tpu.vector_store_idx %arg5[%add3A_305], %broadcast_in_dim3A_7 masked %eq3A_306 {add = true} : memref<16384xi32, #tpu.memory_space<vmem>>[vector<16xi32>], vector<16xi32>, vector<16xi1>
          %add3A_307 = arith.constant 80 : i32
          %add3A_308 = arith.addi %add3A_223, %add3A_307 : i32
          %get3A_309 = tpu.memref_slice %run_scoped3A[%mul3A_178] : memref<32768xi32, #tpu.memory_space<vmem>> -> memref<16384xi32, #tpu.memory_space<vmem>>
          %get3A_310 = arith.index_cast %add3A_308 : i32 to index
          %get3A_311 = tpu.vector_load %get3A_309[%get3A_310] {strides = array<i32>} : memref<16384xi32, #tpu.memory_space<vmem>>, vector<16xi32>,
          %shift_right_logical3A_312 = arith.constant 10 : i32
          %shift_right_logical3A_313 = vector.broadcast %shift_right_logical3A_312 : i32 to vector<16xi32>
          %shift_right_logical3A_314 = arith.shrui %get3A_311, %shift_right_logical3A_313 : vector<16xi32>
          %shift_right_logical3A_315 = arith.constant 0 : i32
          %shift_right_logical3A_316 = vector.broadcast %shift_right_logical3A_315 : i32 to vector<16xi32>
          %shift_right_logical3A_317 = arith.shrui %get3A_311, %shift_right_logical3A_316 : vector<16xi32>
          %and3A_318 = arith.andi %shift_right_logical3A_317, %broadcast_in_dim3A_9 : vector<16xi32>
          %shift_left3A_319 = arith.constant 4 : i32
          %shift_left3A_320 = vector.broadcast %shift_left3A_319 : i32 to vector<16xi32>
          %shift_left3A_321 = arith.shli %and3A_318, %shift_left3A_320 : vector<16xi32>
          %add3A_322 = arith.addi %shift_left3A_321, %iota3A : vector<16xi32>
          %eq3A_323 = arith.cmpi eq, %shift_right_logical3A_314, %get3A_12 : vector<16xi32>
          tpu.vector_store_idx %arg5[%add3A_322], %broadcast_in_dim3A_7 masked %eq3A_323 {add = true} : memref<16384xi32, #tpu.memory_space<vmem>>[vector<16xi32>], vector<16xi32>, vector<16xi1>
          %add3A_324 = arith.constant 96 : i32
          %add3A_325 = arith.addi %add3A_223, %add3A_324 : i32
          %get3A_326 = tpu.memref_slice %run_scoped3A[%mul3A_178] : memref<32768xi32, #tpu.memory_space<vmem>> -> memref<16384xi32, #tpu.memory_space<vmem>>
          %get3A_327 = arith.index_cast %add3A_325 : i32 to index
          %get3A_328 = tpu.vector_load %get3A_326[%get3A_327] {strides = array<i32>} : memref<16384xi32, #tpu.memory_space<vmem>>, vector<16xi32>,
          %shift_right_logical3A_329 = arith.constant 10 : i32
          %shift_right_logical3A_330 = vector.broadcast %shift_right_logical3A_329 : i32 to vector<16xi32>
          %shift_right_logical3A_331 = arith.shrui %get3A_328, %shift_right_logical3A_330 : vector<16xi32>
          %shift_right_logical3A_332 = arith.constant 0 : i32
          %shift_right_logical3A_333 = vector.broadcast %shift_right_logical3A_332 : i32 to vector<16xi32>
          %shift_right_logical3A_334 = arith.shrui %get3A_328, %shift_right_logical3A_333 : vector<16xi32>
          %and3A_335 = arith.andi %shift_right_logical3A_334, %broadcast_in_dim3A_9 : vector<16xi32>
          %shift_left3A_336 = arith.constant 4 : i32
          %shift_left3A_337 = vector.broadcast %shift_left3A_336 : i32 to vector<16xi32>
          %shift_left3A_338 = arith.shli %and3A_335, %shift_left3A_337 : vector<16xi32>
          %add3A_339 = arith.addi %shift_left3A_338, %iota3A : vector<16xi32>
          %eq3A_340 = arith.cmpi eq, %shift_right_logical3A_331, %get3A_12 : vector<16xi32>
          tpu.vector_store_idx %arg5[%add3A_339], %broadcast_in_dim3A_7 masked %eq3A_340 {add = true} : memref<16384xi32, #tpu.memory_space<vmem>>[vector<16xi32>], vector<16xi32>, vector<16xi1>
          %add3A_341 = arith.constant 112 : i32
          %add3A_342 = arith.addi %add3A_223, %add3A_341 : i32
          %get3A_343 = tpu.memref_slice %run_scoped3A[%mul3A_178] : memref<32768xi32, #tpu.memory_space<vmem>> -> memref<16384xi32, #tpu.memory_space<vmem>>
          %get3A_344 = arith.index_cast %add3A_342 : i32 to index
          %get3A_345 = tpu.vector_load %get3A_343[%get3A_344] {strides = array<i32>} : memref<16384xi32, #tpu.memory_space<vmem>>, vector<16xi32>,
          %shift_right_logical3A_346 = arith.constant 10 : i32
          %shift_right_logical3A_347 = vector.broadcast %shift_right_logical3A_346 : i32 to vector<16xi32>
          %shift_right_logical3A_348 = arith.shrui %get3A_345, %shift_right_logical3A_347 : vector<16xi32>
          %shift_right_logical3A_349 = arith.constant 0 : i32
          %shift_right_logical3A_350 = vector.broadcast %shift_right_logical3A_349 : i32 to vector<16xi32>
          %shift_right_logical3A_351 = arith.shrui %get3A_345, %shift_right_logical3A_350 : vector<16xi32>
          %and3A_352 = arith.andi %shift_right_logical3A_351, %broadcast_in_dim3A_9 : vector<16xi32>
          %shift_left3A_353 = arith.constant 4 : i32
          %shift_left3A_354 = vector.broadcast %shift_left3A_353 : i32 to vector<16xi32>
          %shift_left3A_355 = arith.shli %and3A_352, %shift_left3A_354 : vector<16xi32>
          %add3A_356 = arith.addi %shift_left3A_355, %iota3A : vector<16xi32>
          %eq3A_357 = arith.cmpi eq, %shift_right_logical3A_348, %get3A_12 : vector<16xi32>
          tpu.vector_store_idx %arg5[%add3A_356], %broadcast_in_dim3A_7 masked %eq3A_357 {add = true} : memref<16384xi32, #tpu.memory_space<vmem>>[vector<16xi32>], vector<16xi32>, vector<16xi1>
        }
        %scan3A_183 = arith.constant 128 : i32
        "tpu.trace_stop"() : () -> ()
        %ne3A_184 = arith.cmpi ne, %add3A_131, %add3A_149 : i32
        %or3A_185 = arith.constant false
        %or3A_186 = arith.ori %or3A_185, %ne3A_184 : i1
        %or3A_187 = arith.ori %or3A_186, %eq3A_130 : i1
        %convert_element_type3A_188 = arith.extui %or3A_187 : i1 to i32
        %cond3A_189 = arith.constant 0 : i32
        %cond3A_190 = arith.cmpi ne, %convert_element_type3A_188, %cond3A_189 : i32
        scf.if %cond3A_190 {
        } else {
        }
        %and3A_191 = arith.constant false
        %and3A_192 = arith.andi %or3A_187, %and3A_191 : i1
        %ne3A_193 = arith.cmpi ne, %add3A_131, %add3A_140 : i32
        %or3A_194 = arith.constant false
        %or3A_195 = arith.ori %or3A_194, %ne3A_193 : i1
        %not3A_196 = arith.constant true
        %not3A_197 = arith.xori %eq3A_128, %not3A_196 : i1
        %and3A_198 = arith.andi %or3A_195, %not3A_197 : i1
        %convert_element_type3A_199 = arith.extui %and3A_198 : i1 to i32
        %cond3A_200 = arith.constant 0 : i32
        %cond3A_201 = arith.cmpi ne, %convert_element_type3A_199, %cond3A_200 : i32
        scf.if %cond3A_201 {
        } else {
        }
        %and3A_202 = arith.constant false
        %and3A_203 = arith.andi %and3A_198, %and3A_202 : i1
        %ne3A_204 = arith.cmpi ne, %add3A_131, %add3A_149 : i32
        %or3A_205 = arith.constant false
        %or3A_206 = arith.ori %or3A_205, %ne3A_204 : i1
        %or3A_207 = arith.ori %or3A_206, %eq3A_130 : i1
        %add3A_208 = arith.constant 1 : i32
        %add3A_209 = arith.addi %scan3A_125, %add3A_208 : i32
        %select_n3A_210 = arith.select %or3A_207, %add3A_209, %scan3A_125 : i32
        %add3A_211 = arith.constant 1 : i32
        %add3A_212 = arith.addi %scan3A_126, %add3A_211 : i32
        %select_n3A_213 = arith.constant true
        %select_n3A_214 = arith.select %select_n3A_213, %add3A_212, %scan3A_126 : i32
        %eq3A_215 = arith.constant 32 : i32
        %eq3A_216 = arith.cmpi eq, %select_n3A_214, %eq3A_215 : i32
        %select_n3A_217 = arith.constant 0 : i32
        %select_n3A_218 = arith.select %eq3A_216, %select_n3A_217, %select_n3A_214 : i32
        scf.yield %select_n3A_167, %select_n3A_210, %select_n3A_218 : i32, i32, i32
      }
      %scan3A_87 = arith.constant 32 : i32
      %sub3A = arith.constant 1 : i32
      %sub3A_88 = arith.subi %scan3A_86#2, %sub3A : i32
      %select_n3A_89 = arith.constant true
      %select_n3A_90 = arith.select %select_n3A_89, %sub3A_88, %scan3A_86#2 : i32
      %eq3A_91 = arith.constant -1 : i32
      %eq3A_92 = arith.cmpi eq, %select_n3A_90, %eq3A_91 : i32
      %select_n3A_93 = arith.constant 31 : i32
      %select_n3A_94 = arith.select %eq3A_92, %select_n3A_93, %select_n3A_90 : i32
      %add3A_95 = arith.addi %select_n3A_94, %mul3A_21 : i32
      %sub3A_96 = arith.constant 1 : i32
      %sub3A_97 = arith.subi %select_n3A_94, %sub3A_96 : i32
      %select_n3A_98 = arith.constant true
      %select_n3A_99 = arith.select %select_n3A_98, %sub3A_97, %select_n3A_94 : i32
      %eq3A_100 = arith.constant -1 : i32
      %eq3A_101 = arith.cmpi eq, %select_n3A_99, %eq3A_100 : i32
      %select_n3A_102 = arith.constant 31 : i32
      %select_n3A_103 = arith.select %eq3A_101, %select_n3A_102, %select_n3A_99 : i32
      %add3A_104 = arith.addi %select_n3A_103, %mul3A_21 : i32
      %add3A_105 = arith.constant 1 : i32
      %add3A_106 = arith.addi %select_n3A_94, %add3A_105 : i32
      %select_n3A_107 = arith.constant true
      %select_n3A_108 = arith.select %select_n3A_107, %add3A_106, %select_n3A_94 : i32
      %eq3A_109 = arith.constant 32 : i32
      %eq3A_110 = arith.cmpi eq, %select_n3A_108, %eq3A_109 : i32
      %select_n3A_111 = arith.constant 0 : i32
      %select_n3A_112 = arith.select %eq3A_110, %select_n3A_111, %select_n3A_108 : i32
      %add3A_113 = arith.addi %select_n3A_112, %mul3A_21 : i32
      %add3A_114 = arith.constant 1 : i32
      %add3A_115 = arith.addi %select_n3A_112, %add3A_114 : i32
      %select_n3A_116 = arith.constant true
      %select_n3A_117 = arith.select %select_n3A_116, %add3A_115, %select_n3A_112 : i32
      %eq3A_118 = arith.constant 32 : i32
      %eq3A_119 = arith.cmpi eq, %select_n3A_117, %eq3A_118 : i32
      %select_n3A_120 = arith.constant 0 : i32
      %select_n3A_121 = arith.select %eq3A_119, %select_n3A_120, %select_n3A_117 : i32
      %add3A_122 = arith.addi %select_n3A_121, %mul3A_21 : i32
      tpu.yield
    }) : () -> ()
    %dma_start3A = arith.constant 0 : i32
    %dma_start3A_22 = tpu.memref_slice %arg4[%add3A, %dma_start3A] : memref<32x16384xi32, #tpu.memory_space<hbm>> -> memref<1x16384xi32, #tpu.memory_space<hbm>>
    %dma_start3A_23 = tpu.memref_squeeze %dma_start3A_22 : memref<1x16384xi32, #tpu.memory_space<hbm>> -> memref<16384xi32, #tpu.memory_space<hbm>>
    %dma_start3A_24 = arith.constant 0 : i32
    %dma_start3A_25 = tpu.memref_slice %arg4[%add3A, %dma_start3A_24] : memref<32x16384xi32, #tpu.memory_space<hbm>> -> memref<1x16384xi32, #tpu.memory_space<hbm>>
    %dma_start3A_26 = tpu.memref_squeeze %dma_start3A_25 : memref<1x16384xi32, #tpu.memory_space<hbm>> -> memref<16384xi32, #tpu.memory_space<hbm>>
    tpu.enqueue_dma source(%arg5 : memref<16384xi32, #tpu.memory_space<vmem>>) target(%dma_start3A_26 : memref<16384xi32, #tpu.memory_space<hbm>>) target_semaphore(%arg7 : memref<!tpu.dma_semaphore, #tpu.memory_space<semaphore_mem>>)
    %dma_wait3A = arith.constant 0 : i32
    %dma_wait3A_27 = tpu.memref_slice %arg4[%add3A, %dma_wait3A] : memref<32x16384xi32, #tpu.memory_space<hbm>> -> memref<1x16384xi32, #tpu.memory_space<hbm>>
    %dma_wait3A_28 = tpu.memref_squeeze %dma_wait3A_27 : memref<1x16384xi32, #tpu.memory_space<hbm>> -> memref<16384xi32, #tpu.memory_space<hbm>>
    %dma_wait3A_29 = arith.constant 0 : i32
    %dma_wait3A_30 = tpu.memref_slice %arg4[%add3A, %dma_wait3A_29] : memref<32x16384xi32, #tpu.memory_space<hbm>> -> memref<1x16384xi32, #tpu.memory_space<hbm>>
    %dma_wait3A_31 = tpu.memref_squeeze %dma_wait3A_30 : memref<1x16384xi32, #tpu.memory_space<hbm>> -> memref<16384xi32, #tpu.memory_space<hbm>>
    tpu.wait_dma2 semaphore(%arg7 : memref<!tpu.dma_semaphore, #tpu.memory_space<semaphore_mem>>) src(%arg5 : memref<16384xi32, #tpu.memory_space<vmem>>) dst(%dma_wait3A_31 : memref<16384xi32, #tpu.memory_space<hbm>>)
    return
  }
}

#map = affine_map<(d0, d1) -> (0)>
#map1 = affine_map<(d0, d1) -> (0, 0)>
module attributes {stable_mosaic.version = 14 : i64} {
  func.func @sc_hist(%arg0: i32, %arg1: i32, %arg2: memref<16777216xi32, #tpu.memory_space<hbm>>, %arg3: memref<2x16xi32, #tpu.memory_space<hbm>>, %arg4: memref<32x16384xi32, #tpu.memory_space<hbm>>, %arg5: memref<16384xi32, #tpu.memory_space<vmem>>, %arg6: memref<2x16xi32, #tpu.memory_space<vmem>>, %arg7: memref<!tpu.dma_semaphore, #tpu.memory_space<semaphore_mem>>) attributes {dimension_semantics = [#tpu.dimension_semantics<core_parallel>, #tpu.dimension_semantics<subcore_parallel>], iteration_bounds = array<i64: 2, 16>, scalar_prefetch = 0 : i64, scratch_operands = 3 : i64, tpu.core_type = #tpu.core_type<sc_vector_subcore>, window_params = [{transform_indices = #map}, {transform_indices = #map1}, {transform_indices = #map1}]} {
    %mul3A = arith.constant 2 : i32
    %mul3A_0 = arith.muli %arg1, %mul3A : i32
    %add3A = arith.addi %mul3A_0, %arg0 : i32
    tpu.enqueue_dma source(%arg3 : memref<2x16xi32, #tpu.memory_space<hbm>>) target(%arg6 : memref<2x16xi32, #tpu.memory_space<vmem>>) target_semaphore(%arg7 : memref<!tpu.dma_semaphore, #tpu.memory_space<semaphore_mem>>)
    tpu.wait_dma2 semaphore(%arg7 : memref<!tpu.dma_semaphore, #tpu.memory_space<semaphore_mem>>) src(%arg3 : memref<2x16xi32, #tpu.memory_space<hbm>>) dst(%arg6 : memref<2x16xi32, #tpu.memory_space<vmem>>)
    %broadcast_in_dim3A = arith.constant 0 : i32
    %broadcast_in_dim3A_1 = vector.broadcast %broadcast_in_dim3A : i32 to vector<16xi32>
    %scan3A = arith.constant 0 : i32
    %scan3A_2 = arith.constant 64 : i32
    %scan3A_3 = arith.addi %scan3A, %scan3A_2 : i32
    %scan3A_4 = arith.constant 1 : i32
    scf.for %scan3A_32 = %scan3A to %scan3A_3 step %scan3A_4  : i32 {
      %mul3A_33 = arith.constant 256 : i32
      %mul3A_34 = arith.muli %scan3A_32, %mul3A_33 : i32
      %add3A_35 = arith.constant 0 : i32
      %add3A_36 = arith.addi %add3A_35, %mul3A_34 : i32
      %add3A_37 = arith.constant 0 : i32
      %add3A_38 = arith.addi %add3A_36, %add3A_37 : i32
      %swap3A = arith.index_cast %add3A_38 : i32 to index
      %swap3A_39 = tpu.vector_load %arg5[%swap3A] {strides = array<i32>} : memref<16384xi32, #tpu.memory_space<vmem>>, vector<16xi32>,
      tpu.vector_store %arg5[%swap3A], %broadcast_in_dim3A_1 {strides = array<i32>} : memref<16384xi32, #tpu.memory_space<vmem>>, vector<16xi32>,
      %add3A_40 = arith.constant 16 : i32
      %add3A_41 = arith.addi %add3A_36, %add3A_40 : i32
      %swap3A_42 = arith.index_cast %add3A_41 : i32 to index
      %swap3A_43 = tpu.vector_load %arg5[%swap3A_42] {strides = array<i32>} : memref<16384xi32, #tpu.memory_space<vmem>>, vector<16xi32>,
      tpu.vector_store %arg5[%swap3A_42], %broadcast_in_dim3A_1 {strides = array<i32>} : memref<16384xi32, #tpu.memory_space<vmem>>, vector<16xi32>,
      %add3A_44 = arith.constant 32 : i32
      %add3A_45 = arith.addi %add3A_36, %add3A_44 : i32
      %swap3A_46 = arith.index_cast %add3A_45 : i32 to index
      %swap3A_47 = tpu.vector_load %arg5[%swap3A_46] {strides = array<i32>} : memref<16384xi32, #tpu.memory_space<vmem>>, vector<16xi32>,
      tpu.vector_store %arg5[%swap3A_46], %broadcast_in_dim3A_1 {strides = array<i32>} : memref<16384xi32, #tpu.memory_space<vmem>>, vector<16xi32>,
      %add3A_48 = arith.constant 48 : i32
      %add3A_49 = arith.addi %add3A_36, %add3A_48 : i32
      %swap3A_50 = arith.index_cast %add3A_49 : i32 to index
      %swap3A_51 = tpu.vector_load %arg5[%swap3A_50] {strides = array<i32>} : memref<16384xi32, #tpu.memory_space<vmem>>, vector<16xi32>,
      tpu.vector_store %arg5[%swap3A_50], %broadcast_in_dim3A_1 {strides = array<i32>} : memref<16384xi32, #tpu.memory_space<vmem>>, vector<16xi32>,
      %add3A_52 = arith.constant 64 : i32
      %add3A_53 = arith.addi %add3A_36, %add3A_52 : i32
      %swap3A_54 = arith.index_cast %add3A_53 : i32 to index
      %swap3A_55 = tpu.vector_load %arg5[%swap3A_54] {strides = array<i32>} : memref<16384xi32, #tpu.memory_space<vmem>>, vector<16xi32>,
      tpu.vector_store %arg5[%swap3A_54], %broadcast_in_dim3A_1 {strides = array<i32>} : memref<16384xi32, #tpu.memory_space<vmem>>, vector<16xi32>,
      %add3A_56 = arith.constant 80 : i32
      %add3A_57 = arith.addi %add3A_36, %add3A_56 : i32
      %swap3A_58 = arith.index_cast %add3A_57 : i32 to index
      %swap3A_59 = tpu.vector_load %arg5[%swap3A_58] {strides = array<i32>} : memref<16384xi32, #tpu.memory_space<vmem>>, vector<16xi32>,
      tpu.vector_store %arg5[%swap3A_58], %broadcast_in_dim3A_1 {strides = array<i32>} : memref<16384xi32, #tpu.memory_space<vmem>>, vector<16xi32>,
      %add3A_60 = arith.constant 96 : i32
      %add3A_61 = arith.addi %add3A_36, %add3A_60 : i32
      %swap3A_62 = arith.index_cast %add3A_61 : i32 to index
      %swap3A_63 = tpu.vector_load %arg5[%swap3A_62] {strides = array<i32>} : memref<16384xi32, #tpu.memory_space<vmem>>, vector<16xi32>,
      tpu.vector_store %arg5[%swap3A_62], %broadcast_in_dim3A_1 {strides = array<i32>} : memref<16384xi32, #tpu.memory_space<vmem>>, vector<16xi32>,
      %add3A_64 = arith.constant 112 : i32
      %add3A_65 = arith.addi %add3A_36, %add3A_64 : i32
      %swap3A_66 = arith.index_cast %add3A_65 : i32 to index
      %swap3A_67 = tpu.vector_load %arg5[%swap3A_66] {strides = array<i32>} : memref<16384xi32, #tpu.memory_space<vmem>>, vector<16xi32>,
      tpu.vector_store %arg5[%swap3A_66], %broadcast_in_dim3A_1 {strides = array<i32>} : memref<16384xi32, #tpu.memory_space<vmem>>, vector<16xi32>,
      %add3A_68 = arith.constant 128 : i32
      %add3A_69 = arith.addi %add3A_36, %add3A_68 : i32
      %swap3A_70 = arith.index_cast %add3A_69 : i32 to index
      %swap3A_71 = tpu.vector_load %arg5[%swap3A_70] {strides = array<i32>} : memref<16384xi32, #tpu.memory_space<vmem>>, vector<16xi32>,
      tpu.vector_store %arg5[%swap3A_70], %broadcast_in_dim3A_1 {strides = array<i32>} : memref<16384xi32, #tpu.memory_space<vmem>>, vector<16xi32>,
      %add3A_72 = arith.constant 144 : i32
      %add3A_73 = arith.addi %add3A_36, %add3A_72 : i32
      %swap3A_74 = arith.index_cast %add3A_73 : i32 to index
      %swap3A_75 = tpu.vector_load %arg5[%swap3A_74] {strides = array<i32>} : memref<16384xi32, #tpu.memory_space<vmem>>, vector<16xi32>,
      tpu.vector_store %arg5[%swap3A_74], %broadcast_in_dim3A_1 {strides = array<i32>} : memref<16384xi32, #tpu.memory_space<vmem>>, vector<16xi32>,
      %add3A_76 = arith.constant 160 : i32
      %add3A_77 = arith.addi %add3A_36, %add3A_76 : i32
      %swap3A_78 = arith.index_cast %add3A_77 : i32 to index
      %swap3A_79 = tpu.vector_load %arg5[%swap3A_78] {strides = array<i32>} : memref<16384xi32, #tpu.memory_space<vmem>>, vector<16xi32>,
      tpu.vector_store %arg5[%swap3A_78], %broadcast_in_dim3A_1 {strides = array<i32>} : memref<16384xi32, #tpu.memory_space<vmem>>, vector<16xi32>,
      %add3A_80 = arith.constant 176 : i32
      %add3A_81 = arith.addi %add3A_36, %add3A_80 : i32
      %swap3A_82 = arith.index_cast %add3A_81 : i32 to index
      %swap3A_83 = tpu.vector_load %arg5[%swap3A_82] {strides = array<i32>} : memref<16384xi32, #tpu.memory_space<vmem>>, vector<16xi32>,
      tpu.vector_store %arg5[%swap3A_82], %broadcast_in_dim3A_1 {strides = array<i32>} : memref<16384xi32, #tpu.memory_space<vmem>>, vector<16xi32>,
      %add3A_84 = arith.constant 192 : i32
      %add3A_85 = arith.addi %add3A_36, %add3A_84 : i32
      %swap3A_86 = arith.index_cast %add3A_85 : i32 to index
      %swap3A_87 = tpu.vector_load %arg5[%swap3A_86] {strides = array<i32>} : memref<16384xi32, #tpu.memory_space<vmem>>, vector<16xi32>,
      tpu.vector_store %arg5[%swap3A_86], %broadcast_in_dim3A_1 {strides = array<i32>} : memref<16384xi32, #tpu.memory_space<vmem>>, vector<16xi32>,
      %add3A_88 = arith.constant 208 : i32
      %add3A_89 = arith.addi %add3A_36, %add3A_88 : i32
      %swap3A_90 = arith.index_cast %add3A_89 : i32 to index
      %swap3A_91 = tpu.vector_load %arg5[%swap3A_90] {strides = array<i32>} : memref<16384xi32, #tpu.memory_space<vmem>>, vector<16xi32>,
      tpu.vector_store %arg5[%swap3A_90], %broadcast_in_dim3A_1 {strides = array<i32>} : memref<16384xi32, #tpu.memory_space<vmem>>, vector<16xi32>,
      %add3A_92 = arith.constant 224 : i32
      %add3A_93 = arith.addi %add3A_36, %add3A_92 : i32
      %swap3A_94 = arith.index_cast %add3A_93 : i32 to index
      %swap3A_95 = tpu.vector_load %arg5[%swap3A_94] {strides = array<i32>} : memref<16384xi32, #tpu.memory_space<vmem>>, vector<16xi32>,
      tpu.vector_store %arg5[%swap3A_94], %broadcast_in_dim3A_1 {strides = array<i32>} : memref<16384xi32, #tpu.memory_space<vmem>>, vector<16xi32>,
      %add3A_96 = arith.constant 240 : i32
      %add3A_97 = arith.addi %add3A_36, %add3A_96 : i32
      %swap3A_98 = arith.index_cast %add3A_97 : i32 to index
      %swap3A_99 = tpu.vector_load %arg5[%swap3A_98] {strides = array<i32>} : memref<16384xi32, #tpu.memory_space<vmem>>, vector<16xi32>,
      tpu.vector_store %arg5[%swap3A_98], %broadcast_in_dim3A_1 {strides = array<i32>} : memref<16384xi32, #tpu.memory_space<vmem>>, vector<16xi32>,
    }
    %scan3A_5 = arith.constant 64 : i32
    %broadcast_in_dim3A_6 = arith.constant 1 : i32
    %broadcast_in_dim3A_7 = vector.broadcast %broadcast_in_dim3A_6 : i32 to vector<16xi32>
    %iota3A = tpu.iota {dimensions = array<i32: 0>} : vector<16xi32>
    %broadcast_in_dim3A_8 = arith.constant 1023 : i32
    %broadcast_in_dim3A_9 = vector.broadcast %broadcast_in_dim3A_8 : i32 to vector<16xi32>
    %get3A = arith.constant 0 : i32
    %get3A_10 = arith.index_cast %get3A : i32 to index
    %get3A_11 = arith.constant 0 : index
    %get3A_12 = tpu.vector_load %arg6[%get3A_10, %get3A_11] {strides = array<i32>} : memref<2x16xi32, #tpu.memory_space<vmem>>, vector<16xi32>,
    %mul3A_13 = arith.constant 1 : i32
    %mul3A_14 = arith.muli %arg1, %mul3A_13 : i32
    %add3A_15 = arith.constant 0 : i32
    %add3A_16 = arith.addi %add3A_15, %mul3A_14 : i32
    %mul3A_17 = arith.constant 16 : i32
    %mul3A_18 = arith.muli %arg0, %mul3A_17 : i32
    %add3A_19 = arith.addi %add3A_16, %mul3A_18 : i32
    %mul3A_20 = arith.constant 32 : i32
    %mul3A_21 = arith.muli %add3A_19, %mul3A_20 : i32
    "tpu.region"() ({
      %run_scoped3A = memref.alloca() : memref<32768xi32, #tpu.memory_space<vmem>>
      %run_scoped3A_32 = tpu.sem_alloc : memref<2x!tpu.dma_semaphore, #tpu.memory_space<semaphore_mem>>
      %add3A_33 = arith.constant 0 : i32
      %add3A_34 = arith.addi %add3A_33, %mul3A_21 : i32
      %select_n3A = arith.constant true
      %select_n3A_35 = arith.constant 0 : i32
      %select_n3A_36 = arith.constant -1 : i32
      %select_n3A_37 = arith.select %select_n3A, %select_n3A_36, %select_n3A_35 : i32
      %eq3A = arith.constant -1 : i32
      %eq3A_38 = arith.cmpi eq, %select_n3A_37, %eq3A : i32
      %select_n3A_39 = arith.constant 31 : i32
      %select_n3A_40 = arith.select %eq3A_38, %select_n3A_39, %select_n3A_37 : i32
      %add3A_41 = arith.addi %select_n3A_40, %mul3A_21 : i32
      %select_n3A_42 = arith.constant true
      %select_n3A_43 = arith.constant 0 : i32
      %select_n3A_44 = arith.constant 1 : i32
      %select_n3A_45 = arith.select %select_n3A_42, %select_n3A_44, %select_n3A_43 : i32
      %eq3A_46 = arith.constant 32 : i32
      %eq3A_47 = arith.cmpi eq, %select_n3A_45, %eq3A_46 : i32
      %select_n3A_48 = arith.constant 0 : i32
      %select_n3A_49 = arith.select %eq3A_47, %select_n3A_48, %select_n3A_45 : i32
      %add3A_50 = arith.addi %select_n3A_49, %mul3A_21 : i32
      %add3A_51 = arith.constant 1 : i32
      %add3A_52 = arith.addi %select_n3A_49, %add3A_51 : i32
      %select_n3A_53 = arith.constant true
      %select_n3A_54 = arith.select %select_n3A_53, %add3A_52, %select_n3A_49 : i32
      %eq3A_55 = arith.constant 32 : i32
      %eq3A_56 = arith.cmpi eq, %select_n3A_54, %eq3A_55 : i32
      %select_n3A_57 = arith.constant 0 : i32
      %select_n3A_58 = arith.select %eq3A_56, %select_n3A_57, %select_n3A_54 : i32
      %add3A_59 = arith.addi %select_n3A_58, %mul3A_21 : i32
      "tpu.trace_start"() <{level = 10 : i32, message = "ep_initialize_0"}> : () -> ()
      %rem3A = arith.constant 0 : i32
      %rem3A_60 = arith.constant 2 : i32
      %rem3A_61 = arith.remui %rem3A, %rem3A_60 : i32
      %mul3A_62 = arith.constant 16384 : i32
      %mul3A_63 = arith.muli %mul3A_62, %add3A_34 : i32
      %mul3A_64 = arith.constant 16384 : i32
      %mul3A_65 = arith.muli %rem3A_61, %mul3A_64 : i32
      %add3A_66 = arith.constant 0 : i32
      %add3A_67 = arith.addi %mul3A_65, %add3A_66 : i32
      %dma_start3A_68 = tpu.memref_slice %run_scoped3A[%add3A_67] : memref<32768xi32, #tpu.memory_space<vmem>> -> memref<16384xi32, #tpu.memory_space<vmem>>
      %dma_start3A_69 = tpu.memref_slice %arg2[%mul3A_63] : memref<16777216xi32, #tpu.memory_space<hbm>> -> memref<16384xi32, #tpu.memory_space<hbm>>
      %dma_start3A_70 = tpu.memref_slice %run_scoped3A_32[%rem3A_61] : memref<2x!tpu.dma_semaphore, #tpu.memory_space<semaphore_mem>> -> memref<1x!tpu.dma_semaphore, #tpu.memory_space<semaphore_mem>>
      %dma_start3A_71 = tpu.memref_squeeze %dma_start3A_70 : memref<1x!tpu.dma_semaphore, #tpu.memory_space<semaphore_mem>> -> memref<!tpu.dma_semaphore, #tpu.memory_space<semaphore_mem>>
      %dma_start3A_72 = tpu.memref_slice %run_scoped3A[%add3A_67] : memref<32768xi32, #tpu.memory_space<vmem>> -> memref<16384xi32, #tpu.memory_space<vmem>>
      %dma_start3A_73 = tpu.memref_slice %arg2[%mul3A_63] : memref<16777216xi32, #tpu.memory_space<hbm>> -> memref<16384xi32, #tpu.memory_space<hbm>>
      tpu.enqueue_dma source(%dma_start3A_73 : memref<16384xi32, #tpu.memory_space<hbm>>) target(%dma_start3A_72 : memref<16384xi32, #tpu.memory_space<vmem>>) target_semaphore(%dma_start3A_71 : memref<!tpu.dma_semaphore, #tpu.memory_space<semaphore_mem>>)
      %add3A_74 = arith.constant 0 : i32
      %add3A_75 = arith.constant 1 : i32
      %add3A_76 = arith.addi %add3A_74, %add3A_75 : i32
      %select_n3A_77 = arith.constant true
      %select_n3A_78 = arith.constant 0 : i32
      %select_n3A_79 = arith.select %select_n3A_77, %add3A_76, %select_n3A_78 : i32
      "tpu.trace_stop"() : () -> ()
      %scan3A_80 = arith.constant 0 : i32
      %scan3A_81 = arith.constant 0 : i32
      %scan3A_82 = arith.constant 0 : i32
      %scan3A_83 = arith.constant 32 : i32
      %scan3A_84 = arith.addi %scan3A_82, %scan3A_83 : i32
      %scan3A_85 = arith.constant 1 : i32
      %scan3A_86:3 = scf.for %scan3A_123 = %scan3A_82 to %scan3A_84 step %scan3A_85 iter_args(%scan3A_124 = %select_n3A_79, %scan3A_125 = %scan3A_80, %scan3A_126 = %scan3A_81) -> (i32, i32, i32)  : i32 {
        %eq3A_127 = arith.constant 0 : i32
        %eq3A_128 = arith.cmpi eq, %scan3A_123, %eq3A_127 : i32
        %eq3A_129 = arith.constant 31 : i32
        %eq3A_130 = arith.cmpi eq, %scan3A_123, %eq3A_129 : i32
        %add3A_131 = arith.addi %scan3A_126, %mul3A_21 : i32
        %sub3A_132 = arith.constant 1 : i32
        %sub3A_133 = arith.subi %scan3A_126, %sub3A_132 : i32
        %select_n3A_134 = arith.constant true
        %select_n3A_135 = arith.select %select_n3A_134, %sub3A_133, %scan3A_126 : i32
        %eq3A_136 = arith.constant -1 : i32
        %eq3A_137 = arith.cmpi eq, %select_n3A_135, %eq3A_136 : i32
        %select_n3A_138 = arith.constant 31 : i32
        %select_n3A_139 = arith.select %eq3A_137, %select_n3A_138, %select_n3A_135 : i32
        %add3A_140 = arith.addi %select_n3A_139, %mul3A_21 : i32
        %add3A_141 = arith.constant 1 : i32
        %add3A_142 = arith.addi %scan3A_126, %add3A_141 : i32
        %select_n3A_143 = arith.constant true
        %select_n3A_144 = arith.select %select_n3A_143, %add3A_142, %scan3A_126 : i32
        %eq3A_145 = arith.constant 32 : i32
        %eq3A_146 = arith.cmpi eq, %select_n3A_144, %eq3A_145 : i32
        %select_n3A_147 = arith.constant 0 : i32
        %select_n3A_148 = arith.select %eq3A_146, %select_n3A_147, %select_n3A_144 : i32
        %add3A_149 = arith.addi %select_n3A_148, %mul3A_21 : i32
        %add3A_150 = arith.constant 1 : i32
        %add3A_151 = arith.addi %select_n3A_148, %add3A_150 : i32
        %select_n3A_152 = arith.constant true
        %select_n3A_153 = arith.select %select_n3A_152, %add3A_151, %select_n3A_148 : i32
        %eq3A_154 = arith.constant 32 : i32
        %eq3A_155 = arith.cmpi eq, %select_n3A_153, %eq3A_154 : i32
        %select_n3A_156 = arith.constant 0 : i32
        %select_n3A_157 = arith.select %eq3A_155, %select_n3A_156, %select_n3A_153 : i32
        %add3A_158 = arith.addi %select_n3A_157, %mul3A_21 : i32
        %ne3A = arith.cmpi ne, %add3A_131, %add3A_149 : i32
        %or3A = arith.constant false
        %or3A_159 = arith.ori %or3A, %ne3A : i1
        %ge3A = arith.constant 31 : i32
        %ge3A_160 = arith.cmpi sge, %scan3A_123, %ge3A : i32
        %not3A = arith.constant true
        %not3A_161 = arith.xori %ge3A_160, %not3A : i1
        %and3A = arith.andi %or3A_159, %not3A_161 : i1
        %convert_element_type3A = arith.extui %and3A : i1 to i32
        %cond3A = arith.constant 0 : i32
        %cond3A_162 = arith.cmpi ne, %convert_element_type3A, %cond3A : i32
        scf.if %cond3A_162 {
          "tpu.trace_start"() <{level = 10 : i32, message = "ep_copy_in"}> : () -> ()
          %rem3A_219 = arith.constant 2 : i32
          %rem3A_220 = arith.remui %scan3A_124, %rem3A_219 : i32
          %mul3A_221 = arith.constant 16384 : i32
          %mul3A_222 = arith.muli %mul3A_221, %add3A_149 : i32
          %mul3A_223 = arith.constant 16384 : i32
          %mul3A_224 = arith.muli %rem3A_220, %mul3A_223 : i32
          %add3A_225 = arith.constant 0 : i32
          %add3A_226 = arith.addi %mul3A_224, %add3A_225 : i32
          %dma_start3A_227 = tpu.memref_slice %run_scoped3A[%add3A_226] : memref<32768xi32, #tpu.memory_space<vmem>> -> memref<16384xi32, #tpu.memory_space<vmem>>
          %dma_start3A_228 = tpu.memref_slice %arg2[%mul3A_222] : memref<16777216xi32, #tpu.memory_space<hbm>> -> memref<16384xi32, #tpu.memory_space<hbm>>
          %dma_start3A_229 = tpu.memref_slice %run_scoped3A_32[%rem3A_220] : memref<2x!tpu.dma_semaphore, #tpu.memory_space<semaphore_mem>> -> memref<1x!tpu.dma_semaphore, #tpu.memory_space<semaphore_mem>>
          %dma_start3A_230 = tpu.memref_squeeze %dma_start3A_229 : memref<1x!tpu.dma_semaphore, #tpu.memory_space<semaphore_mem>> -> memref<!tpu.dma_semaphore, #tpu.memory_space<semaphore_mem>>
          %dma_start3A_231 = tpu.memref_slice %run_scoped3A[%add3A_226] : memref<32768xi32, #tpu.memory_space<vmem>> -> memref<16384xi32, #tpu.memory_space<vmem>>
          %dma_start3A_232 = tpu.memref_slice %arg2[%mul3A_222] : memref<16777216xi32, #tpu.memory_space<hbm>> -> memref<16384xi32, #tpu.memory_space<hbm>>
          tpu.enqueue_dma source(%dma_start3A_232 : memref<16384xi32, #tpu.memory_space<hbm>>) target(%dma_start3A_231 : memref<16384xi32, #tpu.memory_space<vmem>>) target_semaphore(%dma_start3A_230 : memref<!tpu.dma_semaphore, #tpu.memory_space<semaphore_mem>>)
          "tpu.trace_stop"() : () -> ()
        } else {
        }
        %and3A_163 = arith.constant true
        %and3A_164 = arith.andi %and3A, %and3A_163 : i1
        %add3A_165 = arith.constant 1 : i32
        %add3A_166 = arith.addi %scan3A_124, %add3A_165 : i32
        %select_n3A_167 = arith.select %and3A_164, %add3A_166, %scan3A_124 : i32
        %ne3A_168 = arith.cmpi ne, %add3A_131, %add3A_140 : i32
        %or3A_169 = arith.constant false
        %or3A_170 = arith.ori %or3A_169, %ne3A_168 : i1
        %or3A_171 = arith.ori %or3A_170, %eq3A_128 : i1
        %convert_element_type3A_172 = arith.extui %or3A_171 : i1 to i32
        %cond3A_173 = arith.constant 0 : i32
        %cond3A_174 = arith.cmpi ne, %convert_element_type3A_172, %cond3A_173 : i32
        scf.if %cond3A_174 {
          "tpu.trace_start"() <{level = 10 : i32, message = "ep_wait_in"}> : () -> ()
          %mul3A_219 = arith.constant 16384 : i32
          %mul3A_220 = arith.muli %mul3A_219, %add3A_131 : i32
          %rem3A_221 = arith.constant 2 : i32
          %rem3A_222 = arith.remui %scan3A_125, %rem3A_221 : i32
          %mul3A_223 = arith.constant 16384 : i32
          %mul3A_224 = arith.muli %rem3A_222, %mul3A_223 : i32
          %add3A_225 = arith.constant 0 : i32
          %add3A_226 = arith.addi %mul3A_224, %add3A_225 : i32
          %dma_wait3A_227 = tpu.memref_slice %run_scoped3A[%add3A_226] : memref<32768xi32, #tpu.memory_space<vmem>> -> memref<16384xi32, #tpu.memory_space<vmem>>
          %dma_wait3A_228 = tpu.memref_slice %arg2[%mul3A_220] : memref<16777216xi32, #tpu.memory_space<hbm>> -> memref<16384xi32, #tpu.memory_space<hbm>>
          %dma_wait3A_229 = tpu.memref_slice %run_scoped3A_32[%rem3A_222] : memref<2x!tpu.dma_semaphore, #tpu.memory_space<semaphore_mem>> -> memref<1x!tpu.dma_semaphore, #tpu.memory_space<semaphore_mem>>
          %dma_wait3A_230 = tpu.memref_squeeze %dma_wait3A_229 : memref<1x!tpu.dma_semaphore, #tpu.memory_space<semaphore_mem>> -> memref<!tpu.dma_semaphore, #tpu.memory_space<semaphore_mem>>
          %dma_wait3A_231 = tpu.memref_slice %run_scoped3A[%add3A_226] : memref<32768xi32, #tpu.memory_space<vmem>> -> memref<16384xi32, #tpu.memory_space<vmem>>
          %dma_wait3A_232 = tpu.memref_slice %arg2[%mul3A_220] : memref<16777216xi32, #tpu.memory_space<hbm>> -> memref<16384xi32, #tpu.memory_space<hbm>>
          tpu.wait_dma2 semaphore(%dma_wait3A_230 : memref<!tpu.dma_semaphore, #tpu.memory_space<semaphore_mem>>) src(%dma_wait3A_232 : memref<16384xi32, #tpu.memory_space<hbm>>) dst(%dma_wait3A_231 : memref<16384xi32, #tpu.memory_space<vmem>>)
          "tpu.trace_stop"() : () -> ()
        } else {
        }
        %rem3A_175 = arith.constant 2 : i32
        %rem3A_176 = arith.remui %scan3A_125, %rem3A_175 : i32
        %mul3A_177 = arith.constant 16384 : i32
        %mul3A_178 = arith.muli %rem3A_176, %mul3A_177 : i32
        "tpu.trace_start"() <{level = 10 : i32, message = "ep_run_kernel"}> : () -> ()
        %scan3A_179 = arith.constant 0 : i32
        %scan3A_180 = arith.constant 128 : i32
        %scan3A_181 = arith.addi %scan3A_179, %scan3A_180 : i32
        %scan3A_182 = arith.constant 1 : i32
        scf.for %scan3A_219 = %scan3A_179 to %scan3A_181 step %scan3A_182  : i32 {
          %mul3A_220 = arith.constant 128 : i32
          %mul3A_221 = arith.muli %scan3A_219, %mul3A_220 : i32
          %add3A_222 = arith.constant 0 : i32
          %add3A_223 = arith.addi %add3A_222, %mul3A_221 : i32
          %add3A_224 = arith.constant 0 : i32
          %add3A_225 = arith.addi %add3A_223, %add3A_224 : i32
          %get3A_226 = tpu.memref_slice %run_scoped3A[%mul3A_178] : memref<32768xi32, #tpu.memory_space<vmem>> -> memref<16384xi32, #tpu.memory_space<vmem>>
          %get3A_227 = arith.index_cast %add3A_225 : i32 to index
          %get3A_228 = tpu.vector_load %get3A_226[%get3A_227] {strides = array<i32>} : memref<16384xi32, #tpu.memory_space<vmem>>, vector<16xi32>,
          %shift_right_logical3A = arith.constant 20 : i32
          %shift_right_logical3A_229 = vector.broadcast %shift_right_logical3A : i32 to vector<16xi32>
          %shift_right_logical3A_230 = arith.shrui %get3A_228, %shift_right_logical3A_229 : vector<16xi32>
          %shift_right_logical3A_231 = arith.constant 10 : i32
          %shift_right_logical3A_232 = vector.broadcast %shift_right_logical3A_231 : i32 to vector<16xi32>
          %shift_right_logical3A_233 = arith.shrui %get3A_228, %shift_right_logical3A_232 : vector<16xi32>
          %and3A_234 = arith.andi %shift_right_logical3A_233, %broadcast_in_dim3A_9 : vector<16xi32>
          %shift_left3A = arith.constant 4 : i32
          %shift_left3A_235 = vector.broadcast %shift_left3A : i32 to vector<16xi32>
          %shift_left3A_236 = arith.shli %and3A_234, %shift_left3A_235 : vector<16xi32>
          %add3A_237 = arith.addi %shift_left3A_236, %iota3A : vector<16xi32>
          %eq3A_238 = arith.cmpi eq, %shift_right_logical3A_230, %get3A_12 : vector<16xi32>
          tpu.vector_store_idx %arg5[%add3A_237], %broadcast_in_dim3A_7 masked %eq3A_238 {add = true} : memref<16384xi32, #tpu.memory_space<vmem>>[vector<16xi32>], vector<16xi32>, vector<16xi1>
          %add3A_239 = arith.constant 16 : i32
          %add3A_240 = arith.addi %add3A_223, %add3A_239 : i32
          %get3A_241 = tpu.memref_slice %run_scoped3A[%mul3A_178] : memref<32768xi32, #tpu.memory_space<vmem>> -> memref<16384xi32, #tpu.memory_space<vmem>>
          %get3A_242 = arith.index_cast %add3A_240 : i32 to index
          %get3A_243 = tpu.vector_load %get3A_241[%get3A_242] {strides = array<i32>} : memref<16384xi32, #tpu.memory_space<vmem>>, vector<16xi32>,
          %shift_right_logical3A_244 = arith.constant 20 : i32
          %shift_right_logical3A_245 = vector.broadcast %shift_right_logical3A_244 : i32 to vector<16xi32>
          %shift_right_logical3A_246 = arith.shrui %get3A_243, %shift_right_logical3A_245 : vector<16xi32>
          %shift_right_logical3A_247 = arith.constant 10 : i32
          %shift_right_logical3A_248 = vector.broadcast %shift_right_logical3A_247 : i32 to vector<16xi32>
          %shift_right_logical3A_249 = arith.shrui %get3A_243, %shift_right_logical3A_248 : vector<16xi32>
          %and3A_250 = arith.andi %shift_right_logical3A_249, %broadcast_in_dim3A_9 : vector<16xi32>
          %shift_left3A_251 = arith.constant 4 : i32
          %shift_left3A_252 = vector.broadcast %shift_left3A_251 : i32 to vector<16xi32>
          %shift_left3A_253 = arith.shli %and3A_250, %shift_left3A_252 : vector<16xi32>
          %add3A_254 = arith.addi %shift_left3A_253, %iota3A : vector<16xi32>
          %eq3A_255 = arith.cmpi eq, %shift_right_logical3A_246, %get3A_12 : vector<16xi32>
          tpu.vector_store_idx %arg5[%add3A_254], %broadcast_in_dim3A_7 masked %eq3A_255 {add = true} : memref<16384xi32, #tpu.memory_space<vmem>>[vector<16xi32>], vector<16xi32>, vector<16xi1>
          %add3A_256 = arith.constant 32 : i32
          %add3A_257 = arith.addi %add3A_223, %add3A_256 : i32
          %get3A_258 = tpu.memref_slice %run_scoped3A[%mul3A_178] : memref<32768xi32, #tpu.memory_space<vmem>> -> memref<16384xi32, #tpu.memory_space<vmem>>
          %get3A_259 = arith.index_cast %add3A_257 : i32 to index
          %get3A_260 = tpu.vector_load %get3A_258[%get3A_259] {strides = array<i32>} : memref<16384xi32, #tpu.memory_space<vmem>>, vector<16xi32>,
          %shift_right_logical3A_261 = arith.constant 20 : i32
          %shift_right_logical3A_262 = vector.broadcast %shift_right_logical3A_261 : i32 to vector<16xi32>
          %shift_right_logical3A_263 = arith.shrui %get3A_260, %shift_right_logical3A_262 : vector<16xi32>
          %shift_right_logical3A_264 = arith.constant 10 : i32
          %shift_right_logical3A_265 = vector.broadcast %shift_right_logical3A_264 : i32 to vector<16xi32>
          %shift_right_logical3A_266 = arith.shrui %get3A_260, %shift_right_logical3A_265 : vector<16xi32>
          %and3A_267 = arith.andi %shift_right_logical3A_266, %broadcast_in_dim3A_9 : vector<16xi32>
          %shift_left3A_268 = arith.constant 4 : i32
          %shift_left3A_269 = vector.broadcast %shift_left3A_268 : i32 to vector<16xi32>
          %shift_left3A_270 = arith.shli %and3A_267, %shift_left3A_269 : vector<16xi32>
          %add3A_271 = arith.addi %shift_left3A_270, %iota3A : vector<16xi32>
          %eq3A_272 = arith.cmpi eq, %shift_right_logical3A_263, %get3A_12 : vector<16xi32>
          tpu.vector_store_idx %arg5[%add3A_271], %broadcast_in_dim3A_7 masked %eq3A_272 {add = true} : memref<16384xi32, #tpu.memory_space<vmem>>[vector<16xi32>], vector<16xi32>, vector<16xi1>
          %add3A_273 = arith.constant 48 : i32
          %add3A_274 = arith.addi %add3A_223, %add3A_273 : i32
          %get3A_275 = tpu.memref_slice %run_scoped3A[%mul3A_178] : memref<32768xi32, #tpu.memory_space<vmem>> -> memref<16384xi32, #tpu.memory_space<vmem>>
          %get3A_276 = arith.index_cast %add3A_274 : i32 to index
          %get3A_277 = tpu.vector_load %get3A_275[%get3A_276] {strides = array<i32>} : memref<16384xi32, #tpu.memory_space<vmem>>, vector<16xi32>,
          %shift_right_logical3A_278 = arith.constant 20 : i32
          %shift_right_logical3A_279 = vector.broadcast %shift_right_logical3A_278 : i32 to vector<16xi32>
          %shift_right_logical3A_280 = arith.shrui %get3A_277, %shift_right_logical3A_279 : vector<16xi32>
          %shift_right_logical3A_281 = arith.constant 10 : i32
          %shift_right_logical3A_282 = vector.broadcast %shift_right_logical3A_281 : i32 to vector<16xi32>
          %shift_right_logical3A_283 = arith.shrui %get3A_277, %shift_right_logical3A_282 : vector<16xi32>
          %and3A_284 = arith.andi %shift_right_logical3A_283, %broadcast_in_dim3A_9 : vector<16xi32>
          %shift_left3A_285 = arith.constant 4 : i32
          %shift_left3A_286 = vector.broadcast %shift_left3A_285 : i32 to vector<16xi32>
          %shift_left3A_287 = arith.shli %and3A_284, %shift_left3A_286 : vector<16xi32>
          %add3A_288 = arith.addi %shift_left3A_287, %iota3A : vector<16xi32>
          %eq3A_289 = arith.cmpi eq, %shift_right_logical3A_280, %get3A_12 : vector<16xi32>
          tpu.vector_store_idx %arg5[%add3A_288], %broadcast_in_dim3A_7 masked %eq3A_289 {add = true} : memref<16384xi32, #tpu.memory_space<vmem>>[vector<16xi32>], vector<16xi32>, vector<16xi1>
          %add3A_290 = arith.constant 64 : i32
          %add3A_291 = arith.addi %add3A_223, %add3A_290 : i32
          %get3A_292 = tpu.memref_slice %run_scoped3A[%mul3A_178] : memref<32768xi32, #tpu.memory_space<vmem>> -> memref<16384xi32, #tpu.memory_space<vmem>>
          %get3A_293 = arith.index_cast %add3A_291 : i32 to index
          %get3A_294 = tpu.vector_load %get3A_292[%get3A_293] {strides = array<i32>} : memref<16384xi32, #tpu.memory_space<vmem>>, vector<16xi32>,
          %shift_right_logical3A_295 = arith.constant 20 : i32
          %shift_right_logical3A_296 = vector.broadcast %shift_right_logical3A_295 : i32 to vector<16xi32>
          %shift_right_logical3A_297 = arith.shrui %get3A_294, %shift_right_logical3A_296 : vector<16xi32>
          %shift_right_logical3A_298 = arith.constant 10 : i32
          %shift_right_logical3A_299 = vector.broadcast %shift_right_logical3A_298 : i32 to vector<16xi32>
          %shift_right_logical3A_300 = arith.shrui %get3A_294, %shift_right_logical3A_299 : vector<16xi32>
          %and3A_301 = arith.andi %shift_right_logical3A_300, %broadcast_in_dim3A_9 : vector<16xi32>
          %shift_left3A_302 = arith.constant 4 : i32
          %shift_left3A_303 = vector.broadcast %shift_left3A_302 : i32 to vector<16xi32>
          %shift_left3A_304 = arith.shli %and3A_301, %shift_left3A_303 : vector<16xi32>
          %add3A_305 = arith.addi %shift_left3A_304, %iota3A : vector<16xi32>
          %eq3A_306 = arith.cmpi eq, %shift_right_logical3A_297, %get3A_12 : vector<16xi32>
          tpu.vector_store_idx %arg5[%add3A_305], %broadcast_in_dim3A_7 masked %eq3A_306 {add = true} : memref<16384xi32, #tpu.memory_space<vmem>>[vector<16xi32>], vector<16xi32>, vector<16xi1>
          %add3A_307 = arith.constant 80 : i32
          %add3A_308 = arith.addi %add3A_223, %add3A_307 : i32
          %get3A_309 = tpu.memref_slice %run_scoped3A[%mul3A_178] : memref<32768xi32, #tpu.memory_space<vmem>> -> memref<16384xi32, #tpu.memory_space<vmem>>
          %get3A_310 = arith.index_cast %add3A_308 : i32 to index
          %get3A_311 = tpu.vector_load %get3A_309[%get3A_310] {strides = array<i32>} : memref<16384xi32, #tpu.memory_space<vmem>>, vector<16xi32>,
          %shift_right_logical3A_312 = arith.constant 20 : i32
          %shift_right_logical3A_313 = vector.broadcast %shift_right_logical3A_312 : i32 to vector<16xi32>
          %shift_right_logical3A_314 = arith.shrui %get3A_311, %shift_right_logical3A_313 : vector<16xi32>
          %shift_right_logical3A_315 = arith.constant 10 : i32
          %shift_right_logical3A_316 = vector.broadcast %shift_right_logical3A_315 : i32 to vector<16xi32>
          %shift_right_logical3A_317 = arith.shrui %get3A_311, %shift_right_logical3A_316 : vector<16xi32>
          %and3A_318 = arith.andi %shift_right_logical3A_317, %broadcast_in_dim3A_9 : vector<16xi32>
          %shift_left3A_319 = arith.constant 4 : i32
          %shift_left3A_320 = vector.broadcast %shift_left3A_319 : i32 to vector<16xi32>
          %shift_left3A_321 = arith.shli %and3A_318, %shift_left3A_320 : vector<16xi32>
          %add3A_322 = arith.addi %shift_left3A_321, %iota3A : vector<16xi32>
          %eq3A_323 = arith.cmpi eq, %shift_right_logical3A_314, %get3A_12 : vector<16xi32>
          tpu.vector_store_idx %arg5[%add3A_322], %broadcast_in_dim3A_7 masked %eq3A_323 {add = true} : memref<16384xi32, #tpu.memory_space<vmem>>[vector<16xi32>], vector<16xi32>, vector<16xi1>
          %add3A_324 = arith.constant 96 : i32
          %add3A_325 = arith.addi %add3A_223, %add3A_324 : i32
          %get3A_326 = tpu.memref_slice %run_scoped3A[%mul3A_178] : memref<32768xi32, #tpu.memory_space<vmem>> -> memref<16384xi32, #tpu.memory_space<vmem>>
          %get3A_327 = arith.index_cast %add3A_325 : i32 to index
          %get3A_328 = tpu.vector_load %get3A_326[%get3A_327] {strides = array<i32>} : memref<16384xi32, #tpu.memory_space<vmem>>, vector<16xi32>,
          %shift_right_logical3A_329 = arith.constant 20 : i32
          %shift_right_logical3A_330 = vector.broadcast %shift_right_logical3A_329 : i32 to vector<16xi32>
          %shift_right_logical3A_331 = arith.shrui %get3A_328, %shift_right_logical3A_330 : vector<16xi32>
          %shift_right_logical3A_332 = arith.constant 10 : i32
          %shift_right_logical3A_333 = vector.broadcast %shift_right_logical3A_332 : i32 to vector<16xi32>
          %shift_right_logical3A_334 = arith.shrui %get3A_328, %shift_right_logical3A_333 : vector<16xi32>
          %and3A_335 = arith.andi %shift_right_logical3A_334, %broadcast_in_dim3A_9 : vector<16xi32>
          %shift_left3A_336 = arith.constant 4 : i32
          %shift_left3A_337 = vector.broadcast %shift_left3A_336 : i32 to vector<16xi32>
          %shift_left3A_338 = arith.shli %and3A_335, %shift_left3A_337 : vector<16xi32>
          %add3A_339 = arith.addi %shift_left3A_338, %iota3A : vector<16xi32>
          %eq3A_340 = arith.cmpi eq, %shift_right_logical3A_331, %get3A_12 : vector<16xi32>
          tpu.vector_store_idx %arg5[%add3A_339], %broadcast_in_dim3A_7 masked %eq3A_340 {add = true} : memref<16384xi32, #tpu.memory_space<vmem>>[vector<16xi32>], vector<16xi32>, vector<16xi1>
          %add3A_341 = arith.constant 112 : i32
          %add3A_342 = arith.addi %add3A_223, %add3A_341 : i32
          %get3A_343 = tpu.memref_slice %run_scoped3A[%mul3A_178] : memref<32768xi32, #tpu.memory_space<vmem>> -> memref<16384xi32, #tpu.memory_space<vmem>>
          %get3A_344 = arith.index_cast %add3A_342 : i32 to index
          %get3A_345 = tpu.vector_load %get3A_343[%get3A_344] {strides = array<i32>} : memref<16384xi32, #tpu.memory_space<vmem>>, vector<16xi32>,
          %shift_right_logical3A_346 = arith.constant 20 : i32
          %shift_right_logical3A_347 = vector.broadcast %shift_right_logical3A_346 : i32 to vector<16xi32>
          %shift_right_logical3A_348 = arith.shrui %get3A_345, %shift_right_logical3A_347 : vector<16xi32>
          %shift_right_logical3A_349 = arith.constant 10 : i32
          %shift_right_logical3A_350 = vector.broadcast %shift_right_logical3A_349 : i32 to vector<16xi32>
          %shift_right_logical3A_351 = arith.shrui %get3A_345, %shift_right_logical3A_350 : vector<16xi32>
          %and3A_352 = arith.andi %shift_right_logical3A_351, %broadcast_in_dim3A_9 : vector<16xi32>
          %shift_left3A_353 = arith.constant 4 : i32
          %shift_left3A_354 = vector.broadcast %shift_left3A_353 : i32 to vector<16xi32>
          %shift_left3A_355 = arith.shli %and3A_352, %shift_left3A_354 : vector<16xi32>
          %add3A_356 = arith.addi %shift_left3A_355, %iota3A : vector<16xi32>
          %eq3A_357 = arith.cmpi eq, %shift_right_logical3A_348, %get3A_12 : vector<16xi32>
          tpu.vector_store_idx %arg5[%add3A_356], %broadcast_in_dim3A_7 masked %eq3A_357 {add = true} : memref<16384xi32, #tpu.memory_space<vmem>>[vector<16xi32>], vector<16xi32>, vector<16xi1>
        }
        %scan3A_183 = arith.constant 128 : i32
        "tpu.trace_stop"() : () -> ()
        %ne3A_184 = arith.cmpi ne, %add3A_131, %add3A_149 : i32
        %or3A_185 = arith.constant false
        %or3A_186 = arith.ori %or3A_185, %ne3A_184 : i1
        %or3A_187 = arith.ori %or3A_186, %eq3A_130 : i1
        %convert_element_type3A_188 = arith.extui %or3A_187 : i1 to i32
        %cond3A_189 = arith.constant 0 : i32
        %cond3A_190 = arith.cmpi ne, %convert_element_type3A_188, %cond3A_189 : i32
        scf.if %cond3A_190 {
        } else {
        }
        %and3A_191 = arith.constant false
        %and3A_192 = arith.andi %or3A_187, %and3A_191 : i1
        %ne3A_193 = arith.cmpi ne, %add3A_131, %add3A_140 : i32
        %or3A_194 = arith.constant false
        %or3A_195 = arith.ori %or3A_194, %ne3A_193 : i1
        %not3A_196 = arith.constant true
        %not3A_197 = arith.xori %eq3A_128, %not3A_196 : i1
        %and3A_198 = arith.andi %or3A_195, %not3A_197 : i1
        %convert_element_type3A_199 = arith.extui %and3A_198 : i1 to i32
        %cond3A_200 = arith.constant 0 : i32
        %cond3A_201 = arith.cmpi ne, %convert_element_type3A_199, %cond3A_200 : i32
        scf.if %cond3A_201 {
        } else {
        }
        %and3A_202 = arith.constant false
        %and3A_203 = arith.andi %and3A_198, %and3A_202 : i1
        %ne3A_204 = arith.cmpi ne, %add3A_131, %add3A_149 : i32
        %or3A_205 = arith.constant false
        %or3A_206 = arith.ori %or3A_205, %ne3A_204 : i1
        %or3A_207 = arith.ori %or3A_206, %eq3A_130 : i1
        %add3A_208 = arith.constant 1 : i32
        %add3A_209 = arith.addi %scan3A_125, %add3A_208 : i32
        %select_n3A_210 = arith.select %or3A_207, %add3A_209, %scan3A_125 : i32
        %add3A_211 = arith.constant 1 : i32
        %add3A_212 = arith.addi %scan3A_126, %add3A_211 : i32
        %select_n3A_213 = arith.constant true
        %select_n3A_214 = arith.select %select_n3A_213, %add3A_212, %scan3A_126 : i32
        %eq3A_215 = arith.constant 32 : i32
        %eq3A_216 = arith.cmpi eq, %select_n3A_214, %eq3A_215 : i32
        %select_n3A_217 = arith.constant 0 : i32
        %select_n3A_218 = arith.select %eq3A_216, %select_n3A_217, %select_n3A_214 : i32
        scf.yield %select_n3A_167, %select_n3A_210, %select_n3A_218 : i32, i32, i32
      }
      %scan3A_87 = arith.constant 32 : i32
      %sub3A = arith.constant 1 : i32
      %sub3A_88 = arith.subi %scan3A_86#2, %sub3A : i32
      %select_n3A_89 = arith.constant true
      %select_n3A_90 = arith.select %select_n3A_89, %sub3A_88, %scan3A_86#2 : i32
      %eq3A_91 = arith.constant -1 : i32
      %eq3A_92 = arith.cmpi eq, %select_n3A_90, %eq3A_91 : i32
      %select_n3A_93 = arith.constant 31 : i32
      %select_n3A_94 = arith.select %eq3A_92, %select_n3A_93, %select_n3A_90 : i32
      %add3A_95 = arith.addi %select_n3A_94, %mul3A_21 : i32
      %sub3A_96 = arith.constant 1 : i32
      %sub3A_97 = arith.subi %select_n3A_94, %sub3A_96 : i32
      %select_n3A_98 = arith.constant true
      %select_n3A_99 = arith.select %select_n3A_98, %sub3A_97, %select_n3A_94 : i32
      %eq3A_100 = arith.constant -1 : i32
      %eq3A_101 = arith.cmpi eq, %select_n3A_99, %eq3A_100 : i32
      %select_n3A_102 = arith.constant 31 : i32
      %select_n3A_103 = arith.select %eq3A_101, %select_n3A_102, %select_n3A_99 : i32
      %add3A_104 = arith.addi %select_n3A_103, %mul3A_21 : i32
      %add3A_105 = arith.constant 1 : i32
      %add3A_106 = arith.addi %select_n3A_94, %add3A_105 : i32
      %select_n3A_107 = arith.constant true
      %select_n3A_108 = arith.select %select_n3A_107, %add3A_106, %select_n3A_94 : i32
      %eq3A_109 = arith.constant 32 : i32
      %eq3A_110 = arith.cmpi eq, %select_n3A_108, %eq3A_109 : i32
      %select_n3A_111 = arith.constant 0 : i32
      %select_n3A_112 = arith.select %eq3A_110, %select_n3A_111, %select_n3A_108 : i32
      %add3A_113 = arith.addi %select_n3A_112, %mul3A_21 : i32
      %add3A_114 = arith.constant 1 : i32
      %add3A_115 = arith.addi %select_n3A_112, %add3A_114 : i32
      %select_n3A_116 = arith.constant true
      %select_n3A_117 = arith.select %select_n3A_116, %add3A_115, %select_n3A_112 : i32
      %eq3A_118 = arith.constant 32 : i32
      %eq3A_119 = arith.cmpi eq, %select_n3A_117, %eq3A_118 : i32
      %select_n3A_120 = arith.constant 0 : i32
      %select_n3A_121 = arith.select %eq3A_119, %select_n3A_120, %select_n3A_117 : i32
      %add3A_122 = arith.addi %select_n3A_121, %mul3A_21 : i32
      tpu.yield
    }) : () -> ()
    %dma_start3A = arith.constant 0 : i32
    %dma_start3A_22 = tpu.memref_slice %arg4[%add3A, %dma_start3A] : memref<32x16384xi32, #tpu.memory_space<hbm>> -> memref<1x16384xi32, #tpu.memory_space<hbm>>
    %dma_start3A_23 = tpu.memref_squeeze %dma_start3A_22 : memref<1x16384xi32, #tpu.memory_space<hbm>> -> memref<16384xi32, #tpu.memory_space<hbm>>
    %dma_start3A_24 = arith.constant 0 : i32
    %dma_start3A_25 = tpu.memref_slice %arg4[%add3A, %dma_start3A_24] : memref<32x16384xi32, #tpu.memory_space<hbm>> -> memref<1x16384xi32, #tpu.memory_space<hbm>>
    %dma_start3A_26 = tpu.memref_squeeze %dma_start3A_25 : memref<1x16384xi32, #tpu.memory_space<hbm>> -> memref<16384xi32, #tpu.memory_space<hbm>>
    tpu.enqueue_dma source(%arg5 : memref<16384xi32, #tpu.memory_space<vmem>>) target(%dma_start3A_26 : memref<16384xi32, #tpu.memory_space<hbm>>) target_semaphore(%arg7 : memref<!tpu.dma_semaphore, #tpu.memory_space<semaphore_mem>>)
    %dma_wait3A = arith.constant 0 : i32
    %dma_wait3A_27 = tpu.memref_slice %arg4[%add3A, %dma_wait3A] : memref<32x16384xi32, #tpu.memory_space<hbm>> -> memref<1x16384xi32, #tpu.memory_space<hbm>>
    %dma_wait3A_28 = tpu.memref_squeeze %dma_wait3A_27 : memref<1x16384xi32, #tpu.memory_space<hbm>> -> memref<16384xi32, #tpu.memory_space<hbm>>
    %dma_wait3A_29 = arith.constant 0 : i32
    %dma_wait3A_30 = tpu.memref_slice %arg4[%add3A, %dma_wait3A_29] : memref<32x16384xi32, #tpu.memory_space<hbm>> -> memref<1x16384xi32, #tpu.memory_space<hbm>>
    %dma_wait3A_31 = tpu.memref_squeeze %dma_wait3A_30 : memref<1x16384xi32, #tpu.memory_space<hbm>> -> memref<16384xi32, #tpu.memory_space<hbm>>
    tpu.wait_dma2 semaphore(%arg7 : memref<!tpu.dma_semaphore, #tpu.memory_space<semaphore_mem>>) src(%arg5 : memref<16384xi32, #tpu.memory_space<vmem>>) dst(%dma_wait3A_31 : memref<16384xi32, #tpu.memory_space<hbm>>)
    return
  }
}

#map = affine_map<(d0, d1) -> (0)>
#map1 = affine_map<(d0, d1) -> (0, 0)>
module attributes {stable_mosaic.version = 14 : i64} {
  func.func @sc_hist(%arg0: i32, %arg1: i32, %arg2: memref<16777216xi32, #tpu.memory_space<hbm>>, %arg3: memref<2x16xi32, #tpu.memory_space<hbm>>, %arg4: memref<32x16640xi32, #tpu.memory_space<hbm>>, %arg5: memref<16640xi32, #tpu.memory_space<vmem>>, %arg6: memref<2x16xi32, #tpu.memory_space<vmem>>, %arg7: memref<!tpu.dma_semaphore, #tpu.memory_space<semaphore_mem>>) attributes {dimension_semantics = [#tpu.dimension_semantics<core_parallel>, #tpu.dimension_semantics<subcore_parallel>], iteration_bounds = array<i64: 2, 16>, scalar_prefetch = 0 : i64, scratch_operands = 3 : i64, tpu.core_type = #tpu.core_type<sc_vector_subcore>, window_params = [{transform_indices = #map}, {transform_indices = #map1}, {transform_indices = #map1}]} {
    %mul3A = arith.constant 2 : i32
    %mul3A_0 = arith.muli %arg1, %mul3A : i32
    %add3A = arith.addi %mul3A_0, %arg0 : i32
    tpu.enqueue_dma source(%arg3 : memref<2x16xi32, #tpu.memory_space<hbm>>) target(%arg6 : memref<2x16xi32, #tpu.memory_space<vmem>>) target_semaphore(%arg7 : memref<!tpu.dma_semaphore, #tpu.memory_space<semaphore_mem>>)
    tpu.wait_dma2 semaphore(%arg7 : memref<!tpu.dma_semaphore, #tpu.memory_space<semaphore_mem>>) src(%arg3 : memref<2x16xi32, #tpu.memory_space<hbm>>) dst(%arg6 : memref<2x16xi32, #tpu.memory_space<vmem>>)
    %broadcast_in_dim3A = arith.constant 0 : i32
    %broadcast_in_dim3A_1 = vector.broadcast %broadcast_in_dim3A : i32 to vector<16xi32>
    %scan3A = arith.constant 0 : i32
    %scan3A_2 = arith.constant 65 : i32
    %scan3A_3 = arith.addi %scan3A, %scan3A_2 : i32
    %scan3A_4 = arith.constant 1 : i32
    scf.for %scan3A_32 = %scan3A to %scan3A_3 step %scan3A_4  : i32 {
      %mul3A_33 = arith.constant 256 : i32
      %mul3A_34 = arith.muli %scan3A_32, %mul3A_33 : i32
      %add3A_35 = arith.constant 0 : i32
      %add3A_36 = arith.addi %add3A_35, %mul3A_34 : i32
      %add3A_37 = arith.constant 0 : i32
      %add3A_38 = arith.addi %add3A_36, %add3A_37 : i32
      %swap3A = arith.index_cast %add3A_38 : i32 to index
      %swap3A_39 = tpu.vector_load %arg5[%swap3A] {strides = array<i32>} : memref<16640xi32, #tpu.memory_space<vmem>>, vector<16xi32>,
      tpu.vector_store %arg5[%swap3A], %broadcast_in_dim3A_1 {strides = array<i32>} : memref<16640xi32, #tpu.memory_space<vmem>>, vector<16xi32>,
      %add3A_40 = arith.constant 16 : i32
      %add3A_41 = arith.addi %add3A_36, %add3A_40 : i32
      %swap3A_42 = arith.index_cast %add3A_41 : i32 to index
      %swap3A_43 = tpu.vector_load %arg5[%swap3A_42] {strides = array<i32>} : memref<16640xi32, #tpu.memory_space<vmem>>, vector<16xi32>,
      tpu.vector_store %arg5[%swap3A_42], %broadcast_in_dim3A_1 {strides = array<i32>} : memref<16640xi32, #tpu.memory_space<vmem>>, vector<16xi32>,
      %add3A_44 = arith.constant 32 : i32
      %add3A_45 = arith.addi %add3A_36, %add3A_44 : i32
      %swap3A_46 = arith.index_cast %add3A_45 : i32 to index
      %swap3A_47 = tpu.vector_load %arg5[%swap3A_46] {strides = array<i32>} : memref<16640xi32, #tpu.memory_space<vmem>>, vector<16xi32>,
      tpu.vector_store %arg5[%swap3A_46], %broadcast_in_dim3A_1 {strides = array<i32>} : memref<16640xi32, #tpu.memory_space<vmem>>, vector<16xi32>,
      %add3A_48 = arith.constant 48 : i32
      %add3A_49 = arith.addi %add3A_36, %add3A_48 : i32
      %swap3A_50 = arith.index_cast %add3A_49 : i32 to index
      %swap3A_51 = tpu.vector_load %arg5[%swap3A_50] {strides = array<i32>} : memref<16640xi32, #tpu.memory_space<vmem>>, vector<16xi32>,
      tpu.vector_store %arg5[%swap3A_50], %broadcast_in_dim3A_1 {strides = array<i32>} : memref<16640xi32, #tpu.memory_space<vmem>>, vector<16xi32>,
      %add3A_52 = arith.constant 64 : i32
      %add3A_53 = arith.addi %add3A_36, %add3A_52 : i32
      %swap3A_54 = arith.index_cast %add3A_53 : i32 to index
      %swap3A_55 = tpu.vector_load %arg5[%swap3A_54] {strides = array<i32>} : memref<16640xi32, #tpu.memory_space<vmem>>, vector<16xi32>,
      tpu.vector_store %arg5[%swap3A_54], %broadcast_in_dim3A_1 {strides = array<i32>} : memref<16640xi32, #tpu.memory_space<vmem>>, vector<16xi32>,
      %add3A_56 = arith.constant 80 : i32
      %add3A_57 = arith.addi %add3A_36, %add3A_56 : i32
      %swap3A_58 = arith.index_cast %add3A_57 : i32 to index
      %swap3A_59 = tpu.vector_load %arg5[%swap3A_58] {strides = array<i32>} : memref<16640xi32, #tpu.memory_space<vmem>>, vector<16xi32>,
      tpu.vector_store %arg5[%swap3A_58], %broadcast_in_dim3A_1 {strides = array<i32>} : memref<16640xi32, #tpu.memory_space<vmem>>, vector<16xi32>,
      %add3A_60 = arith.constant 96 : i32
      %add3A_61 = arith.addi %add3A_36, %add3A_60 : i32
      %swap3A_62 = arith.index_cast %add3A_61 : i32 to index
      %swap3A_63 = tpu.vector_load %arg5[%swap3A_62] {strides = array<i32>} : memref<16640xi32, #tpu.memory_space<vmem>>, vector<16xi32>,
      tpu.vector_store %arg5[%swap3A_62], %broadcast_in_dim3A_1 {strides = array<i32>} : memref<16640xi32, #tpu.memory_space<vmem>>, vector<16xi32>,
      %add3A_64 = arith.constant 112 : i32
      %add3A_65 = arith.addi %add3A_36, %add3A_64 : i32
      %swap3A_66 = arith.index_cast %add3A_65 : i32 to index
      %swap3A_67 = tpu.vector_load %arg5[%swap3A_66] {strides = array<i32>} : memref<16640xi32, #tpu.memory_space<vmem>>, vector<16xi32>,
      tpu.vector_store %arg5[%swap3A_66], %broadcast_in_dim3A_1 {strides = array<i32>} : memref<16640xi32, #tpu.memory_space<vmem>>, vector<16xi32>,
      %add3A_68 = arith.constant 128 : i32
      %add3A_69 = arith.addi %add3A_36, %add3A_68 : i32
      %swap3A_70 = arith.index_cast %add3A_69 : i32 to index
      %swap3A_71 = tpu.vector_load %arg5[%swap3A_70] {strides = array<i32>} : memref<16640xi32, #tpu.memory_space<vmem>>, vector<16xi32>,
      tpu.vector_store %arg5[%swap3A_70], %broadcast_in_dim3A_1 {strides = array<i32>} : memref<16640xi32, #tpu.memory_space<vmem>>, vector<16xi32>,
      %add3A_72 = arith.constant 144 : i32
      %add3A_73 = arith.addi %add3A_36, %add3A_72 : i32
      %swap3A_74 = arith.index_cast %add3A_73 : i32 to index
      %swap3A_75 = tpu.vector_load %arg5[%swap3A_74] {strides = array<i32>} : memref<16640xi32, #tpu.memory_space<vmem>>, vector<16xi32>,
      tpu.vector_store %arg5[%swap3A_74], %broadcast_in_dim3A_1 {strides = array<i32>} : memref<16640xi32, #tpu.memory_space<vmem>>, vector<16xi32>,
      %add3A_76 = arith.constant 160 : i32
      %add3A_77 = arith.addi %add3A_36, %add3A_76 : i32
      %swap3A_78 = arith.index_cast %add3A_77 : i32 to index
      %swap3A_79 = tpu.vector_load %arg5[%swap3A_78] {strides = array<i32>} : memref<16640xi32, #tpu.memory_space<vmem>>, vector<16xi32>,
      tpu.vector_store %arg5[%swap3A_78], %broadcast_in_dim3A_1 {strides = array<i32>} : memref<16640xi32, #tpu.memory_space<vmem>>, vector<16xi32>,
      %add3A_80 = arith.constant 176 : i32
      %add3A_81 = arith.addi %add3A_36, %add3A_80 : i32
      %swap3A_82 = arith.index_cast %add3A_81 : i32 to index
      %swap3A_83 = tpu.vector_load %arg5[%swap3A_82] {strides = array<i32>} : memref<16640xi32, #tpu.memory_space<vmem>>, vector<16xi32>,
      tpu.vector_store %arg5[%swap3A_82], %broadcast_in_dim3A_1 {strides = array<i32>} : memref<16640xi32, #tpu.memory_space<vmem>>, vector<16xi32>,
      %add3A_84 = arith.constant 192 : i32
      %add3A_85 = arith.addi %add3A_36, %add3A_84 : i32
      %swap3A_86 = arith.index_cast %add3A_85 : i32 to index
      %swap3A_87 = tpu.vector_load %arg5[%swap3A_86] {strides = array<i32>} : memref<16640xi32, #tpu.memory_space<vmem>>, vector<16xi32>,
      tpu.vector_store %arg5[%swap3A_86], %broadcast_in_dim3A_1 {strides = array<i32>} : memref<16640xi32, #tpu.memory_space<vmem>>, vector<16xi32>,
      %add3A_88 = arith.constant 208 : i32
      %add3A_89 = arith.addi %add3A_36, %add3A_88 : i32
      %swap3A_90 = arith.index_cast %add3A_89 : i32 to index
      %swap3A_91 = tpu.vector_load %arg5[%swap3A_90] {strides = array<i32>} : memref<16640xi32, #tpu.memory_space<vmem>>, vector<16xi32>,
      tpu.vector_store %arg5[%swap3A_90], %broadcast_in_dim3A_1 {strides = array<i32>} : memref<16640xi32, #tpu.memory_space<vmem>>, vector<16xi32>,
      %add3A_92 = arith.constant 224 : i32
      %add3A_93 = arith.addi %add3A_36, %add3A_92 : i32
      %swap3A_94 = arith.index_cast %add3A_93 : i32 to index
      %swap3A_95 = tpu.vector_load %arg5[%swap3A_94] {strides = array<i32>} : memref<16640xi32, #tpu.memory_space<vmem>>, vector<16xi32>,
      tpu.vector_store %arg5[%swap3A_94], %broadcast_in_dim3A_1 {strides = array<i32>} : memref<16640xi32, #tpu.memory_space<vmem>>, vector<16xi32>,
      %add3A_96 = arith.constant 240 : i32
      %add3A_97 = arith.addi %add3A_36, %add3A_96 : i32
      %swap3A_98 = arith.index_cast %add3A_97 : i32 to index
      %swap3A_99 = tpu.vector_load %arg5[%swap3A_98] {strides = array<i32>} : memref<16640xi32, #tpu.memory_space<vmem>>, vector<16xi32>,
      tpu.vector_store %arg5[%swap3A_98], %broadcast_in_dim3A_1 {strides = array<i32>} : memref<16640xi32, #tpu.memory_space<vmem>>, vector<16xi32>,
    }
    %scan3A_5 = arith.constant 65 : i32
    %broadcast_in_dim3A_6 = arith.constant 1 : i32
    %broadcast_in_dim3A_7 = vector.broadcast %broadcast_in_dim3A_6 : i32 to vector<16xi32>
    %iota3A = tpu.iota {dimensions = array<i32: 0>} : vector<16xi32>
    %broadcast_in_dim3A_8 = arith.constant 2047 : i32
    %broadcast_in_dim3A_9 = vector.broadcast %broadcast_in_dim3A_8 : i32 to vector<16xi32>
    %get3A = arith.constant 0 : i32
    %get3A_10 = arith.index_cast %get3A : i32 to index
    %get3A_11 = arith.constant 0 : index
    %get3A_12 = tpu.vector_load %arg6[%get3A_10, %get3A_11] {strides = array<i32>} : memref<2x16xi32, #tpu.memory_space<vmem>>, vector<16xi32>,
    %mul3A_13 = arith.constant 1 : i32
    %mul3A_14 = arith.muli %arg1, %mul3A_13 : i32
    %add3A_15 = arith.constant 0 : i32
    %add3A_16 = arith.addi %add3A_15, %mul3A_14 : i32
    %mul3A_17 = arith.constant 16 : i32
    %mul3A_18 = arith.muli %arg0, %mul3A_17 : i32
    %add3A_19 = arith.addi %add3A_16, %mul3A_18 : i32
    %mul3A_20 = arith.constant 32 : i32
    %mul3A_21 = arith.muli %add3A_19, %mul3A_20 : i32
    "tpu.region"() ({
      %run_scoped3A = memref.alloca() : memref<32768xi32, #tpu.memory_space<vmem>>
      %run_scoped3A_32 = tpu.sem_alloc : memref<2x!tpu.dma_semaphore, #tpu.memory_space<semaphore_mem>>
      %add3A_33 = arith.constant 0 : i32
      %add3A_34 = arith.addi %add3A_33, %mul3A_21 : i32
      %select_n3A = arith.constant true
      %select_n3A_35 = arith.constant 0 : i32
      %select_n3A_36 = arith.constant -1 : i32
      %select_n3A_37 = arith.select %select_n3A, %select_n3A_36, %select_n3A_35 : i32
      %eq3A = arith.constant -1 : i32
      %eq3A_38 = arith.cmpi eq, %select_n3A_37, %eq3A : i32
      %select_n3A_39 = arith.constant 31 : i32
      %select_n3A_40 = arith.select %eq3A_38, %select_n3A_39, %select_n3A_37 : i32
      %add3A_41 = arith.addi %select_n3A_40, %mul3A_21 : i32
      %select_n3A_42 = arith.constant true
      %select_n3A_43 = arith.constant 0 : i32
      %select_n3A_44 = arith.constant 1 : i32
      %select_n3A_45 = arith.select %select_n3A_42, %select_n3A_44, %select_n3A_43 : i32
      %eq3A_46 = arith.constant 32 : i32
      %eq3A_47 = arith.cmpi eq, %select_n3A_45, %eq3A_46 : i32
      %select_n3A_48 = arith.constant 0 : i32
      %select_n3A_49 = arith.select %eq3A_47, %select_n3A_48, %select_n3A_45 : i32
      %add3A_50 = arith.addi %select_n3A_49, %mul3A_21 : i32
      %add3A_51 = arith.constant 1 : i32
      %add3A_52 = arith.addi %select_n3A_49, %add3A_51 : i32
      %select_n3A_53 = arith.constant true
      %select_n3A_54 = arith.select %select_n3A_53, %add3A_52, %select_n3A_49 : i32
      %eq3A_55 = arith.constant 32 : i32
      %eq3A_56 = arith.cmpi eq, %select_n3A_54, %eq3A_55 : i32
      %select_n3A_57 = arith.constant 0 : i32
      %select_n3A_58 = arith.select %eq3A_56, %select_n3A_57, %select_n3A_54 : i32
      %add3A_59 = arith.addi %select_n3A_58, %mul3A_21 : i32
      "tpu.trace_start"() <{level = 10 : i32, message = "ep_initialize_0"}> : () -> ()
      %rem3A = arith.constant 0 : i32
      %rem3A_60 = arith.constant 2 : i32
      %rem3A_61 = arith.remui %rem3A, %rem3A_60 : i32
      %mul3A_62 = arith.constant 16384 : i32
      %mul3A_63 = arith.muli %mul3A_62, %add3A_34 : i32
      %mul3A_64 = arith.constant 16384 : i32
      %mul3A_65 = arith.muli %rem3A_61, %mul3A_64 : i32
      %add3A_66 = arith.constant 0 : i32
      %add3A_67 = arith.addi %mul3A_65, %add3A_66 : i32
      %dma_start3A_68 = tpu.memref_slice %run_scoped3A[%add3A_67] : memref<32768xi32, #tpu.memory_space<vmem>> -> memref<16384xi32, #tpu.memory_space<vmem>>
      %dma_start3A_69 = tpu.memref_slice %arg2[%mul3A_63] : memref<16777216xi32, #tpu.memory_space<hbm>> -> memref<16384xi32, #tpu.memory_space<hbm>>
      %dma_start3A_70 = tpu.memref_slice %run_scoped3A_32[%rem3A_61] : memref<2x!tpu.dma_semaphore, #tpu.memory_space<semaphore_mem>> -> memref<1x!tpu.dma_semaphore, #tpu.memory_space<semaphore_mem>>
      %dma_start3A_71 = tpu.memref_squeeze %dma_start3A_70 : memref<1x!tpu.dma_semaphore, #tpu.memory_space<semaphore_mem>> -> memref<!tpu.dma_semaphore, #tpu.memory_space<semaphore_mem>>
      %dma_start3A_72 = tpu.memref_slice %run_scoped3A[%add3A_67] : memref<32768xi32, #tpu.memory_space<vmem>> -> memref<16384xi32, #tpu.memory_space<vmem>>
      %dma_start3A_73 = tpu.memref_slice %arg2[%mul3A_63] : memref<16777216xi32, #tpu.memory_space<hbm>> -> memref<16384xi32, #tpu.memory_space<hbm>>
      tpu.enqueue_dma source(%dma_start3A_73 : memref<16384xi32, #tpu.memory_space<hbm>>) target(%dma_start3A_72 : memref<16384xi32, #tpu.memory_space<vmem>>) target_semaphore(%dma_start3A_71 : memref<!tpu.dma_semaphore, #tpu.memory_space<semaphore_mem>>)
      %add3A_74 = arith.constant 0 : i32
      %add3A_75 = arith.constant 1 : i32
      %add3A_76 = arith.addi %add3A_74, %add3A_75 : i32
      %select_n3A_77 = arith.constant true
      %select_n3A_78 = arith.constant 0 : i32
      %select_n3A_79 = arith.select %select_n3A_77, %add3A_76, %select_n3A_78 : i32
      "tpu.trace_stop"() : () -> ()
      %scan3A_80 = arith.constant 0 : i32
      %scan3A_81 = arith.constant 0 : i32
      %scan3A_82 = arith.constant 0 : i32
      %scan3A_83 = arith.constant 32 : i32
      %scan3A_84 = arith.addi %scan3A_82, %scan3A_83 : i32
      %scan3A_85 = arith.constant 1 : i32
      %scan3A_86:3 = scf.for %scan3A_123 = %scan3A_82 to %scan3A_84 step %scan3A_85 iter_args(%scan3A_124 = %select_n3A_79, %scan3A_125 = %scan3A_80, %scan3A_126 = %scan3A_81) -> (i32, i32, i32)  : i32 {
        %eq3A_127 = arith.constant 0 : i32
        %eq3A_128 = arith.cmpi eq, %scan3A_123, %eq3A_127 : i32
        %eq3A_129 = arith.constant 31 : i32
        %eq3A_130 = arith.cmpi eq, %scan3A_123, %eq3A_129 : i32
        %add3A_131 = arith.addi %scan3A_126, %mul3A_21 : i32
        %sub3A_132 = arith.constant 1 : i32
        %sub3A_133 = arith.subi %scan3A_126, %sub3A_132 : i32
        %select_n3A_134 = arith.constant true
        %select_n3A_135 = arith.select %select_n3A_134, %sub3A_133, %scan3A_126 : i32
        %eq3A_136 = arith.constant -1 : i32
        %eq3A_137 = arith.cmpi eq, %select_n3A_135, %eq3A_136 : i32
        %select_n3A_138 = arith.constant 31 : i32
        %select_n3A_139 = arith.select %eq3A_137, %select_n3A_138, %select_n3A_135 : i32
        %add3A_140 = arith.addi %select_n3A_139, %mul3A_21 : i32
        %add3A_141 = arith.constant 1 : i32
        %add3A_142 = arith.addi %scan3A_126, %add3A_141 : i32
        %select_n3A_143 = arith.constant true
        %select_n3A_144 = arith.select %select_n3A_143, %add3A_142, %scan3A_126 : i32
        %eq3A_145 = arith.constant 32 : i32
        %eq3A_146 = arith.cmpi eq, %select_n3A_144, %eq3A_145 : i32
        %select_n3A_147 = arith.constant 0 : i32
        %select_n3A_148 = arith.select %eq3A_146, %select_n3A_147, %select_n3A_144 : i32
        %add3A_149 = arith.addi %select_n3A_148, %mul3A_21 : i32
        %add3A_150 = arith.constant 1 : i32
        %add3A_151 = arith.addi %select_n3A_148, %add3A_150 : i32
        %select_n3A_152 = arith.constant true
        %select_n3A_153 = arith.select %select_n3A_152, %add3A_151, %select_n3A_148 : i32
        %eq3A_154 = arith.constant 32 : i32
        %eq3A_155 = arith.cmpi eq, %select_n3A_153, %eq3A_154 : i32
        %select_n3A_156 = arith.constant 0 : i32
        %select_n3A_157 = arith.select %eq3A_155, %select_n3A_156, %select_n3A_153 : i32
        %add3A_158 = arith.addi %select_n3A_157, %mul3A_21 : i32
        %ne3A = arith.cmpi ne, %add3A_131, %add3A_149 : i32
        %or3A = arith.constant false
        %or3A_159 = arith.ori %or3A, %ne3A : i1
        %ge3A = arith.constant 31 : i32
        %ge3A_160 = arith.cmpi sge, %scan3A_123, %ge3A : i32
        %not3A = arith.constant true
        %not3A_161 = arith.xori %ge3A_160, %not3A : i1
        %and3A = arith.andi %or3A_159, %not3A_161 : i1
        %convert_element_type3A = arith.extui %and3A : i1 to i32
        %cond3A = arith.constant 0 : i32
        %cond3A_162 = arith.cmpi ne, %convert_element_type3A, %cond3A : i32
        scf.if %cond3A_162 {
          "tpu.trace_start"() <{level = 10 : i32, message = "ep_copy_in"}> : () -> ()
          %rem3A_219 = arith.constant 2 : i32
          %rem3A_220 = arith.remui %scan3A_124, %rem3A_219 : i32
          %mul3A_221 = arith.constant 16384 : i32
          %mul3A_222 = arith.muli %mul3A_221, %add3A_149 : i32
          %mul3A_223 = arith.constant 16384 : i32
          %mul3A_224 = arith.muli %rem3A_220, %mul3A_223 : i32
          %add3A_225 = arith.constant 0 : i32
          %add3A_226 = arith.addi %mul3A_224, %add3A_225 : i32
          %dma_start3A_227 = tpu.memref_slice %run_scoped3A[%add3A_226] : memref<32768xi32, #tpu.memory_space<vmem>> -> memref<16384xi32, #tpu.memory_space<vmem>>
          %dma_start3A_228 = tpu.memref_slice %arg2[%mul3A_222] : memref<16777216xi32, #tpu.memory_space<hbm>> -> memref<16384xi32, #tpu.memory_space<hbm>>
          %dma_start3A_229 = tpu.memref_slice %run_scoped3A_32[%rem3A_220] : memref<2x!tpu.dma_semaphore, #tpu.memory_space<semaphore_mem>> -> memref<1x!tpu.dma_semaphore, #tpu.memory_space<semaphore_mem>>
          %dma_start3A_230 = tpu.memref_squeeze %dma_start3A_229 : memref<1x!tpu.dma_semaphore, #tpu.memory_space<semaphore_mem>> -> memref<!tpu.dma_semaphore, #tpu.memory_space<semaphore_mem>>
          %dma_start3A_231 = tpu.memref_slice %run_scoped3A[%add3A_226] : memref<32768xi32, #tpu.memory_space<vmem>> -> memref<16384xi32, #tpu.memory_space<vmem>>
          %dma_start3A_232 = tpu.memref_slice %arg2[%mul3A_222] : memref<16777216xi32, #tpu.memory_space<hbm>> -> memref<16384xi32, #tpu.memory_space<hbm>>
          tpu.enqueue_dma source(%dma_start3A_232 : memref<16384xi32, #tpu.memory_space<hbm>>) target(%dma_start3A_231 : memref<16384xi32, #tpu.memory_space<vmem>>) target_semaphore(%dma_start3A_230 : memref<!tpu.dma_semaphore, #tpu.memory_space<semaphore_mem>>)
          "tpu.trace_stop"() : () -> ()
        } else {
        }
        %and3A_163 = arith.constant true
        %and3A_164 = arith.andi %and3A, %and3A_163 : i1
        %add3A_165 = arith.constant 1 : i32
        %add3A_166 = arith.addi %scan3A_124, %add3A_165 : i32
        %select_n3A_167 = arith.select %and3A_164, %add3A_166, %scan3A_124 : i32
        %ne3A_168 = arith.cmpi ne, %add3A_131, %add3A_140 : i32
        %or3A_169 = arith.constant false
        %or3A_170 = arith.ori %or3A_169, %ne3A_168 : i1
        %or3A_171 = arith.ori %or3A_170, %eq3A_128 : i1
        %convert_element_type3A_172 = arith.extui %or3A_171 : i1 to i32
        %cond3A_173 = arith.constant 0 : i32
        %cond3A_174 = arith.cmpi ne, %convert_element_type3A_172, %cond3A_173 : i32
        scf.if %cond3A_174 {
          "tpu.trace_start"() <{level = 10 : i32, message = "ep_wait_in"}> : () -> ()
          %mul3A_219 = arith.constant 16384 : i32
          %mul3A_220 = arith.muli %mul3A_219, %add3A_131 : i32
          %rem3A_221 = arith.constant 2 : i32
          %rem3A_222 = arith.remui %scan3A_125, %rem3A_221 : i32
          %mul3A_223 = arith.constant 16384 : i32
          %mul3A_224 = arith.muli %rem3A_222, %mul3A_223 : i32
          %add3A_225 = arith.constant 0 : i32
          %add3A_226 = arith.addi %mul3A_224, %add3A_225 : i32
          %dma_wait3A_227 = tpu.memref_slice %run_scoped3A[%add3A_226] : memref<32768xi32, #tpu.memory_space<vmem>> -> memref<16384xi32, #tpu.memory_space<vmem>>
          %dma_wait3A_228 = tpu.memref_slice %arg2[%mul3A_220] : memref<16777216xi32, #tpu.memory_space<hbm>> -> memref<16384xi32, #tpu.memory_space<hbm>>
          %dma_wait3A_229 = tpu.memref_slice %run_scoped3A_32[%rem3A_222] : memref<2x!tpu.dma_semaphore, #tpu.memory_space<semaphore_mem>> -> memref<1x!tpu.dma_semaphore, #tpu.memory_space<semaphore_mem>>
          %dma_wait3A_230 = tpu.memref_squeeze %dma_wait3A_229 : memref<1x!tpu.dma_semaphore, #tpu.memory_space<semaphore_mem>> -> memref<!tpu.dma_semaphore, #tpu.memory_space<semaphore_mem>>
          %dma_wait3A_231 = tpu.memref_slice %run_scoped3A[%add3A_226] : memref<32768xi32, #tpu.memory_space<vmem>> -> memref<16384xi32, #tpu.memory_space<vmem>>
          %dma_wait3A_232 = tpu.memref_slice %arg2[%mul3A_220] : memref<16777216xi32, #tpu.memory_space<hbm>> -> memref<16384xi32, #tpu.memory_space<hbm>>
          tpu.wait_dma2 semaphore(%dma_wait3A_230 : memref<!tpu.dma_semaphore, #tpu.memory_space<semaphore_mem>>) src(%dma_wait3A_232 : memref<16384xi32, #tpu.memory_space<hbm>>) dst(%dma_wait3A_231 : memref<16384xi32, #tpu.memory_space<vmem>>)
          "tpu.trace_stop"() : () -> ()
        } else {
        }
        %rem3A_175 = arith.constant 2 : i32
        %rem3A_176 = arith.remui %scan3A_125, %rem3A_175 : i32
        %mul3A_177 = arith.constant 16384 : i32
        %mul3A_178 = arith.muli %rem3A_176, %mul3A_177 : i32
        "tpu.trace_start"() <{level = 10 : i32, message = "ep_run_kernel"}> : () -> ()
        %scan3A_179 = arith.constant 0 : i32
        %scan3A_180 = arith.constant 128 : i32
        %scan3A_181 = arith.addi %scan3A_179, %scan3A_180 : i32
        %scan3A_182 = arith.constant 1 : i32
        scf.for %scan3A_219 = %scan3A_179 to %scan3A_181 step %scan3A_182  : i32 {
          %mul3A_220 = arith.constant 128 : i32
          %mul3A_221 = arith.muli %scan3A_219, %mul3A_220 : i32
          %add3A_222 = arith.constant 0 : i32
          %add3A_223 = arith.addi %add3A_222, %mul3A_221 : i32
          %add3A_224 = arith.constant 0 : i32
          %add3A_225 = arith.addi %add3A_223, %add3A_224 : i32
          %get3A_226 = tpu.memref_slice %run_scoped3A[%mul3A_178] : memref<32768xi32, #tpu.memory_space<vmem>> -> memref<16384xi32, #tpu.memory_space<vmem>>
          %get3A_227 = arith.index_cast %add3A_225 : i32 to index
          %get3A_228 = tpu.vector_load %get3A_226[%get3A_227] {strides = array<i32>} : memref<16384xi32, #tpu.memory_space<vmem>>, vector<16xi32>,
          %shift_right_logical3A = arith.constant 31 : i32
          %shift_right_logical3A_229 = vector.broadcast %shift_right_logical3A : i32 to vector<16xi32>
          %shift_right_logical3A_230 = arith.shrui %get3A_228, %shift_right_logical3A_229 : vector<16xi32>
          %shift_right_logical3A_231 = arith.constant 20 : i32
          %shift_right_logical3A_232 = vector.broadcast %shift_right_logical3A_231 : i32 to vector<16xi32>
          %shift_right_logical3A_233 = arith.shrui %get3A_228, %shift_right_logical3A_232 : vector<16xi32>
          %and3A_234 = arith.andi %shift_right_logical3A_233, %broadcast_in_dim3A_9 : vector<16xi32>
          %shift_left3A = arith.constant 4 : i32
          %shift_left3A_235 = vector.broadcast %shift_left3A : i32 to vector<16xi32>
          %shift_left3A_236 = arith.shli %and3A_234, %shift_left3A_235 : vector<16xi32>
          %add3A_237 = arith.addi %shift_left3A_236, %iota3A : vector<16xi32>
          %eq3A_238 = arith.cmpi eq, %shift_right_logical3A_230, %get3A_12 : vector<16xi32>
          tpu.vector_store_idx %arg5[%add3A_237], %broadcast_in_dim3A_7 masked %eq3A_238 {add = true} : memref<16640xi32, #tpu.memory_space<vmem>>[vector<16xi32>], vector<16xi32>, vector<16xi1>
          %add3A_239 = arith.constant 16 : i32
          %add3A_240 = arith.addi %add3A_223, %add3A_239 : i32
          %get3A_241 = tpu.memref_slice %run_scoped3A[%mul3A_178] : memref<32768xi32, #tpu.memory_space<vmem>> -> memref<16384xi32, #tpu.memory_space<vmem>>
          %get3A_242 = arith.index_cast %add3A_240 : i32 to index
          %get3A_243 = tpu.vector_load %get3A_241[%get3A_242] {strides = array<i32>} : memref<16384xi32, #tpu.memory_space<vmem>>, vector<16xi32>,
          %shift_right_logical3A_244 = arith.constant 31 : i32
          %shift_right_logical3A_245 = vector.broadcast %shift_right_logical3A_244 : i32 to vector<16xi32>
          %shift_right_logical3A_246 = arith.shrui %get3A_243, %shift_right_logical3A_245 : vector<16xi32>
          %shift_right_logical3A_247 = arith.constant 20 : i32
          %shift_right_logical3A_248 = vector.broadcast %shift_right_logical3A_247 : i32 to vector<16xi32>
          %shift_right_logical3A_249 = arith.shrui %get3A_243, %shift_right_logical3A_248 : vector<16xi32>
          %and3A_250 = arith.andi %shift_right_logical3A_249, %broadcast_in_dim3A_9 : vector<16xi32>
          %shift_left3A_251 = arith.constant 4 : i32
          %shift_left3A_252 = vector.broadcast %shift_left3A_251 : i32 to vector<16xi32>
          %shift_left3A_253 = arith.shli %and3A_250, %shift_left3A_252 : vector<16xi32>
          %add3A_254 = arith.addi %shift_left3A_253, %iota3A : vector<16xi32>
          %eq3A_255 = arith.cmpi eq, %shift_right_logical3A_246, %get3A_12 : vector<16xi32>
          tpu.vector_store_idx %arg5[%add3A_254], %broadcast_in_dim3A_7 masked %eq3A_255 {add = true} : memref<16640xi32, #tpu.memory_space<vmem>>[vector<16xi32>], vector<16xi32>, vector<16xi1>
          %add3A_256 = arith.constant 32 : i32
          %add3A_257 = arith.addi %add3A_223, %add3A_256 : i32
          %get3A_258 = tpu.memref_slice %run_scoped3A[%mul3A_178] : memref<32768xi32, #tpu.memory_space<vmem>> -> memref<16384xi32, #tpu.memory_space<vmem>>
          %get3A_259 = arith.index_cast %add3A_257 : i32 to index
          %get3A_260 = tpu.vector_load %get3A_258[%get3A_259] {strides = array<i32>} : memref<16384xi32, #tpu.memory_space<vmem>>, vector<16xi32>,
          %shift_right_logical3A_261 = arith.constant 31 : i32
          %shift_right_logical3A_262 = vector.broadcast %shift_right_logical3A_261 : i32 to vector<16xi32>
          %shift_right_logical3A_263 = arith.shrui %get3A_260, %shift_right_logical3A_262 : vector<16xi32>
          %shift_right_logical3A_264 = arith.constant 20 : i32
          %shift_right_logical3A_265 = vector.broadcast %shift_right_logical3A_264 : i32 to vector<16xi32>
          %shift_right_logical3A_266 = arith.shrui %get3A_260, %shift_right_logical3A_265 : vector<16xi32>
          %and3A_267 = arith.andi %shift_right_logical3A_266, %broadcast_in_dim3A_9 : vector<16xi32>
          %shift_left3A_268 = arith.constant 4 : i32
          %shift_left3A_269 = vector.broadcast %shift_left3A_268 : i32 to vector<16xi32>
          %shift_left3A_270 = arith.shli %and3A_267, %shift_left3A_269 : vector<16xi32>
          %add3A_271 = arith.addi %shift_left3A_270, %iota3A : vector<16xi32>
          %eq3A_272 = arith.cmpi eq, %shift_right_logical3A_263, %get3A_12 : vector<16xi32>
          tpu.vector_store_idx %arg5[%add3A_271], %broadcast_in_dim3A_7 masked %eq3A_272 {add = true} : memref<16640xi32, #tpu.memory_space<vmem>>[vector<16xi32>], vector<16xi32>, vector<16xi1>
          %add3A_273 = arith.constant 48 : i32
          %add3A_274 = arith.addi %add3A_223, %add3A_273 : i32
          %get3A_275 = tpu.memref_slice %run_scoped3A[%mul3A_178] : memref<32768xi32, #tpu.memory_space<vmem>> -> memref<16384xi32, #tpu.memory_space<vmem>>
          %get3A_276 = arith.index_cast %add3A_274 : i32 to index
          %get3A_277 = tpu.vector_load %get3A_275[%get3A_276] {strides = array<i32>} : memref<16384xi32, #tpu.memory_space<vmem>>, vector<16xi32>,
          %shift_right_logical3A_278 = arith.constant 31 : i32
          %shift_right_logical3A_279 = vector.broadcast %shift_right_logical3A_278 : i32 to vector<16xi32>
          %shift_right_logical3A_280 = arith.shrui %get3A_277, %shift_right_logical3A_279 : vector<16xi32>
          %shift_right_logical3A_281 = arith.constant 20 : i32
          %shift_right_logical3A_282 = vector.broadcast %shift_right_logical3A_281 : i32 to vector<16xi32>
          %shift_right_logical3A_283 = arith.shrui %get3A_277, %shift_right_logical3A_282 : vector<16xi32>
          %and3A_284 = arith.andi %shift_right_logical3A_283, %broadcast_in_dim3A_9 : vector<16xi32>
          %shift_left3A_285 = arith.constant 4 : i32
          %shift_left3A_286 = vector.broadcast %shift_left3A_285 : i32 to vector<16xi32>
          %shift_left3A_287 = arith.shli %and3A_284, %shift_left3A_286 : vector<16xi32>
          %add3A_288 = arith.addi %shift_left3A_287, %iota3A : vector<16xi32>
          %eq3A_289 = arith.cmpi eq, %shift_right_logical3A_280, %get3A_12 : vector<16xi32>
          tpu.vector_store_idx %arg5[%add3A_288], %broadcast_in_dim3A_7 masked %eq3A_289 {add = true} : memref<16640xi32, #tpu.memory_space<vmem>>[vector<16xi32>], vector<16xi32>, vector<16xi1>
          %add3A_290 = arith.constant 64 : i32
          %add3A_291 = arith.addi %add3A_223, %add3A_290 : i32
          %get3A_292 = tpu.memref_slice %run_scoped3A[%mul3A_178] : memref<32768xi32, #tpu.memory_space<vmem>> -> memref<16384xi32, #tpu.memory_space<vmem>>
          %get3A_293 = arith.index_cast %add3A_291 : i32 to index
          %get3A_294 = tpu.vector_load %get3A_292[%get3A_293] {strides = array<i32>} : memref<16384xi32, #tpu.memory_space<vmem>>, vector<16xi32>,
          %shift_right_logical3A_295 = arith.constant 31 : i32
          %shift_right_logical3A_296 = vector.broadcast %shift_right_logical3A_295 : i32 to vector<16xi32>
          %shift_right_logical3A_297 = arith.shrui %get3A_294, %shift_right_logical3A_296 : vector<16xi32>
          %shift_right_logical3A_298 = arith.constant 20 : i32
          %shift_right_logical3A_299 = vector.broadcast %shift_right_logical3A_298 : i32 to vector<16xi32>
          %shift_right_logical3A_300 = arith.shrui %get3A_294, %shift_right_logical3A_299 : vector<16xi32>
          %and3A_301 = arith.andi %shift_right_logical3A_300, %broadcast_in_dim3A_9 : vector<16xi32>
          %shift_left3A_302 = arith.constant 4 : i32
          %shift_left3A_303 = vector.broadcast %shift_left3A_302 : i32 to vector<16xi32>
          %shift_left3A_304 = arith.shli %and3A_301, %shift_left3A_303 : vector<16xi32>
          %add3A_305 = arith.addi %shift_left3A_304, %iota3A : vector<16xi32>
          %eq3A_306 = arith.cmpi eq, %shift_right_logical3A_297, %get3A_12 : vector<16xi32>
          tpu.vector_store_idx %arg5[%add3A_305], %broadcast_in_dim3A_7 masked %eq3A_306 {add = true} : memref<16640xi32, #tpu.memory_space<vmem>>[vector<16xi32>], vector<16xi32>, vector<16xi1>
          %add3A_307 = arith.constant 80 : i32
          %add3A_308 = arith.addi %add3A_223, %add3A_307 : i32
          %get3A_309 = tpu.memref_slice %run_scoped3A[%mul3A_178] : memref<32768xi32, #tpu.memory_space<vmem>> -> memref<16384xi32, #tpu.memory_space<vmem>>
          %get3A_310 = arith.index_cast %add3A_308 : i32 to index
          %get3A_311 = tpu.vector_load %get3A_309[%get3A_310] {strides = array<i32>} : memref<16384xi32, #tpu.memory_space<vmem>>, vector<16xi32>,
          %shift_right_logical3A_312 = arith.constant 31 : i32
          %shift_right_logical3A_313 = vector.broadcast %shift_right_logical3A_312 : i32 to vector<16xi32>
          %shift_right_logical3A_314 = arith.shrui %get3A_311, %shift_right_logical3A_313 : vector<16xi32>
          %shift_right_logical3A_315 = arith.constant 20 : i32
          %shift_right_logical3A_316 = vector.broadcast %shift_right_logical3A_315 : i32 to vector<16xi32>
          %shift_right_logical3A_317 = arith.shrui %get3A_311, %shift_right_logical3A_316 : vector<16xi32>
          %and3A_318 = arith.andi %shift_right_logical3A_317, %broadcast_in_dim3A_9 : vector<16xi32>
          %shift_left3A_319 = arith.constant 4 : i32
          %shift_left3A_320 = vector.broadcast %shift_left3A_319 : i32 to vector<16xi32>
          %shift_left3A_321 = arith.shli %and3A_318, %shift_left3A_320 : vector<16xi32>
          %add3A_322 = arith.addi %shift_left3A_321, %iota3A : vector<16xi32>
          %eq3A_323 = arith.cmpi eq, %shift_right_logical3A_314, %get3A_12 : vector<16xi32>
          tpu.vector_store_idx %arg5[%add3A_322], %broadcast_in_dim3A_7 masked %eq3A_323 {add = true} : memref<16640xi32, #tpu.memory_space<vmem>>[vector<16xi32>], vector<16xi32>, vector<16xi1>
          %add3A_324 = arith.constant 96 : i32
          %add3A_325 = arith.addi %add3A_223, %add3A_324 : i32
          %get3A_326 = tpu.memref_slice %run_scoped3A[%mul3A_178] : memref<32768xi32, #tpu.memory_space<vmem>> -> memref<16384xi32, #tpu.memory_space<vmem>>
          %get3A_327 = arith.index_cast %add3A_325 : i32 to index
          %get3A_328 = tpu.vector_load %get3A_326[%get3A_327] {strides = array<i32>} : memref<16384xi32, #tpu.memory_space<vmem>>, vector<16xi32>,
          %shift_right_logical3A_329 = arith.constant 31 : i32
          %shift_right_logical3A_330 = vector.broadcast %shift_right_logical3A_329 : i32 to vector<16xi32>
          %shift_right_logical3A_331 = arith.shrui %get3A_328, %shift_right_logical3A_330 : vector<16xi32>
          %shift_right_logical3A_332 = arith.constant 20 : i32
          %shift_right_logical3A_333 = vector.broadcast %shift_right_logical3A_332 : i32 to vector<16xi32>
          %shift_right_logical3A_334 = arith.shrui %get3A_328, %shift_right_logical3A_333 : vector<16xi32>
          %and3A_335 = arith.andi %shift_right_logical3A_334, %broadcast_in_dim3A_9 : vector<16xi32>
          %shift_left3A_336 = arith.constant 4 : i32
          %shift_left3A_337 = vector.broadcast %shift_left3A_336 : i32 to vector<16xi32>
          %shift_left3A_338 = arith.shli %and3A_335, %shift_left3A_337 : vector<16xi32>
          %add3A_339 = arith.addi %shift_left3A_338, %iota3A : vector<16xi32>
          %eq3A_340 = arith.cmpi eq, %shift_right_logical3A_331, %get3A_12 : vector<16xi32>
          tpu.vector_store_idx %arg5[%add3A_339], %broadcast_in_dim3A_7 masked %eq3A_340 {add = true} : memref<16640xi32, #tpu.memory_space<vmem>>[vector<16xi32>], vector<16xi32>, vector<16xi1>
          %add3A_341 = arith.constant 112 : i32
          %add3A_342 = arith.addi %add3A_223, %add3A_341 : i32
          %get3A_343 = tpu.memref_slice %run_scoped3A[%mul3A_178] : memref<32768xi32, #tpu.memory_space<vmem>> -> memref<16384xi32, #tpu.memory_space<vmem>>
          %get3A_344 = arith.index_cast %add3A_342 : i32 to index
          %get3A_345 = tpu.vector_load %get3A_343[%get3A_344] {strides = array<i32>} : memref<16384xi32, #tpu.memory_space<vmem>>, vector<16xi32>,
          %shift_right_logical3A_346 = arith.constant 31 : i32
          %shift_right_logical3A_347 = vector.broadcast %shift_right_logical3A_346 : i32 to vector<16xi32>
          %shift_right_logical3A_348 = arith.shrui %get3A_345, %shift_right_logical3A_347 : vector<16xi32>
          %shift_right_logical3A_349 = arith.constant 20 : i32
          %shift_right_logical3A_350 = vector.broadcast %shift_right_logical3A_349 : i32 to vector<16xi32>
          %shift_right_logical3A_351 = arith.shrui %get3A_345, %shift_right_logical3A_350 : vector<16xi32>
          %and3A_352 = arith.andi %shift_right_logical3A_351, %broadcast_in_dim3A_9 : vector<16xi32>
          %shift_left3A_353 = arith.constant 4 : i32
          %shift_left3A_354 = vector.broadcast %shift_left3A_353 : i32 to vector<16xi32>
          %shift_left3A_355 = arith.shli %and3A_352, %shift_left3A_354 : vector<16xi32>
          %add3A_356 = arith.addi %shift_left3A_355, %iota3A : vector<16xi32>
          %eq3A_357 = arith.cmpi eq, %shift_right_logical3A_348, %get3A_12 : vector<16xi32>
          tpu.vector_store_idx %arg5[%add3A_356], %broadcast_in_dim3A_7 masked %eq3A_357 {add = true} : memref<16640xi32, #tpu.memory_space<vmem>>[vector<16xi32>], vector<16xi32>, vector<16xi1>
        }
        %scan3A_183 = arith.constant 128 : i32
        "tpu.trace_stop"() : () -> ()
        %ne3A_184 = arith.cmpi ne, %add3A_131, %add3A_149 : i32
        %or3A_185 = arith.constant false
        %or3A_186 = arith.ori %or3A_185, %ne3A_184 : i1
        %or3A_187 = arith.ori %or3A_186, %eq3A_130 : i1
        %convert_element_type3A_188 = arith.extui %or3A_187 : i1 to i32
        %cond3A_189 = arith.constant 0 : i32
        %cond3A_190 = arith.cmpi ne, %convert_element_type3A_188, %cond3A_189 : i32
        scf.if %cond3A_190 {
        } else {
        }
        %and3A_191 = arith.constant false
        %and3A_192 = arith.andi %or3A_187, %and3A_191 : i1
        %ne3A_193 = arith.cmpi ne, %add3A_131, %add3A_140 : i32
        %or3A_194 = arith.constant false
        %or3A_195 = arith.ori %or3A_194, %ne3A_193 : i1
        %not3A_196 = arith.constant true
        %not3A_197 = arith.xori %eq3A_128, %not3A_196 : i1
        %and3A_198 = arith.andi %or3A_195, %not3A_197 : i1
        %convert_element_type3A_199 = arith.extui %and3A_198 : i1 to i32
        %cond3A_200 = arith.constant 0 : i32
        %cond3A_201 = arith.cmpi ne, %convert_element_type3A_199, %cond3A_200 : i32
        scf.if %cond3A_201 {
        } else {
        }
        %and3A_202 = arith.constant false
        %and3A_203 = arith.andi %and3A_198, %and3A_202 : i1
        %ne3A_204 = arith.cmpi ne, %add3A_131, %add3A_149 : i32
        %or3A_205 = arith.constant false
        %or3A_206 = arith.ori %or3A_205, %ne3A_204 : i1
        %or3A_207 = arith.ori %or3A_206, %eq3A_130 : i1
        %add3A_208 = arith.constant 1 : i32
        %add3A_209 = arith.addi %scan3A_125, %add3A_208 : i32
        %select_n3A_210 = arith.select %or3A_207, %add3A_209, %scan3A_125 : i32
        %add3A_211 = arith.constant 1 : i32
        %add3A_212 = arith.addi %scan3A_126, %add3A_211 : i32
        %select_n3A_213 = arith.constant true
        %select_n3A_214 = arith.select %select_n3A_213, %add3A_212, %scan3A_126 : i32
        %eq3A_215 = arith.constant 32 : i32
        %eq3A_216 = arith.cmpi eq, %select_n3A_214, %eq3A_215 : i32
        %select_n3A_217 = arith.constant 0 : i32
        %select_n3A_218 = arith.select %eq3A_216, %select_n3A_217, %select_n3A_214 : i32
        scf.yield %select_n3A_167, %select_n3A_210, %select_n3A_218 : i32, i32, i32
      }
      %scan3A_87 = arith.constant 32 : i32
      %sub3A = arith.constant 1 : i32
      %sub3A_88 = arith.subi %scan3A_86#2, %sub3A : i32
      %select_n3A_89 = arith.constant true
      %select_n3A_90 = arith.select %select_n3A_89, %sub3A_88, %scan3A_86#2 : i32
      %eq3A_91 = arith.constant -1 : i32
      %eq3A_92 = arith.cmpi eq, %select_n3A_90, %eq3A_91 : i32
      %select_n3A_93 = arith.constant 31 : i32
      %select_n3A_94 = arith.select %eq3A_92, %select_n3A_93, %select_n3A_90 : i32
      %add3A_95 = arith.addi %select_n3A_94, %mul3A_21 : i32
      %sub3A_96 = arith.constant 1 : i32
      %sub3A_97 = arith.subi %select_n3A_94, %sub3A_96 : i32
      %select_n3A_98 = arith.constant true
      %select_n3A_99 = arith.select %select_n3A_98, %sub3A_97, %select_n3A_94 : i32
      %eq3A_100 = arith.constant -1 : i32
      %eq3A_101 = arith.cmpi eq, %select_n3A_99, %eq3A_100 : i32
      %select_n3A_102 = arith.constant 31 : i32
      %select_n3A_103 = arith.select %eq3A_101, %select_n3A_102, %select_n3A_99 : i32
      %add3A_104 = arith.addi %select_n3A_103, %mul3A_21 : i32
      %add3A_105 = arith.constant 1 : i32
      %add3A_106 = arith.addi %select_n3A_94, %add3A_105 : i32
      %select_n3A_107 = arith.constant true
      %select_n3A_108 = arith.select %select_n3A_107, %add3A_106, %select_n3A_94 : i32
      %eq3A_109 = arith.constant 32 : i32
      %eq3A_110 = arith.cmpi eq, %select_n3A_108, %eq3A_109 : i32
      %select_n3A_111 = arith.constant 0 : i32
      %select_n3A_112 = arith.select %eq3A_110, %select_n3A_111, %select_n3A_108 : i32
      %add3A_113 = arith.addi %select_n3A_112, %mul3A_21 : i32
      %add3A_114 = arith.constant 1 : i32
      %add3A_115 = arith.addi %select_n3A_112, %add3A_114 : i32
      %select_n3A_116 = arith.constant true
      %select_n3A_117 = arith.select %select_n3A_116, %add3A_115, %select_n3A_112 : i32
      %eq3A_118 = arith.constant 32 : i32
      %eq3A_119 = arith.cmpi eq, %select_n3A_117, %eq3A_118 : i32
      %select_n3A_120 = arith.constant 0 : i32
      %select_n3A_121 = arith.select %eq3A_119, %select_n3A_120, %select_n3A_117 : i32
      %add3A_122 = arith.addi %select_n3A_121, %mul3A_21 : i32
      tpu.yield
    }) : () -> ()
    %dma_start3A = arith.constant 0 : i32
    %dma_start3A_22 = tpu.memref_slice %arg4[%add3A, %dma_start3A] : memref<32x16640xi32, #tpu.memory_space<hbm>> -> memref<1x16640xi32, #tpu.memory_space<hbm>>
    %dma_start3A_23 = tpu.memref_squeeze %dma_start3A_22 : memref<1x16640xi32, #tpu.memory_space<hbm>> -> memref<16640xi32, #tpu.memory_space<hbm>>
    %dma_start3A_24 = arith.constant 0 : i32
    %dma_start3A_25 = tpu.memref_slice %arg4[%add3A, %dma_start3A_24] : memref<32x16640xi32, #tpu.memory_space<hbm>> -> memref<1x16640xi32, #tpu.memory_space<hbm>>
    %dma_start3A_26 = tpu.memref_squeeze %dma_start3A_25 : memref<1x16640xi32, #tpu.memory_space<hbm>> -> memref<16640xi32, #tpu.memory_space<hbm>>
    tpu.enqueue_dma source(%arg5 : memref<16640xi32, #tpu.memory_space<vmem>>) target(%dma_start3A_26 : memref<16640xi32, #tpu.memory_space<hbm>>) target_semaphore(%arg7 : memref<!tpu.dma_semaphore, #tpu.memory_space<semaphore_mem>>)
    %dma_wait3A = arith.constant 0 : i32
    %dma_wait3A_27 = tpu.memref_slice %arg4[%add3A, %dma_wait3A] : memref<32x16640xi32, #tpu.memory_space<hbm>> -> memref<1x16640xi32, #tpu.memory_space<hbm>>
    %dma_wait3A_28 = tpu.memref_squeeze %dma_wait3A_27 : memref<1x16640xi32, #tpu.memory_space<hbm>> -> memref<16640xi32, #tpu.memory_space<hbm>>
    %dma_wait3A_29 = arith.constant 0 : i32
    %dma_wait3A_30 = tpu.memref_slice %arg4[%add3A, %dma_wait3A_29] : memref<32x16640xi32, #tpu.memory_space<hbm>> -> memref<1x16640xi32, #tpu.memory_space<hbm>>
    %dma_wait3A_31 = tpu.memref_squeeze %dma_wait3A_30 : memref<1x16640xi32, #tpu.memory_space<hbm>> -> memref<16640xi32, #tpu.memory_space<hbm>>
    tpu.wait_dma2 semaphore(%arg7 : memref<!tpu.dma_semaphore, #tpu.memory_space<semaphore_mem>>) src(%arg5 : memref<16640xi32, #tpu.memory_space<vmem>>) dst(%dma_wait3A_31 : memref<16640xi32, #tpu.memory_space<hbm>>)
    return
  }
}

module attributes {stable_mosaic.version = 14 : i64} {
  func.func @_prep_kernel(%arg0: memref<4096x128xf32, #tpu.memory_space<vmem>>, %arg1: memref<128x128xf32, #tpu.memory_space<vmem>>, %arg2: memref<4096x128xf32, #tpu.memory_space<vmem>>, %arg3: memref<4096x128xf32, #tpu.memory_space<vmem>>) attributes {dimension_semantics = [], scalar_prefetch = 0 : i64, scratch_operands = 0 : i64, tpu.core_type = #tpu.core_type<tc>} {
    %get3A = arith.constant 0 : index
    %get3A_0 = arith.constant 0 : index
    %get3A_1 = vector.load %arg0[%get3A, %get3A_0] : memref<4096x128xf32, #tpu.memory_space<vmem>>, vector<4096x128xf32>
    %mul3A = arith.mulf %get3A_1, %get3A_1 : vector<4096x128xf32>
    %reduce_sum3A = arith.constant dense<0.000000e+00> : vector<4096xf32>
    %reduce_sum3A_2 = vector.multi_reduction <add>, %mul3A, %reduce_sum3A [1] : vector<4096x128xf32> to vector<4096xf32>
    %broadcast_in_dim3A = vector.shape_cast %reduce_sum3A_2 : vector<4096xf32> to vector<4096x1xf32>
    %sqrt3A = math.sqrt %broadcast_in_dim3A : vector<4096x1xf32>
    %max3A = arith.constant 9.99999993E-9 : f32
    %max3A_3 = vector.broadcast %max3A : f32 to vector<4096x1xf32>
    %max3A_4 = arith.maximumf %sqrt3A, %max3A_3 : vector<4096x1xf32>
    %div3A = vector.broadcast %max3A_4 : vector<4096x1xf32> to vector<4096x128xf32>
    %div3A_5 = arith.divf %get3A_1, %div3A : vector<4096x128xf32>
    %swap3A = arith.constant 0 : index
    %swap3A_6 = arith.constant 0 : index
    %swap3A_7 = vector.load %arg2[%swap3A, %swap3A_6] : memref<4096x128xf32, #tpu.memory_space<vmem>>, vector<4096x128xf32>
    tpu.vector_store %arg2[%swap3A, %swap3A_6], %div3A_5 {strides = array<i32>} : memref<4096x128xf32, #tpu.memory_space<vmem>>, vector<4096x128xf32>,
    %get3A_8 = arith.constant 0 : index
    %get3A_9 = arith.constant 0 : index
    %get3A_10 = vector.load %arg1[%get3A_8, %get3A_9] : memref<128x128xf32, #tpu.memory_space<vmem>>, vector<128x128xf32>
    %dot_general3A = arith.constant dense<0.000000e+00> : vector<4096x128xf32>
    %dot_general3A_11 = tpu.matmul %get3A_1, %get3A_10, %dot_general3A {dimension_numbers = #tpu.dot_dimension_numbers<[1], [1], [0], [0], [0, 0, 1, 0], [], []>, transpose_lhs_hint = false} : vector<4096x128xf32>, vector<128x128xf32>, vector<4096x128xf32> -> vector<4096x128xf32>
    %max3A_12 = arith.constant 0.000000e+00 : f32
    %max3A_13 = vector.broadcast %max3A_12 : f32 to vector<4096x128xf32>
    %max3A_14 = arith.maximumf %dot_general3A_11, %max3A_13 : vector<4096x128xf32>
    %swap3A_15 = arith.constant 0 : index
    %swap3A_16 = arith.constant 0 : index
    %swap3A_17 = vector.load %arg3[%swap3A_15, %swap3A_16] : memref<4096x128xf32, #tpu.memory_space<vmem>>, vector<4096x128xf32>
    tpu.vector_store %arg3[%swap3A_15, %swap3A_16], %max3A_14 {strides = array<i32>} : memref<4096x128xf32, #tpu.memory_space<vmem>>, vector<4096x128xf32>,
    return
  }
}

module attributes {stable_mosaic.version = 14 : i64} {
  func.func @_sim_kernel(%arg0: i32, %arg1: memref<512x128xf32, #tpu.memory_space<vmem>>, %arg2: memref<4096x128xf32, #tpu.memory_space<vmem>>, %arg3: memref<512x4096xi32, #tpu.memory_space<vmem>>) attributes {dimension_semantics = [#tpu.dimension_semantics<arbitrary>], iteration_bounds = array<i64: 8>, scalar_prefetch = 0 : i64, scratch_operands = 0 : i64, tpu.core_type = #tpu.core_type<tc>, window_params = [{transform_indices = @transform_0, window_bounds = array<i64: 512, 128>}, {pipeline_mode = #tpu.pipeline_mode<synchronous>, transform_indices = @transform_1, window_bounds = array<i64: 4096, 128>}, {transform_indices = @transform_2, window_bounds = array<i64: 512, 4096>}]} {
    %get3A = arith.constant 0 : index
    %get3A_0 = arith.constant 0 : index
    %get3A_1 = vector.load %arg1[%get3A, %get3A_0] : memref<512x128xf32, #tpu.memory_space<vmem>>, vector<512x128xf32>
    %get3A_2 = arith.constant 0 : index
    %get3A_3 = arith.constant 0 : index
    %get3A_4 = vector.load %arg2[%get3A_2, %get3A_3] : memref<4096x128xf32, #tpu.memory_space<vmem>>, vector<4096x128xf32>
    %dot_general3A = arith.constant dense<0.000000e+00> : vector<512x4096xf32>
    %dot_general3A_5 = tpu.matmul %get3A_1, %get3A_4, %dot_general3A {dimension_numbers = #tpu.dot_dimension_numbers<[1], [1], [0], [0], [0, 0, 1, 0], [], []>, transpose_lhs_hint = false} : vector<512x128xf32>, vector<4096x128xf32>, vector<512x4096xf32> -> vector<512x4096xf32>
    %abs3A = math.absf %dot_general3A_5 : vector<512x4096xf32>
    %bitcast3A = tpu.bitcast %abs3A : vector<512x4096xf32> -> vector<512x4096xi32>
    %swap3A = arith.constant 0 : index
    %swap3A_6 = arith.constant 0 : index
    %swap3A_7 = vector.load %arg3[%swap3A, %swap3A_6] : memref<512x4096xi32, #tpu.memory_space<vmem>>, vector<512x4096xi32>
    tpu.vector_store %arg3[%swap3A, %swap3A_6], %bitcast3A {strides = array<i32>} : memref<512x4096xi32, #tpu.memory_space<vmem>>, vector<512x4096xi32>,
    return
  }
  func.func @transform_0(%arg0: i32) -> (i32, i32) {
    %c0_i32 = arith.constant 0 : i32
    %c0_i32_0 = arith.constant 0 : i32
    return %arg0, %c0_i32 : i32, i32
  }
  func.func @transform_1(%arg0: i32) -> (i32, i32) {
    %c0_i32 = arith.constant 0 : i32
    %c0_i32_0 = arith.constant 0 : i32
    %c0_i32_1 = arith.constant 0 : i32
    return %c0_i32, %c0_i32_0 : i32, i32
  }
  func.func @transform_2(%arg0: i32) -> (i32, i32) {
    %c0_i32 = arith.constant 0 : i32
    %c0_i32_0 = arith.constant 0 : i32
    return %arg0, %c0_i32 : i32, i32
  }
}

module attributes {stable_mosaic.version = 14 : i64} {
  func.func @pick(%arg0: memref<32x130x128xi32, #tpu.memory_space<vmem>>, %arg1: memref<2x16xi32, #tpu.memory_space<smem>>, %arg2: memref<2x16xi32, #tpu.memory_space<vmem>>) attributes {dimension_semantics = [], scalar_prefetch = 0 : i64, scratch_operands = 0 : i64, tpu.core_type = #tpu.core_type<tc>} {
    %get3A = arith.constant 0 : index
    %get3A_0 = arith.constant 0 : index
    %get3A_1 = arith.constant 0 : index
    %get3A_2 = vector.load %arg0[%get3A, %get3A_0, %get3A_1] : memref<32x130x128xi32, #tpu.memory_space<vmem>>, vector<32x130x128xi32>
    %convert_element_type3A = arith.sitofp %get3A_2 : vector<32x130x128xi32> to vector<32x130x128xf32>
    %reduce_sum3A = arith.constant dense<0.000000e+00> : vector<130x128xf32>
    %reduce_sum3A_3 = vector.multi_reduction <add>, %convert_element_type3A, %reduce_sum3A [0] : vector<32x130x128xf32> to vector<130x128xf32>
    %iota3A = tpu.iota {dimensions = array<i32: 0>} : vector<128x8xi32>
    %iota3A_4 = tpu.iota {dimensions = array<i32: 1>} : vector<128x8xi32>
    %shift_right_logical3A = arith.constant 4 : i32
    %shift_right_logical3A_5 = vector.broadcast %shift_right_logical3A : i32 to vector<128x8xi32>
    %shift_right_logical3A_6 = arith.shrui %iota3A, %shift_right_logical3A_5 : vector<128x8xi32>
    %eq3A = arith.cmpi eq, %shift_right_logical3A_6, %iota3A_4 : vector<128x8xi32>
    %convert_element_type3A_7 = arith.extui %eq3A : vector<128x8xi1> to vector<128x8xi32>
    %convert_element_type3A_8 = arith.sitofp %convert_element_type3A_7 : vector<128x8xi32> to vector<128x8xf32>
    %dot_general3A = arith.constant dense<0.000000e+00> : vector<130x8xf32>
    %dot_general3A_9 = tpu.matmul %reduce_sum3A_3, %convert_element_type3A_8, %dot_general3A {dimension_numbers = #tpu.dot_dimension_numbers<[1], [0], [0], [1], [0, 0, 1, 1], [], []>, transpose_lhs_hint = false} : vector<130x128xf32>, vector<128x8xf32>, vector<130x8xf32> -> vector<130x8xf32>
    %iota3A_10 = tpu.iota {dimensions = array<i32: 0>} : vector<8x8xi32>
    %iota3A_11 = tpu.iota {dimensions = array<i32: 1>} : vector<8x8xi32>
    %le3A = arith.cmpi sle, %iota3A_10, %iota3A_11 : vector<8x8xi32>
    %convert_element_type3A_12 = arith.extui %le3A : vector<8x8xi1> to vector<8x8xi32>
    %convert_element_type3A_13 = arith.sitofp %convert_element_type3A_12 : vector<8x8xi32> to vector<8x8xf32>
    %dot_general3A_14 = arith.constant dense<0.000000e+00> : vector<130x8xf32>
    %dot_general3A_15 = tpu.matmul %dot_general3A_9, %convert_element_type3A_13, %dot_general3A_14 {dimension_numbers = #tpu.dot_dimension_numbers<[1], [0], [0], [1], [0, 0, 1, 1], [], []>, transpose_lhs_hint = false} : vector<130x8xf32>, vector<8x8xf32>, vector<130x8xf32> -> vector<130x8xf32>
    %slice3A = vector.extract_strided_slice %dot_general3A_15 {offsets = [0, 7], sizes = [130, 1], strides = [1, 1]} : vector<130x8xf32> to vector<130x1xf32>
    %iota3A_16 = tpu.iota {dimensions = array<i32: 0>} : vector<130x130xi32>
    %iota3A_17 = tpu.iota {dimensions = array<i32: 1>} : vector<130x130xi32>
    %lt3A = arith.cmpi slt, %iota3A_17, %iota3A_16 : vector<130x130xi32>
    %convert_element_type3A_18 = arith.extui %lt3A : vector<130x130xi1> to vector<130x130xi32>
    %convert_element_type3A_19 = arith.sitofp %convert_element_type3A_18 : vector<130x130xi32> to vector<130x130xf32>
    %dot_general3A_20 = arith.constant dense<0.000000e+00> : vector<130x1xf32>
    %dot_general3A_21 = tpu.matmul %convert_element_type3A_19, %slice3A, %dot_general3A_20 {dimension_numbers = #tpu.dot_dimension_numbers<[1], [0], [0], [1], [0, 0, 1, 1], [], []>, transpose_lhs_hint = false} : vector<130x130xf32>, vector<130x1xf32>, vector<130x1xf32> -> vector<130x1xf32>
    %add3A = vector.broadcast %dot_general3A_21 : vector<130x1xf32> to vector<130x8xf32>
    %add3A_22 = arith.addf %dot_general3A_15, %add3A : vector<130x8xf32>
    %get3A_23 = arith.constant 1 : index
    %get3A_24 = arith.constant 0 : index
    %get3A_25 = memref.load %arg1[%get3A_23, %get3A_24] : memref<2x16xi32, #tpu.memory_space<smem>>
    %convert_element_type3A_26 = arith.sitofp %get3A_25 : i32 to f32
    %add3A_27 = arith.constant 1.000000e+00 : f32
    %add3A_28 = arith.addf %convert_element_type3A_26, %add3A_27 : f32
    %iota3A_29 = tpu.iota {dimensions = array<i32: 0>} : vector<130x8xi32>
    %mul3A = arith.constant 8 : i32
    %mul3A_30 = vector.broadcast %mul3A : i32 to vector<130x8xi32>
    %mul3A_31 = arith.muli %iota3A_29, %mul3A_30 : vector<130x8xi32>
    %iota3A_32 = tpu.iota {dimensions = array<i32: 1>} : vector<130x8xi32>
    %add3A_33 = arith.addi %mul3A_31, %iota3A_32 : vector<130x8xi32>
    %ge3A = vector.broadcast %add3A_28 : f32 to vector<130x8xf32>
    %ge3A_34 = arith.cmpf oge, %add3A_22, %ge3A : vector<130x8xf32>
    %jit3A = arith.constant 1073741824 : i32
    %broadcast_in_dim3A = vector.broadcast %jit3A : i32 to vector<130x8xi32>
    %select_n3A = arith.select %ge3A_34, %add3A_33, %broadcast_in_dim3A : vector<130x8xi1>, vector<130x8xi32>
    %reduce_min3A = vector.shape_cast %select_n3A : vector<130x8xi32> to vector<1x130x8xi32>
    %reduce_min3A_35 = arith.constant dense<2147483647> : vector<1xi32>
    %reduce_min3A_36 = vector.multi_reduction <minsi>, %reduce_min3A, %reduce_min3A_35 [1, 2] : vector<1x130x8xi32> to vector<1xi32>
    %reduce_min3A_37 = vector.shape_cast %reduce_min3A_36 : vector<1xi32> to vector<1x1x1xi32>
    %reduce_min3A_38 = vector.extract %reduce_min3A_37[0, 0, 0] : i32 from vector<1x1x1xi32>
    %jit3A_39 = arith.constant 3.000000e+08 : f32
    %broadcast_in_dim3A_40 = vector.broadcast %jit3A_39 : f32 to vector<130x8xf32>
    %select_n3A_41 = arith.select %ge3A_34, %add3A_22, %broadcast_in_dim3A_40 : vector<130x8xi1>, vector<130x8xf32>
    %reduce_min3A_42 = vector.shape_cast %select_n3A_41 : vector<130x8xf32> to vector<1x130x8xf32>
    %reduce_min3A_43 = arith.constant dense<0x7F800000> : vector<1xf32>
    %reduce_min3A_44 = vector.multi_reduction <minimumf>, %reduce_min3A_42, %reduce_min3A_43 [1, 2] : vector<1x130x8xf32> to vector<1xf32>
    %reduce_min3A_45 = vector.shape_cast %reduce_min3A_44 : vector<1xf32> to vector<1x1x1xf32>
    %reduce_min3A_46 = vector.extract %reduce_min3A_45[0, 0, 0] : f32 from vector<1x1x1xf32>
    %eq3A_47 = vector.broadcast %reduce_min3A_38 : i32 to vector<130x8xi32>
    %eq3A_48 = arith.cmpi eq, %add3A_33, %eq3A_47 : vector<130x8xi32>
    %jit3A_49 = arith.constant 0.000000e+00 : f32
    %broadcast_in_dim3A_50 = vector.broadcast %jit3A_49 : f32 to vector<130x8xf32>
    %select_n3A_51 = arith.select %eq3A_48, %dot_general3A_9, %broadcast_in_dim3A_50 : vector<130x8xi1>, vector<130x8xf32>
    %reduce_sum3A_52 = vector.shape_cast %select_n3A_51 : vector<130x8xf32> to vector<1x130x8xf32>
    %reduce_sum3A_53 = arith.constant dense<0.000000e+00> : vector<1xf32>
    %reduce_sum3A_54 = vector.multi_reduction <add>, %reduce_sum3A_52, %reduce_sum3A_53 [1, 2] : vector<1x130x8xf32> to vector<1xf32>
    %reduce_sum3A_55 = vector.shape_cast %reduce_sum3A_54 : vector<1xf32> to vector<1x1x1xf32>
    %reduce_sum3A_56 = vector.extract %reduce_sum3A_55[0, 0, 0] : f32 from vector<1x1x1xf32>
    %sub3A = arith.subf %reduce_min3A_46, %reduce_sum3A_56 : f32
    %convert_element_type3A_57 = arith.fptosi %sub3A : f32 to i32
    %sub3A_58 = arith.subi %get3A_25, %convert_element_type3A_57 : i32
    %get3A_59 = arith.constant 0 : index
    %get3A_60 = arith.constant 0 : index
    %get3A_61 = memref.load %arg1[%get3A_59, %get3A_60] : memref<2x16xi32, #tpu.memory_space<smem>>
    %shift_left3A = arith.constant 11 : i32
    %shift_left3A_62 = arith.shli %get3A_61, %shift_left3A : i32
    %or3A = arith.ori %shift_left3A_62, %reduce_min3A_38 : i32
    %iota3A_63 = tpu.iota {dimensions = array<i32: 0>} : vector<2x16xi32>
    %eq3A_64 = arith.constant 0 : i32
    %eq3A_65 = vector.broadcast %eq3A_64 : i32 to vector<2x16xi32>
    %eq3A_66 = arith.cmpi eq, %iota3A_63, %eq3A_65 : vector<2x16xi32>
    %broadcast_in_dim3A_67 = vector.broadcast %or3A : i32 to vector<2x16xi32>
    %broadcast_in_dim3A_68 = vector.broadcast %sub3A_58 : i32 to vector<2x16xi32>
    %select_n3A_69 = arith.select %eq3A_66, %broadcast_in_dim3A_67, %broadcast_in_dim3A_68 : vector<2x16xi1>, vector<2x16xi32>
    %swap3A = arith.constant 0 : index
    %swap3A_70 = arith.constant 0 : index
    %swap3A_71 = vector.load %arg2[%swap3A, %swap3A_70] : memref<2x16xi32, #tpu.memory_space<vmem>>, vector<2x16xi32>
    tpu.vector_store %arg2[%swap3A, %swap3A_70], %select_n3A_69 {strides = array<i32>} : memref<2x16xi32, #tpu.memory_space<vmem>>, vector<2x16xi32>,
    return
  }
}

module attributes {stable_mosaic.version = 14 : i64} {
  func.func @pick(%arg0: memref<32x128x128xi32, #tpu.memory_space<vmem>>, %arg1: memref<2x16xi32, #tpu.memory_space<smem>>, %arg2: memref<2x16xi32, #tpu.memory_space<vmem>>) attributes {dimension_semantics = [], scalar_prefetch = 0 : i64, scratch_operands = 0 : i64, tpu.core_type = #tpu.core_type<tc>} {
    %get3A = arith.constant 0 : index
    %get3A_0 = arith.constant 0 : index
    %get3A_1 = arith.constant 0 : index
    %get3A_2 = vector.load %arg0[%get3A, %get3A_0, %get3A_1] : memref<32x128x128xi32, #tpu.memory_space<vmem>>, vector<32x128x128xi32>
    %convert_element_type3A = arith.sitofp %get3A_2 : vector<32x128x128xi32> to vector<32x128x128xf32>
    %reduce_sum3A = arith.constant dense<0.000000e+00> : vector<128x128xf32>
    %reduce_sum3A_3 = vector.multi_reduction <add>, %convert_element_type3A, %reduce_sum3A [0] : vector<32x128x128xf32> to vector<128x128xf32>
    %iota3A = tpu.iota {dimensions = array<i32: 0>} : vector<128x8xi32>
    %iota3A_4 = tpu.iota {dimensions = array<i32: 1>} : vector<128x8xi32>
    %shift_right_logical3A = arith.constant 4 : i32
    %shift_right_logical3A_5 = vector.broadcast %shift_right_logical3A : i32 to vector<128x8xi32>
    %shift_right_logical3A_6 = arith.shrui %iota3A, %shift_right_logical3A_5 : vector<128x8xi32>
    %eq3A = arith.cmpi eq, %shift_right_logical3A_6, %iota3A_4 : vector<128x8xi32>
    %convert_element_type3A_7 = arith.extui %eq3A : vector<128x8xi1> to vector<128x8xi32>
    %convert_element_type3A_8 = arith.sitofp %convert_element_type3A_7 : vector<128x8xi32> to vector<128x8xf32>
    %dot_general3A = arith.constant dense<0.000000e+00> : vector<128x8xf32>
    %dot_general3A_9 = tpu.matmul %reduce_sum3A_3, %convert_element_type3A_8, %dot_general3A {dimension_numbers = #tpu.dot_dimension_numbers<[1], [0], [0], [1], [0, 0, 1, 1], [], []>, transpose_lhs_hint = false} : vector<128x128xf32>, vector<128x8xf32>, vector<128x8xf32> -> vector<128x8xf32>
    %iota3A_10 = tpu.iota {dimensions = array<i32: 0>} : vector<8x8xi32>
    %iota3A_11 = tpu.iota {dimensions = array<i32: 1>} : vector<8x8xi32>
    %le3A = arith.cmpi sle, %iota3A_10, %iota3A_11 : vector<8x8xi32>
    %convert_element_type3A_12 = arith.extui %le3A : vector<8x8xi1> to vector<8x8xi32>
    %convert_element_type3A_13 = arith.sitofp %convert_element_type3A_12 : vector<8x8xi32> to vector<8x8xf32>
    %dot_general3A_14 = arith.constant dense<0.000000e+00> : vector<128x8xf32>
    %dot_general3A_15 = tpu.matmul %dot_general3A_9, %convert_element_type3A_13, %dot_general3A_14 {dimension_numbers = #tpu.dot_dimension_numbers<[1], [0], [0], [1], [0, 0, 1, 1], [], []>, transpose_lhs_hint = false} : vector<128x8xf32>, vector<8x8xf32>, vector<128x8xf32> -> vector<128x8xf32>
    %slice3A = vector.extract_strided_slice %dot_general3A_15 {offsets = [0, 7], sizes = [128, 1], strides = [1, 1]} : vector<128x8xf32> to vector<128x1xf32>
    %iota3A_16 = tpu.iota {dimensions = array<i32: 0>} : vector<128x128xi32>
    %iota3A_17 = tpu.iota {dimensions = array<i32: 1>} : vector<128x128xi32>
    %lt3A = arith.cmpi slt, %iota3A_17, %iota3A_16 : vector<128x128xi32>
    %convert_element_type3A_18 = arith.extui %lt3A : vector<128x128xi1> to vector<128x128xi32>
    %convert_element_type3A_19 = arith.sitofp %convert_element_type3A_18 : vector<128x128xi32> to vector<128x128xf32>
    %dot_general3A_20 = arith.constant dense<0.000000e+00> : vector<128x1xf32>
    %dot_general3A_21 = tpu.matmul %convert_element_type3A_19, %slice3A, %dot_general3A_20 {dimension_numbers = #tpu.dot_dimension_numbers<[1], [0], [0], [1], [0, 0, 1, 1], [], []>, transpose_lhs_hint = false} : vector<128x128xf32>, vector<128x1xf32>, vector<128x1xf32> -> vector<128x1xf32>
    %add3A = vector.broadcast %dot_general3A_21 : vector<128x1xf32> to vector<128x8xf32>
    %add3A_22 = arith.addf %dot_general3A_15, %add3A : vector<128x8xf32>
    %get3A_23 = arith.constant 1 : index
    %get3A_24 = arith.constant 0 : index
    %get3A_25 = memref.load %arg1[%get3A_23, %get3A_24] : memref<2x16xi32, #tpu.memory_space<smem>>
    %convert_element_type3A_26 = arith.sitofp %get3A_25 : i32 to f32
    %add3A_27 = arith.constant 1.000000e+00 : f32
    %add3A_28 = arith.addf %convert_element_type3A_26, %add3A_27 : f32
    %iota3A_29 = tpu.iota {dimensions = array<i32: 0>} : vector<128x8xi32>
    %mul3A = arith.constant 8 : i32
    %mul3A_30 = vector.broadcast %mul3A : i32 to vector<128x8xi32>
    %mul3A_31 = arith.muli %iota3A_29, %mul3A_30 : vector<128x8xi32>
    %iota3A_32 = tpu.iota {dimensions = array<i32: 1>} : vector<128x8xi32>
    %add3A_33 = arith.addi %mul3A_31, %iota3A_32 : vector<128x8xi32>
    %ge3A = vector.broadcast %add3A_28 : f32 to vector<128x8xf32>
    %ge3A_34 = arith.cmpf oge, %add3A_22, %ge3A : vector<128x8xf32>
    %jit3A = arith.constant 1073741824 : i32
    %broadcast_in_dim3A = vector.broadcast %jit3A : i32 to vector<128x8xi32>
    %select_n3A = arith.select %ge3A_34, %add3A_33, %broadcast_in_dim3A : vector<128x8xi1>, vector<128x8xi32>
    %reduce_min3A = vector.shape_cast %select_n3A : vector<128x8xi32> to vector<1x128x8xi32>
    %reduce_min3A_35 = arith.constant dense<2147483647> : vector<1xi32>
    %reduce_min3A_36 = vector.multi_reduction <minsi>, %reduce_min3A, %reduce_min3A_35 [1, 2] : vector<1x128x8xi32> to vector<1xi32>
    %reduce_min3A_37 = vector.shape_cast %reduce_min3A_36 : vector<1xi32> to vector<1x1x1xi32>
    %reduce_min3A_38 = vector.extract %reduce_min3A_37[0, 0, 0] : i32 from vector<1x1x1xi32>
    %jit3A_39 = arith.constant 3.000000e+08 : f32
    %broadcast_in_dim3A_40 = vector.broadcast %jit3A_39 : f32 to vector<128x8xf32>
    %select_n3A_41 = arith.select %ge3A_34, %add3A_22, %broadcast_in_dim3A_40 : vector<128x8xi1>, vector<128x8xf32>
    %reduce_min3A_42 = vector.shape_cast %select_n3A_41 : vector<128x8xf32> to vector<1x128x8xf32>
    %reduce_min3A_43 = arith.constant dense<0x7F800000> : vector<1xf32>
    %reduce_min3A_44 = vector.multi_reduction <minimumf>, %reduce_min3A_42, %reduce_min3A_43 [1, 2] : vector<1x128x8xf32> to vector<1xf32>
    %reduce_min3A_45 = vector.shape_cast %reduce_min3A_44 : vector<1xf32> to vector<1x1x1xf32>
    %reduce_min3A_46 = vector.extract %reduce_min3A_45[0, 0, 0] : f32 from vector<1x1x1xf32>
    %eq3A_47 = vector.broadcast %reduce_min3A_38 : i32 to vector<128x8xi32>
    %eq3A_48 = arith.cmpi eq, %add3A_33, %eq3A_47 : vector<128x8xi32>
    %jit3A_49 = arith.constant 0.000000e+00 : f32
    %broadcast_in_dim3A_50 = vector.broadcast %jit3A_49 : f32 to vector<128x8xf32>
    %select_n3A_51 = arith.select %eq3A_48, %dot_general3A_9, %broadcast_in_dim3A_50 : vector<128x8xi1>, vector<128x8xf32>
    %reduce_sum3A_52 = vector.shape_cast %select_n3A_51 : vector<128x8xf32> to vector<1x128x8xf32>
    %reduce_sum3A_53 = arith.constant dense<0.000000e+00> : vector<1xf32>
    %reduce_sum3A_54 = vector.multi_reduction <add>, %reduce_sum3A_52, %reduce_sum3A_53 [1, 2] : vector<1x128x8xf32> to vector<1xf32>
    %reduce_sum3A_55 = vector.shape_cast %reduce_sum3A_54 : vector<1xf32> to vector<1x1x1xf32>
    %reduce_sum3A_56 = vector.extract %reduce_sum3A_55[0, 0, 0] : f32 from vector<1x1x1xf32>
    %sub3A = arith.subf %reduce_min3A_46, %reduce_sum3A_56 : f32
    %convert_element_type3A_57 = arith.fptosi %sub3A : f32 to i32
    %sub3A_58 = arith.subi %get3A_25, %convert_element_type3A_57 : i32
    %get3A_59 = arith.constant 0 : index
    %get3A_60 = arith.constant 0 : index
    %get3A_61 = memref.load %arg1[%get3A_59, %get3A_60] : memref<2x16xi32, #tpu.memory_space<smem>>
    %shift_left3A = arith.constant 10 : i32
    %shift_left3A_62 = arith.shli %get3A_61, %shift_left3A : i32
    %or3A = arith.ori %shift_left3A_62, %reduce_min3A_38 : i32
    %iota3A_63 = tpu.iota {dimensions = array<i32: 0>} : vector<2x16xi32>
    %eq3A_64 = arith.constant 0 : i32
    %eq3A_65 = vector.broadcast %eq3A_64 : i32 to vector<2x16xi32>
    %eq3A_66 = arith.cmpi eq, %iota3A_63, %eq3A_65 : vector<2x16xi32>
    %broadcast_in_dim3A_67 = vector.broadcast %or3A : i32 to vector<2x16xi32>
    %broadcast_in_dim3A_68 = vector.broadcast %sub3A_58 : i32 to vector<2x16xi32>
    %select_n3A_69 = arith.select %eq3A_66, %broadcast_in_dim3A_67, %broadcast_in_dim3A_68 : vector<2x16xi1>, vector<2x16xi32>
    %swap3A = arith.constant 0 : index
    %swap3A_70 = arith.constant 0 : index
    %swap3A_71 = vector.load %arg2[%swap3A, %swap3A_70] : memref<2x16xi32, #tpu.memory_space<vmem>>, vector<2x16xi32>
    tpu.vector_store %arg2[%swap3A, %swap3A_70], %select_n3A_69 {strides = array<i32>} : memref<2x16xi32, #tpu.memory_space<vmem>>, vector<2x16xi32>,
    return
  }
}

module attributes {stable_mosaic.version = 14 : i64} {
  func.func @_sage_kernel(%arg0: i32, %arg1: memref<1xi32, #tpu.memory_space<smem>>, %arg2: memref<512x4096xi32, #tpu.memory_space<vmem>>, %arg3: memref<4096x128xf32, #tpu.memory_space<vmem>>, %arg4: memref<512x128xf32, #tpu.memory_space<vmem>>, %arg5: memref<128x128xf32, #tpu.memory_space<vmem>>, %arg6: memref<1x128xf32, #tpu.memory_space<vmem>>, %arg7: memref<128x128xf32, #tpu.memory_space<vmem>>, %arg8: memref<64x128xf32, #tpu.memory_space<vmem>>, %arg9: memref<1x64xf32, #tpu.memory_space<vmem>>, %arg10: memref<512x64xf32, #tpu.memory_space<vmem>>) attributes {dimension_semantics = [#tpu.dimension_semantics<arbitrary>], iteration_bounds = array<i64: 8>, scalar_prefetch = 0 : i64, scratch_operands = 0 : i64, tpu.core_type = #tpu.core_type<tc>, window_params = [{transform_indices = @transform_0, window_bounds = array<i64: 1>}, {transform_indices = @transform_1, window_bounds = array<i64: 512, 4096>}, {pipeline_mode = #tpu.pipeline_mode<synchronous>, transform_indices = @transform_2, window_bounds = array<i64: 4096, 128>}, {transform_indices = @transform_3, window_bounds = array<i64: 512, 128>}, {pipeline_mode = #tpu.pipeline_mode<synchronous>, transform_indices = @transform_4, window_bounds = array<i64: 128, 128>}, {pipeline_mode = #tpu.pipeline_mode<synchronous>, transform_indices = @transform_5, window_bounds = array<i64: 1, 128>}, {pipeline_mode = #tpu.pipeline_mode<synchronous>, transform_indices = @transform_6, window_bounds = array<i64: 128, 128>}, {pipeline_mode = #tpu.pipeline_mode<synchronous>, transform_indices = @transform_7, window_bounds = array<i64: 64, 128>}, {pipeline_mode = #tpu.pipeline_mode<synchronous>, transform_indices = @transform_8, window_bounds = array<i64: 1, 64>}, {transform_indices = @transform_9, window_bounds = array<i64: 512, 64>}]} {
    %get3A = arith.constant 0 : index
    %get3A_0 = memref.load %arg1[%get3A] : memref<1xi32, #tpu.memory_space<smem>>
    %get3A_1 = arith.constant 0 : index
    %get3A_2 = arith.constant 0 : index
    %get3A_3 = vector.load %arg2[%get3A_1, %get3A_2] : memref<512x4096xi32, #tpu.memory_space<vmem>>, vector<512x4096xi32>
    %ge3A = vector.broadcast %get3A_0 : i32 to vector<512x4096xi32>
    %ge3A_4 = arith.cmpi sge, %get3A_3, %ge3A : vector<512x4096xi32>
    %convert_element_type3A = arith.extui %ge3A_4 : vector<512x4096xi1> to vector<512x4096xi32>
    %convert_element_type3A_5 = arith.sitofp %convert_element_type3A : vector<512x4096xi32> to vector<512x4096xf32>
    %reduce_sum3A = arith.constant dense<0.000000e+00> : vector<512xf32>
    %reduce_sum3A_6 = vector.multi_reduction <add>, %convert_element_type3A_5, %reduce_sum3A [1] : vector<512x4096xf32> to vector<512xf32>
    %broadcast_in_dim3A = vector.shape_cast %reduce_sum3A_6 : vector<512xf32> to vector<512x1xf32>
    %get3A_7 = arith.constant 0 : index
    %get3A_8 = arith.constant 0 : index
    %get3A_9 = vector.load %arg3[%get3A_7, %get3A_8] : memref<4096x128xf32, #tpu.memory_space<vmem>>, vector<4096x128xf32>
    %dot_general3A = arith.constant dense<0.000000e+00> : vector<512x128xf32>
    %dot_general3A_10 = tpu.matmul %convert_element_type3A_5, %get3A_9, %dot_general3A {dimension_numbers = #tpu.dot_dimension_numbers<[1], [0], [0], [1], [0, 0, 1, 1], [], []>, transpose_lhs_hint = false} : vector<512x4096xf32>, vector<4096x128xf32>, vector<512x128xf32> -> vector<512x128xf32>
    %max3A = arith.constant 1.000000e+00 : f32
    %max3A_11 = vector.broadcast %max3A : f32 to vector<512x1xf32>
    %max3A_12 = arith.maximumf %broadcast_in_dim3A, %max3A_11 : vector<512x1xf32>
    %div3A = vector.broadcast %max3A_12 : vector<512x1xf32> to vector<512x128xf32>
    %div3A_13 = arith.divf %dot_general3A_10, %div3A : vector<512x128xf32>
    %get3A_14 = arith.constant 0 : index
    %get3A_15 = arith.constant 0 : index
    %get3A_16 = vector.load %arg5[%get3A_14, %get3A_15] : memref<128x128xf32, #tpu.memory_space<vmem>>, vector<128x128xf32>
    %dot_general3A_17 = arith.constant dense<0.000000e+00> : vector<512x128xf32>
    %dot_general3A_18 = tpu.matmul %div3A_13, %get3A_16, %dot_general3A_17 {dimension_numbers = #tpu.dot_dimension_numbers<[1], [1], [0], [0], [0, 0, 1, 0], [], []>, transpose_lhs_hint = false} : vector<512x128xf32>, vector<128x128xf32>, vector<512x128xf32> -> vector<512x128xf32>
    %get3A_19 = arith.constant 0 : index
    %get3A_20 = arith.constant 0 : index
    %get3A_21 = vector.load %arg6[%get3A_19, %get3A_20] : memref<1x128xf32, #tpu.memory_space<vmem>>, vector<1x128xf32>
    %add3A = vector.broadcast %get3A_21 : vector<1x128xf32> to vector<512x128xf32>
    %add3A_22 = arith.addf %dot_general3A_18, %add3A : vector<512x128xf32>
    %get3A_23 = arith.constant 0 : index
    %get3A_24 = arith.constant 0 : index
    %get3A_25 = vector.load %arg4[%get3A_23, %get3A_24] : memref<512x128xf32, #tpu.memory_space<vmem>>, vector<512x128xf32>
    %get3A_26 = arith.constant 0 : index
    %get3A_27 = arith.constant 0 : index
    %get3A_28 = vector.load %arg7[%get3A_26, %get3A_27] : memref<128x128xf32, #tpu.memory_space<vmem>>, vector<128x128xf32>
    %dot_general3A_29 = arith.constant dense<0.000000e+00> : vector<512x128xf32>
    %dot_general3A_30 = tpu.matmul %get3A_25, %get3A_28, %dot_general3A_29 {dimension_numbers = #tpu.dot_dimension_numbers<[1], [1], [0], [0], [0, 0, 1, 0], [], []>, transpose_lhs_hint = false} : vector<512x128xf32>, vector<128x128xf32>, vector<512x128xf32> -> vector<512x128xf32>
    %add3A_31 = arith.addf %add3A_22, %dot_general3A_30 : vector<512x128xf32>
    %max3A_32 = arith.constant 0.000000e+00 : f32
    %max3A_33 = vector.broadcast %max3A_32 : f32 to vector<512x128xf32>
    %max3A_34 = arith.maximumf %add3A_31, %max3A_33 : vector<512x128xf32>
    %get3A_35 = arith.constant 0 : index
    %get3A_36 = arith.constant 0 : index
    %get3A_37 = vector.load %arg8[%get3A_35, %get3A_36] : memref<64x128xf32, #tpu.memory_space<vmem>>, vector<64x128xf32>
    %dot_general3A_38 = arith.constant dense<0.000000e+00> : vector<512x64xf32>
    %dot_general3A_39 = tpu.matmul %max3A_34, %get3A_37, %dot_general3A_38 {dimension_numbers = #tpu.dot_dimension_numbers<[1], [1], [0], [0], [0, 0, 1, 0], [], []>, transpose_lhs_hint = false} : vector<512x128xf32>, vector<64x128xf32>, vector<512x64xf32> -> vector<512x64xf32>
    %get3A_40 = arith.constant 0 : index
    %get3A_41 = arith.constant 0 : index
    %get3A_42 = vector.load %arg9[%get3A_40, %get3A_41] : memref<1x64xf32, #tpu.memory_space<vmem>>, vector<1x64xf32>
    %add3A_43 = vector.broadcast %get3A_42 : vector<1x64xf32> to vector<512x64xf32>
    %add3A_44 = arith.addf %dot_general3A_39, %add3A_43 : vector<512x64xf32>
    %logistic3A = arith.negf %add3A_44 : vector<512x64xf32>
    %logistic3A_45 = math.exp %logistic3A : vector<512x64xf32>
    %logistic3A_46 = arith.constant 1.000000e+00 : f32
    %logistic3A_47 = vector.broadcast %logistic3A_46 : f32 to vector<512x64xf32>
    %logistic3A_48 = arith.addf %logistic3A_47, %logistic3A_45 : vector<512x64xf32>
    %logistic3A_49 = arith.divf %logistic3A_47, %logistic3A_48 : vector<512x64xf32>
    %swap3A = arith.constant 0 : index
    %swap3A_50 = arith.constant 0 : index
    %swap3A_51 = vector.load %arg10[%swap3A, %swap3A_50] : memref<512x64xf32, #tpu.memory_space<vmem>>, vector<512x64xf32>
    tpu.vector_store %arg10[%swap3A, %swap3A_50], %logistic3A_49 {strides = array<i32>} : memref<512x64xf32, #tpu.memory_space<vmem>>, vector<512x64xf32>,
    return
  }
  func.func @transform_0(%arg0: i32) -> i32 {
    %c0_i32 = arith.constant 0 : i32
    %c0_i32_0 = arith.constant 0 : i32
    return %c0_i32 : i32
  }
  func.func @transform_1(%arg0: i32) -> (i32, i32) {
    %c0_i32 = arith.constant 0 : i32
    %c0_i32_0 = arith.constant 0 : i32
    return %arg0, %c0_i32 : i32, i32
  }
  func.func @transform_2(%arg0: i32) -> (i32, i32) {
    %c0_i32 = arith.constant 0 : i32
    %c0_i32_0 = arith.constant 0 : i32
    %c0_i32_1 = arith.constant 0 : i32
    return %c0_i32, %c0_i32_0 : i32, i32
  }
  func.func @transform_3(%arg0: i32) -> (i32, i32) {
    %c0_i32 = arith.constant 0 : i32
    %c0_i32_0 = arith.constant 0 : i32
    return %arg0, %c0_i32 : i32, i32
  }
  func.func @transform_4(%arg0: i32) -> (i32, i32) {
    %c0_i32 = arith.constant 0 : i32
    %c0_i32_0 = arith.constant 0 : i32
    %c0_i32_1 = arith.constant 0 : i32
    return %c0_i32, %c0_i32_0 : i32, i32
  }
  func.func @transform_5(%arg0: i32) -> (i32, i32) {
    %c0_i32 = arith.constant 0 : i32
    %c0_i32_0 = arith.constant 0 : i32
    %c0_i32_1 = arith.constant 0 : i32
    return %c0_i32, %c0_i32_0 : i32, i32
  }
  func.func @transform_6(%arg0: i32) -> (i32, i32) {
    %c0_i32 = arith.constant 0 : i32
    %c0_i32_0 = arith.constant 0 : i32
    %c0_i32_1 = arith.constant 0 : i32
    return %c0_i32, %c0_i32_0 : i32, i32
  }
  func.func @transform_7(%arg0: i32) -> (i32, i32) {
    %c0_i32 = arith.constant 0 : i32
    %c0_i32_0 = arith.constant 0 : i32
    %c0_i32_1 = arith.constant 0 : i32
    return %c0_i32, %c0_i32_0 : i32, i32
  }
  func.func @transform_8(%arg0: i32) -> (i32, i32) {
    %c0_i32 = arith.constant 0 : i32
    %c0_i32_0 = arith.constant 0 : i32
    %c0_i32_1 = arith.constant 0 : i32
    return %c0_i32, %c0_i32_0 : i32, i32
  }
  func.func @transform_9(%arg0: i32) -> (i32, i32) {
    %c0_i32 = arith.constant 0 : i32
    %c0_i32_0 = arith.constant 0 : i32
    return %arg0, %c0_i32 : i32, i32
  }
}

</mosaic_0001>

<sc_bundles>
// kernel: kernel.11.cloned.1.call-start
scs
__scs_entry_jumppad:
0x0: {  	(pc) =	sbr.rel $0x88, $3  }
0x1: {  	(tag) =	ssettag $0x0;
	lr =	simm.s32 $0x1  }
0x2: {  	[smem:$0x3F9A] =	sst lr;
	_ =	strace $0xD0000000  }
0x3: {  	_ = 	snop  }
0x4: {  	_ = 	snop  }
0x5: {  	_ = 	snop  }
0x6: {  	_ = 	snop  }
0x7: {  	_ = 	snop  }
__scs_overlays_trampoline_lowered:
0x8: {  	[smem:$0x3FA9] =	sst s0  }
0x9: {  	[smem:$0x3FAA] =	sst s1  }
0xa: {  	[smem:$0x3FAB] =	sst s2  }
0xb: {  	[smem:$0x3FAC] =	sst s3  }
0xc: {  	[smem:$0x3FAD] =	sst s4  }
0xd: {  	[smem:$0x3FAE] =	sst s5  }
0xe: {  	[smem:$0x3FAF] =	sst s6  }
0xf: {  	[smem:$0x3FB0] =	sst s7  }
0x10: {  	[smem:$0x3FB1] =	sst s8  }
0x11: {  	[smem:$0x3FB2] =	sst s9;
	s0 =	simm.s32 @!p0 $0x0  }
0x12: {  	s1 =	sld [smem:$0x3F98];
	s0 =	simm.s32 @p0 $0x1  }
0x13: {  	[smem:$0x3FB3] =	sst s0;
	s0 =	simm.s32 @!p1 $0x0  }
0x14: {  	s2 =	sld [smem:$0x3F97];
	s0 =	simm.s32 @p1 $0x1  }
0x15: {  	[smem:$0x3FB4] =	sst s0;
	s0 =	simm.s32 @!p2 $0x0  }
0x16: {  	s3 =	sld [smem:$0x3FDB];
	s0 =	simm.s32 @p2 $0x1  }
0x17: {  	s4 =	simm.s32 $0x1BF5;
	[smem:$0x3FB6] =	sst s0  }
0x18: {  	s0 =	sld [smem:$0x3F99];
	_ =	swait.ge [sflag:s4], $0x0  }
0x19: {  	s7 =	sld [smem:$0x3F9A]  }
0x1a: {  	s8 =	sadd.s32 $0xFFFFE003, lr  }
0x1b: {  	s9 =	sadd.s32 $0xFFFFFEF7, lr;
	s5 =	simm.s32 $0xFFFFFFFF;
	p2 =	slt.u32 s8, $0xFFFFF086  }
0x1c: {  	p1 =	slt.u32 s9, $0xF7A;
	s5 =	simm.s32 @!p2 $0x0  }
0x1d: {  	s5 =	simm.s32 @p1 $0x1;
	p0 =	seq.s32 s7, s2  }
0x1e: {  	s7 =	smul.u32 @!p0 $0xF7A, s2;
	p2 =	seq.s32 @!p0 s5, $0x0  }
0x1f: {  	s9 =	smul.u32 $0xF7A, s1;
	s8 =	simm.s32 @!p0 $0x1BF5;
	p2 =	por !p2, p0  }
0x20: {  	[sflag:s8] =	ssyncset.s32 @!p0 $0xFFFFF086;
	s6 =	sadd.s32 @!p0 s3, s7;
	s7 =	simm.s32 @!p0 $0x108  }
0x21: {  	s3 =	sadd.s32 s3, s9;
	s6 =	sadd.s32 @!p0 $0x88, s6;
	s7 =	simm.s32 @p2 $0x1082  }
0x22: {  	[simem:s7], [sflag:s8] =	dma.local @!p0 [hbm:s6], $0xF7A  }
0x23: {  	s9 =	sor.u32 $0xD0000000, s2;
	s6 =	simm.s32 $0x108;
	_ =	swait.ge @!p0 [sflag:s8], $0x0  }
0x24: {  	s3 =	sadd.s32 $0x88, s3;
	s6 =	simm.s32 @!p1 $0x1082;
	[sflag:s4] =	ssyncset.s32 $0xFFFFF086  }
0x25: {  	[simem:s6], [sflag:s4] =	dma.local [hbm:s3], $0xF7A  }
0x26: {  	[smem:$0x3F9A] =	sst s1;
	(tag) =	ssettag s2;
	_ =	strace s9  }
0x27: {  	s1 =	sld [smem:$0x3FAA]  }
0x28: {  	s2 =	sld [smem:$0x3FAB]  }
0x29: {  	s4 =	sld [smem:$0x3FAD]  }
0x2a: {  	p0 =	seq.s32 s5, $0x0;
	s5 =	sld [smem:$0x3FAE]  }
0x2b: {  	s6 =	sld [smem:$0x3FAF]  }
0x2c: {  	s7 =	sld [smem:$0x3FB0]  }
0x2d: {  	s3 =	simm.s32 $0x108;
	s8 =	sld [smem:$0x3FB1]  }
0x2e: {  	s3 =	simm.s32 @!p0 $0x1082;
	s9 =	sld [smem:$0x3FB2]  }
0x2f: {  	lr =	sadd.s32 s0, s3;
	s0 =	sld [smem:$0x3FA9]  }
0x30: {  	s3 =	sld [smem:$0x3FAC]  }
0x31: {  	[smem:$0x3FB5] =	sst s10  }
0x32: {  	s10 =	sld [smem:$0x3FB3];
	_ =	sdelay $0x3  }
0x33: {  	p0 =	seq.s32 s10, $0x1;
	s10 =	sld [smem:$0x3FB5];
	_ =	sdelay $0x3  }
0x34: {  	[smem:$0x3FB5] =	sst s10  }
0x35: {  	s10 =	sld [smem:$0x3FB4];
	_ =	sdelay $0x3  }
0x36: {  	p1 =	seq.s32 s10, $0x1;
	s10 =	sld [smem:$0x3FB5];
	_ =	sdelay $0x3  }
0x37: {  	[smem:$0x3FB5] =	sst s10  }
0x38: {  	s10 =	sld [smem:$0x3FB6]  }
0x39: {  	_ = 	snop;
	(pc) =	sbr.ind lr, $3  }
0x3a: {  	_ = 	snop  }
0x3b: {  	_ = 	snop  }
0x3c: {  	p2 =	seq.s32 s10, $0x1;
	s10 =	sld [smem:$0x3FB5]  }
0x3d: {  	_ =	shalt  }
0x3e: {  	_ =	shalt  }
0x3f: {  	_ =	shalt  }
0x40: {  	_ =	shalt  }
0x41: {  	_ =	shalt  }
0x42: {  	_ =	shalt  }
0x43: {  	_ =	shalt  }
0x44: {  	_ =	shalt  }
0x45: {  	_ =	shalt  }
0x46: {  	_ =	shalt  }
0x47: {  	_ =	shalt  }
0x48: {  	_ =	shalt  }
0x49: {  	_ =	shalt  }
0x4a: {  	_ =	shalt  }
0x4b: {  	_ =	shalt  }
0x4c: {  	_ =	shalt  }
0x4d: {  	_ =	shalt  }
0x4e: {  	_ =	shalt  }
0x4f: {  	_ =	shalt  }
0x50: {  	_ =	shalt  }
0x51: {  	_ =	shalt  }
0x52: {  	_ =	shalt  }
0x53: {  	_ =	shalt  }
0x54: {  	_ =	shalt  }
0x55: {  	_ =	shalt  }
0x56: {  	_ =	shalt  }
0x57: {  	_ =	shalt  }
0x58: {  	_ =	shalt  }
0x59: {  	_ =	shalt  }
0x5a: {  	_ =	shalt  }
0x5b: {  	_ =	shalt  }
0x5c: {  	_ =	shalt  }
0x5d: {  	_ =	shalt  }
0x5e: {  	_ =	shalt  }
0x5f: {  	_ =	shalt  }
0x60: {  	_ =	shalt  }
0x61: {  	_ =	shalt  }
0x62: {  	_ =	shalt  }
0x63: {  	_ =	shalt  }
0x64: {  	_ =	shalt  }
0x65: {  	_ =	shalt  }
0x66: {  	_ =	shalt  }
0x67: {  	_ =	shalt  }
0x68: {  	_ =	shalt  }
0x69: {  	_ =	shalt  }
0x6a: {  	_ =	shalt  }
0x6b: {  	_ =	shalt  }
0x6c: {  	_ =	shalt  }
0x6d: {  	_ =	shalt  }
0x6e: {  	_ =	shalt  }
0x6f: {  	_ =	shalt  }
0x70: {  	_ =	shalt  }
0x71: {  	_ =	shalt  }
0x72: {  	_ =	shalt  }
0x73: {  	_ =	shalt  }
0x74: {  	_ =	shalt  }
0x75: {  	_ =	shalt  }
0x76: {  	_ =	shalt  }
0x77: {  	_ =	shalt  }
0x78: {  	_ =	shalt  }
0x79: {  	_ =	shalt  }
0x7a: {  	_ =	shalt  }
0x7b: {  	_ =	shalt  }
0x7c: {  	_ =	shalt  }
0x7d: {  	_ =	shalt  }
0x7e: {  	_ =	shalt  }
0x7f: {  	_ =	shalt  }
0x80: {  	_ =	shalt  }
0x81: {  	_ =	shalt  }
0x82: {  	_ =	shalt  }
0x83: {  	_ =	shalt  }
0x84: {  	_ =	shalt  }
0x85: {  	_ =	shalt  }
0x86: {  	_ =	shalt  }
0x87: {  	_ =	shalt  }
.Lfunc_end0:
.L_simem_size_0:
called_computation.1_lowered:
.L_overlay_start_0:
0x88: {  	s2 =	sld [smem:$0x3FD9]  }
0x89: {  	s3 =	sld [smem:$0x3FFE];
	_ =	sdelay $0x1  }
0x8a: {  	s1 =	srdreg.scid  }
0x8b: {  	s0 =	sand.u32 $0x1, s1  }
0x8c: {  	s17 =	sshll.u32 s0, $0xA;
	s2 =	sadd.s32 s3, s2  }
0x8d: {  	s2 =	sadd.s32 s2, s17  }
0x8e: {  	[smem:$0x3FC1] =	sst s2  }
0x8f: {  	_ = 	snop  }
0x90: {  	s2 =	sld [smem:$0x3FD0];
	(tm) =	ssettm $0x1  }
0x91: {  	s18 =	sld [smem:$0x3FFB];
	_ =	sdelay $0x3  }
0x92: {  	_ =	strace s18  }
0x93: {  	s3 =	sld [smem:$0x3FFC];
	_ =	sdelay $0x3  }
0x94: {  	_ =	strace s3  }
0x95: {  	s3 =	sld [smem:$0x3FFD];
	_ =	sdelay $0x3  }
0x96: {  	_ =	strace s3  }
0x97: {  	_ =	strace $0x8FFFFFFF  }
0x98: {  	s19 =	sld [smem:$0x3FDB];
	_ =	sdelay $0x1  }
0x99: {  	s4 =	simm.s32 $_scs_section_size  }
0x9a: {  	s5 =	simm.s32 $_size__tile_overlayer_lowered;
	s6 =	simm.s32 $_tile_overlayer_lowered  }
0x9b: {  	s22 =	simm.s32 $0x1BFF;
	s21 =	sshll.u32 s6, $0x1;
	s3 =	sadd.s32 s4, s19  }
0x9c: {  	s7 =	simm.s32 $0x0;
	s20 =	sshll.u32 s5, $0x1;
	s5 =	sadd.s32 s21, s3  }
0x9d: {  	[timem:s7], [sflag:s22] =	dma.local [hbm:s5], s20  }
0x9e: {  	_ =	swait.ge [sflag:s22], s20  }
0x9f: {  	s4 =	ssub.s32 $0x0, s20;
	[sflag:s22] =	ssyncset.done $0x0  }
0xa0: {  	[sflag:s22] =	ssyncadd.s32 s4;
	_ =	sdelay $0x1  }
0xa1: {  	s23 =	simm.s32 $0x1B8B  }
0xa2: {  	_ =	swait.ge [sflag:s23], $0x1  }
0xa3: {  	[sflag:s23] =	ssyncset.done $0x0  }
0xa4: {  	s25 =	simm.s32 $0x1B8E;
	s24 =	sld [smem:$0x3FFE];
	[sflag:s23] =	ssyncadd.s32 $0xFFFFFFFF  }
0xa5: {  	s26 =	simm.s32 $execute0_lowered;
	[smem:$0x3FD2] =	sst s25  }
0xa6: {  	s5 =	sshll.u32 s26, $0x1;
	_ =	strace $0x80000049;
	[dreg:$0x1] =	wrdreg $0xFFFFFFFF  }
0xa7: {  	s28 =	simm.s32 $_size_execute0_lowered;
	s3 =	sadd.s32 s3, s5;
	[dreg:$0x0] =	wrdreg $0x0  }
0xa8: {  	s5 =	sshll.u32 s28, $0x1;
	[dreg:$0x2] =	wrdreg s3  }
0xa9: {  	[dreg:$0x3] =	wrdreg s5  }
0xaa: {  	[dreg:$0x4] =	wrdreg $0xC0  }
0xab: {  	_ =	task [dreg:s7], $0x5FFFF  }
0xac: {  	[dreg:$0x1] =	wrdreg $0xFFFFFFFF  }
0xad: {  	[dreg:$0x0] =	wrdreg $0x60  }
0xae: {  	[dreg:$0x2] =	wrdreg s24  }
0xaf: {  	[dreg:$0x3] =	wrdreg s2  }
0xb0: {  	[dreg:$0x4] =	wrdreg $0x9  }
0xb1: {  	_ =	task.clear_ibuf [dreg:s7], $0x5FFFF;
	_ =	strace $0x90000049  }
0xb2: {  	s29 =	simm.s32 $0x9;
	_ =	strace $0x8000004F  }
0xb3: {  	_ =	swait.ge [sflag:s29], $0x1  }
0xb4: {  	[sflag:s29] =	ssyncadd.s32 $0xFFFFFFFF  }
0xb5: {  	_ =	strace $0x9000004F  }
0xb6: {  	_ =	sfence  }
0xb7: {  	s30 =	sld [smem:$0x0];
	_ =	sdelay $0x2  }
0xb8: {  	s31 =	sshll.u32 s1, $0xD;
	s1 =	sshrl.u32 s1, $0x2  }
0xb9: {  	s3 =	sand.u32 $0x4000, s31;
	s1 =	sadd.s32 s1, s30  }
0xba: {  	s0 =	sor.u32 s3, s0;
	s1 =	sshll.u32 s1, $0x11  }
0xbb: {  	s0 =	sor.u32 s1, s0  }
0xbc: {  	s0 =	sadd.s32 $0x8F2B, s0  }
0xbd: {  	[sflag:s0] =	ssyncadd.remote.s32 $0x1  }
0xbe: {  	_ =	sfence.sel $0xFFFF  }
0xbf: {  	[dreg:$0x0] =	wrdreg $0xFFFFFFFF;
	(pc) =	sbr.abs _section_cstart, $3  }
0xc0: {  	[dreg:$0x1] =	wrdreg $0xFFFFFFFF  }
0xc1: {  	_ =	task.clear_ibuf [dreg:s7], $0x2FFFF;
	_ =	strace $0x9FFFFFFF  }
0xc2: {  	(tm) =	ssettm $0x7FFFFFFF  }
0xc3: {  	_ =	shalt  }
tec
execute0_lowered:
.L_overlay_start_1:
0x0: {  	(tag) =	ssettag $0x1  }
0x1: {  	s5 =	rddreg [dreg:$0x0]  }
0x2: {  	s2 =	rddreg [dreg:$0x1]  }
0x3: {  	s0 =	rddreg [dreg:$0x2];
	s3 =	simm.s32 $0x0  }
0x4: {  	s4 =	srdreg.scid;
	s1 =	stileid.u32;
	s11 =	simm.s32 $0x4200  }
0x5: {  	s12 =	simm.s32 $0x80;
	s13 =	simm.s32 $0x400;
	s14 =	simm.s32 $0x0  }
0x6: {  	s6 =	sand.u32 $0x1, s4;
	s30 =	sshrl.u32 s1, $0x2;
	s7 =	sshll.u32 s1, $0x8  }
0x7: {  	[smem:$0x7FF] =	sst s3;
	s10 =	sshll.u32 s1, $0x10;
	s4 =	smul.u32 $0x20800, s30  }
0x8: {  	s8 =	sshll.u32 s6, $0x7;
	s7 =	sand.u32 $0x300, s7;
	_ =	strace $0x8000004A  }
0x9: {  	s31 =	ssub.s32 $0x2, s6;
	s6 =	sshll.u32 s6, $0x14;
	s7 =	sor.u32 s8, s7  }
0xa: {  	s9 =	sshrl.u32 s31, $0x1;
	s7 =	sor.u32 s4, s7;
	s4 =	sadd.s32 $0x212E00, s5  }
0xb: {  	s8 =	ssub.s32 s31, s9;
	s9 =	simm.s32 $0x4100;
	s7 =	sshrl.u32 s7, $0x3  }
0xc: {  	s8 =	smax.u32 s8, $0x1;
	s7 =	sadd.s32 s7, s5;
	s5 =	sor.u32 s10, s6  }
0xd: {  	v0 =	vimm.s32 $0x0;
	v1 =	vlaneseq.u32;
	v2 =	vimm.s32 $0x1;
	s10 =	simm.s32 $0x1;
	s6 =	sadd.s32 s4, s5;
	s7 =	sadd.s32 $0x412E00, s7  }
.LBB2_1:
0xe: {  	[tilespmem:s9], [sflag:$0x1] =	stream.linear.gather [hbm4b:s2+s3], $0x100, $0x38;
	[tilespmem:$0xC200] =	vst v63  }
0xf: {  	_ =	swait.ge [sflag:s10], $0x100  }
0x10: {  	[sflag:s10] =	ssyncset.done $0x0  }
0x11: {  	s15 =	simm.s32 $0x0;
	s16 =	simm.s32 $0x400;
	[sflag:s10] =	ssyncadd.s32 $0xFFFFFF00  }
.LBB2_2:
0x12: {  	p0 =	sne.s32 s16, $0x10000;
	[tilespmem:s15+$0xF0] =	vst v0  }
0x13: {  	[tilespmem:s15+$0x0] =	vst v0  }
0x14: {  	[tilespmem:s15+$0x10] =	vst v0  }
0x15: {  	[tilespmem:s15+$0x20] =	vst v0  }
0x16: {  	[tilespmem:s15+$0x30] =	vst v0  }
0x17: {  	[tilespmem:s15+$0x40] =	vst v0  }
0x18: {  	[tilespmem:s15+$0x50] =	vst v0  }
0x19: {  	[tilespmem:s15+$0x60] =	vst v0  }
0x1a: {  	[tilespmem:s15+$0x70] =	vst v0  }
0x1b: {  	[tilespmem:s15+$0x80] =	vst v0  }
0x1c: {  	[tilespmem:s15+$0x90] =	vst v0  }
.Ltmp0:
0x1d: {  	[tilespmem:s15+$0xA0] =	vst v0;
	(pc) =	sbr.rel @p0 .LBB2_2-.Ltmp0, $4  }
0x1e: {  	[tilespmem:s15+$0xB0] =	vst v0  }
0x1f: {  	[tilespmem:s15+$0xC0] =	vst v0  }
0x20: {  	[tilespmem:s15+$0xD0] =	vst v0  }
0x21: {  	[tilespmem:s15+$0xE0] =	vst v0;
	s15 =	sshra.s32 s16, $0x2;
	s16 =	sadd.s32 $0x400, s16  }
0x22: {  	[tilespmem:s15+$0xF0] =	vst v0  }
0x23: {  	[tilespmem:s15+$0x0] =	vst v0  }
0x24: {  	[tilespmem:s15+$0x10] =	vst v0  }
0x25: {  	[tilespmem:s15+$0x20] =	vst v0  }
0x26: {  	[tilespmem:s15+$0x30] =	vst v0  }
0x27: {  	[tilespmem:s15+$0x40] =	vst v0  }
0x28: {  	[tilespmem:s15+$0x50] =	vst v0  }
0x29: {  	[tilespmem:s15+$0x60] =	vst v0  }
0x2a: {  	[tilespmem:s15+$0x70] =	vst v0  }
0x2b: {  	[tilespmem:s15+$0x80] =	vst v0  }
0x2c: {  	[tilespmem:s15+$0x90] =	vst v0  }
0x2d: {  	[tilespmem:s15+$0xA0] =	vst v0  }
0x2e: {  	[tilespmem:s15+$0xB0] =	vst v0  }
0x2f: {  	[tilespmem:s15+$0xC0] =	vst v0  }
0x30: {  	[tilespmem:s15+$0xD0] =	vst v0  }
0x31: {  	[tilespmem:s15+$0xE0] =	vst v0  }
0x32: {  	s15 =	simm.s32 $0x0;
	s16 =	simm.s32 $0x1;
	v3 =	vld [tilespmem:$0x4100];
	_ =	strace $0x8000004B  }
0x33: {  	[tilespmem:s11], [sflag:$0x2] =	stream.linear.gather [hbm4b:s6+s15], $0x4000, $0x200038;
	[tilespmem:$0xC200] =	vst v63  }
0x34: {  	s17 =	simm.s32 $0x0;
	s18 =	simm.s32 $0x0;
	_ =	strace $0x9000004B  }
.LBB2_4:
0x35: {  	s19 =	smov.u32 s15;
	s15 =	sadd.s32 $0x1, s15  }
0x36: {  	p0 =	seq.s32 s15, $0x20  }
0x37: {  	s15 =	simm.s32 @p0 $0x0  }
0x38: {  	p6 =	sne.s32 s18, $0x1F;
	p1 =	sne.s32 s19, s15  }
0x39: {  	p0 =	por !p6, !p1  }
0x3a: {  	p0 =	por !p0, !p0  }
0x3b: {  	s20 =	sshll.u32 @p0 s15, $0xB  }
0x3c: {  	s19 =	sand.u32 @p0 $0x1, s16;
	_ =	strace @p0 $0x8000004C;
	s20 =	sadd.s32 @p0 s5, s20  }
0x3d: {  	s22 =	simm.s32 @p0 $0x0;
	s21 =	sshll.u32 @p0 s19, $0xE;
	s20 =	sand.u32 @p0 $0x1FFFF800, s20  }
0x3e: {  	s19 =	sor.u32 @p0 $0x2, s19;
	s21 =	sadd.s32 @p0 $0x4200, s21;
	s20 =	sadd.s32 @p0 s4, s20  }
0x3f: {  	[tilespmem:s21], [sflag:s19] =	stream.linear.gather @p0 [hbm4b:s20+s22], $0x4000, $0x200038;
	[tilespmem:$0xC200] =	vst v63  }
0x40: {  	s30 =	sand.u32 $0x1, s17;
	_ =	strace @p0 $0x9000004C  }
0x41: {  	s31 =	sor.u32 $0x2, s30;
	s19 =	sshll.u32 s30, $0xE;
	_ =	strace $0x8000004D  }
0x42: {  	s19 =	sadd.s32 $0x4240, s19;
	_ =	swait.ge [sflag:s31], $0x4000  }
0x43: {  	v4 =	vmov s19;
	[sflag:s31] =	ssyncset.done $0x0  }
0x44: {  	[sflag:s31] =	ssyncadd.s32 $0xFFFFC000  }
0x45: {  	_ =	strace $0x9000004D  }
0x46: {  	s19 =	simm.s32 $0x0;
	_ =	strace $0x8000004E  }
.LBB2_5:
0x47: {  	s20 =	sshra.s32 s19, $0x2  }
0x48: {  	v5 =	vld.idx.msk [tilespmem:v4+s20+$0xFFFFFFC0 ss:$0x1], $0xffff;
	_ =	sdelay $0x4  }
0x49: {  	v6 =	vshrl.u32 v5, $0x1F;
	v5 =	vshrl.u32 v5, $0x10  }
0x4a: {  	vm0 =	veq.s32 v6, v3;
	v5 =	vand.u32 $0x7FF0, v5  }
0x4b: {  	v5 =	vor.u32 v1, v5;
	_ =	sdelay $0x4  }
0x4c: {  	[tilespmem:v5+s3+$0x0] =	vst.idx.add.s32.msk vm0, v2  }
0x4d: {  	v5 =	vld.idx.msk [tilespmem:v4+s20+$0xFFFFFFD0 ss:$0x1], $0xffff;
	_ =	sdelay $0x4  }
0x4e: {  	v6 =	vshrl.u32 v5, $0x1F;
	v5 =	vshrl.u32 v5, $0x10  }
0x4f: {  	vm9 =	veq.s32 v6, v3;
	v5 =	vand.u32 $0x7FF0, v5  }
0x50: {  	v5 =	vor.u32 v1, v5;
	_ =	sdelay $0x4  }
0x51: {  	[tilespmem:v5+s3+$0x0] =	vst.idx.add.s32.msk vm9, v2  }
0x52: {  	v5 =	vld.idx.msk [tilespmem:v4+s20+$0xFFFFFFE0 ss:$0x1], $0xffff;
	_ =	sdelay $0x4  }
0x53: {  	v6 =	vshrl.u32 v5, $0x1F;
	v5 =	vshrl.u32 v5, $0x10  }
0x54: {  	vm10 =	veq.s32 v6, v3;
	v5 =	vand.u32 $0x7FF0, v5  }
0x55: {  	v5 =	vor.u32 v1, v5;
	_ =	sdelay $0x4  }
0x56: {  	[tilespmem:v5+s3+$0x0] =	vst.idx.add.s32.msk vm10, v2  }
0x57: {  	v5 =	vld.idx.msk [tilespmem:v4+s20+$0xFFFFFFF0 ss:$0x1], $0xffff;
	_ =	sdelay $0x4  }
0x58: {  	v6 =	vshrl.u32 v5, $0x1F;
	v5 =	vshrl.u32 v5, $0x10  }
0x59: {  	vm11 =	veq.s32 v6, v3;
	v5 =	vand.u32 $0x7FF0, v5  }
0x5a: {  	v5 =	vor.u32 v1, v5;
	_ =	sdelay $0x4  }
0x5b: {  	[tilespmem:v5+s3+$0x0] =	vst.idx.add.s32.msk vm11, v2  }
0x5c: {  	v5 =	vld.idx.msk [tilespmem:v4+s20+$0x0 ss:$0x1], $0xffff;
	_ =	sdelay $0x4  }
0x5d: {  	v6 =	vshrl.u32 v5, $0x1F;
	v5 =	vshrl.u32 v5, $0x10  }
0x5e: {  	vm12 =	veq.s32 v6, v3;
	v5 =	vand.u32 $0x7FF0, v5  }
0x5f: {  	v5 =	vor.u32 v1, v5;
	_ =	sdelay $0x4  }
0x60: {  	[tilespmem:v5+s3+$0x0] =	vst.idx.add.s32.msk vm12, v2  }
0x61: {  	v5 =	vld.idx.msk [tilespmem:v4+s20+$0x10 ss:$0x1], $0xffff;
	_ =	sdelay $0x4  }
0x62: {  	v6 =	vshrl.u32 v5, $0x1F;
	v5 =	vshrl.u32 v5, $0x10  }
0x63: {  	vm13 =	veq.s32 v6, v3;
	v5 =	vand.u32 $0x7FF0, v5  }
0x64: {  	v5 =	vor.u32 v1, v5;
	_ =	sdelay $0x4  }
0x65: {  	[tilespmem:v5+s3+$0x0] =	vst.idx.add.s32.msk vm13, v2  }
0x66: {  	v5 =	vld.idx.msk [tilespmem:v4+s20+$0x20 ss:$0x1], $0xffff;
	_ =	sdelay $0x4  }
0x67: {  	v6 =	vshrl.u32 v5, $0x1F;
	v5 =	vshrl.u32 v5, $0x10  }
0x68: {  	vm14 =	veq.s32 v6, v3;
	v5 =	vand.u32 $0x7FF0, v5  }
0x69: {  	v5 =	vor.u32 v1, v5;
	_ =	sdelay $0x4  }
0x6a: {  	[tilespmem:v5+s3+$0x0] =	vst.idx.add.s32.msk vm14, v2  }
0x6b: {  	v5 =	vld.idx.msk [tilespmem:v4+s20+$0x30 ss:$0x1], $0xffff;
	_ =	sdelay $0x4  }
0x6c: {  	v6 =	vshrl.u32 v5, $0x1F;
	v5 =	vshrl.u32 v5, $0x10  }
0x6d: {  	vm15 =	veq.s32 v6, v3;
	v5 =	vand.u32 $0x7FF0, v5  }
0x6e: {  	p2 =	sne.s32 s19, $0xFE00;
	v5 =	vor.u32 v1, v5  }
.Ltmp1:
0x6f: {  	_ = 	snop;
	(pc) =	sbr.rel @p2 .LBB2_5-.Ltmp1, $2  }
0x70: {  	_ =	sdelay $0x2  }
0x71: {  	s19 =	sadd.s32 $0x200, s19;
	[tilespmem:v5+s3+$0x0] =	vst.idx.add.s32.msk vm15, v2  }
0x72: {  	p2 =	seq.s32 s18, $0x1F;
	s19 =	simm.s32 $0x1;
	s18 =	sadd.s32 $0x1, s18  }
0x73: {  	s19 =	simm.s32 @!p0 $0x0;
	p0 =	sne.s32 s18, $0x20  }
.Ltmp2:
0x74: {  	_ = 	snop;
	(pc) =	sbr.rel @p0 .LBB2_4-.Ltmp2, $4  }
0x75: {  	_ = 	snop  }
0x76: {  	s20 =	simm.s32 $0x1;
	p1 =	por p2, p1  }
0x77: {  	s20 =	simm.s32 @!p1 $0x0  }
0x78: {  	_ =	strace $0x9000004E;
	s16 =	sadd.s32 s19, s16;
	s17 =	sadd.s32 s20, s17  }
0x79: {  	s14 =	sadd.s32 $0x1, s14  }
0x7a: {  	p0 =	sne.s32 s14, s8  }
.Ltmp3:
0x7b: {  	_ = 	snop;
	(pc) =	sbr.rel @p0 .LBB2_1-.Ltmp3, $4  }
0x7c: {  	[hbm4b:s7+s12] =	stream.strided.scatter [tilespmem:s3], [sflag:$0x1], $0x4100, s13, s12, $0x38;
	[tilespmem:$0xC200] =	vst v63  }
0x7d: {  	_ =	swait.ge [sflag:s10], $0x4100  }
0x7e: {  	[sflag:s10] =	ssyncset.done $0x0  }
0x7f: {  	[sflag:s10] =	ssyncadd.s32 $0xFFFFBF00  }
0x80: {  	_ =	sfence.sel $0x180000  }
0x81: {  	[bflag:$0x0] =	sbarrier.arrive $0xFFFF  }
0x82: {  	p0 =	sne.s32 s1, $0x0;
	_ =	strace $0x9000004A  }
0x83: {  	s0 =	sadd.s32 @!p0 $0x100000, s0;
	[bflag:$0x2] =	sbarrier.arrive $0xFFFF  }
0x84: {  	[sflag:s0] =	ssyncadd.tile.s32 @!p0 $0x1;
	_ =	shalt  }
.Lfunc_end2:
_tile_overlayer_lowered:
.L_overlay_start_2:
0x85: {  	(tag) =	ssettag $0x2  }
0x86: {  	s0 =	rddreg [dreg:$0x0];
	s2 =	stileid.u32  }
0x87: {  	s1 =	rddreg [dreg:$0x1];
	p0 =	sne.s32 s2, $0x0  }
0x88: {  	s3 =	rddreg [dreg:$0x2];
	[bflag:$0x3] =	sbarrier.arrive $0xFFFF;
	s2 =	simm.s32 @!p0 $0x1C02  }
0x89: {  	[timem:s3], [sflag:s2] =	dma.local @!p0 [hbm:s0], s1  }
0x8a: {  	s0 =	simm.s32 @!p0 $0x2  }
0x8b: {  	_ =	swait.ge @!p0 [sflag:s0], s1  }
0x8c: {  	s1 =	ssub.s32 @!p0 $0x0, s1;
	[sflag:s0] =	ssyncset.done @!p0 $0x0  }
0x8d: {  	[sflag:s0] =	ssyncadd.s32 @!p0 s1  }
0x8e: {  	[bflag:$0x3] =	sbarrier.arrive $0xFFFF  }
0x8f: {  	_ =	shalt  }

// kernel: kernel.14.cloned.1.call-start
scs
__scs_entry_jumppad:
0x0: {  	(pc) =	sbr.rel $0x88, $3  }
0x1: {  	(tag) =	ssettag $0x0;
	lr =	simm.s32 $0x1  }
0x2: {  	[smem:$0x3F9A] =	sst lr;
	_ =	strace $0xD0000000  }
0x3: {  	_ = 	snop  }
0x4: {  	_ = 	snop  }
0x5: {  	_ = 	snop  }
0x6: {  	_ = 	snop  }
0x7: {  	_ = 	snop  }
__scs_overlays_trampoline_lowered:
0x8: {  	[smem:$0x3FA9] =	sst s0  }
0x9: {  	[smem:$0x3FAA] =	sst s1  }
0xa: {  	[smem:$0x3FAB] =	sst s2  }
0xb: {  	[smem:$0x3FAC] =	sst s3  }
0xc: {  	[smem:$0x3FAD] =	sst s4  }
0xd: {  	[smem:$0x3FAE] =	sst s5  }
0xe: {  	[smem:$0x3FAF] =	sst s6  }
0xf: {  	[smem:$0x3FB0] =	sst s7  }
0x10: {  	[smem:$0x3FB1] =	sst s8  }
0x11: {  	[smem:$0x3FB2] =	sst s9;
	s0 =	simm.s32 @!p0 $0x0  }
0x12: {  	s1 =	sld [smem:$0x3F98];
	s0 =	simm.s32 @p0 $0x1  }
0x13: {  	[smem:$0x3FB3] =	sst s0;
	s0 =	simm.s32 @!p1 $0x0  }
0x14: {  	s2 =	sld [smem:$0x3F97];
	s0 =	simm.s32 @p1 $0x1  }
0x15: {  	[smem:$0x3FB4] =	sst s0;
	s0 =	simm.s32 @!p2 $0x0  }
0x16: {  	s3 =	sld [smem:$0x3FDB];
	s0 =	simm.s32 @p2 $0x1  }
0x17: {  	s4 =	simm.s32 $0x1BF5;
	[smem:$0x3FB6] =	sst s0  }
0x18: {  	s0 =	sld [smem:$0x3F99];
	_ =	swait.ge [sflag:s4], $0x0  }
0x19: {  	s7 =	sld [smem:$0x3F9A]  }
0x1a: {  	s8 =	sadd.s32 $0xFFFFE003, lr  }
0x1b: {  	s9 =	sadd.s32 $0xFFFFFEF7, lr;
	s5 =	simm.s32 $0xFFFFFFFF;
	p2 =	slt.u32 s8, $0xFFFFF086  }
0x1c: {  	p1 =	slt.u32 s9, $0xF7A;
	s5 =	simm.s32 @!p2 $0x0  }
0x1d: {  	s5 =	simm.s32 @p1 $0x1;
	p0 =	seq.s32 s7, s2  }
0x1e: {  	s7 =	smul.u32 @!p0 $0xF7A, s2;
	p2 =	seq.s32 @!p0 s5, $0x0  }
0x1f: {  	s9 =	smul.u32 $0xF7A, s1;
	s8 =	simm.s32 @!p0 $0x1BF5;
	p2 =	por !p2, p0  }
0x20: {  	[sflag:s8] =	ssyncset.s32 @!p0 $0xFFFFF086;
	s6 =	sadd.s32 @!p0 s3, s7;
	s7 =	simm.s32 @!p0 $0x108  }
0x21: {  	s3 =	sadd.s32 s3, s9;
	s6 =	sadd.s32 @!p0 $0x88, s6;
	s7 =	simm.s32 @p2 $0x1082  }
0x22: {  	[simem:s7], [sflag:s8] =	dma.local @!p0 [hbm:s6], $0xF7A  }
0x23: {  	s9 =	sor.u32 $0xD0000000, s2;
	s6 =	simm.s32 $0x108;
	_ =	swait.ge @!p0 [sflag:s8], $0x0  }
0x24: {  	s3 =	sadd.s32 $0x88, s3;
	s6 =	simm.s32 @!p1 $0x1082;
	[sflag:s4] =	ssyncset.s32 $0xFFFFF086  }
0x25: {  	[simem:s6], [sflag:s4] =	dma.local [hbm:s3], $0xF7A  }
0x26: {  	[smem:$0x3F9A] =	sst s1;
	(tag) =	ssettag s2;
	_ =	strace s9  }
0x27: {  	s1 =	sld [smem:$0x3FAA]  }
0x28: {  	s2 =	sld [smem:$0x3FAB]  }
0x29: {  	s4 =	sld [smem:$0x3FAD]  }
0x2a: {  	p0 =	seq.s32 s5, $0x0;
	s5 =	sld [smem:$0x3FAE]  }
0x2b: {  	s6 =	sld [smem:$0x3FAF]  }
0x2c: {  	s7 =	sld [smem:$0x3FB0]  }
0x2d: {  	s3 =	simm.s32 $0x108;
	s8 =	sld [smem:$0x3FB1]  }
0x2e: {  	s3 =	simm.s32 @!p0 $0x1082;
	s9 =	sld [smem:$0x3FB2]  }
0x2f: {  	lr =	sadd.s32 s0, s3;
	s0 =	sld [smem:$0x3FA9]  }
0x30: {  	s3 =	sld [smem:$0x3FAC]  }
0x31: {  	[smem:$0x3FB5] =	sst s10  }
0x32: {  	s10 =	sld [smem:$0x3FB3];
	_ =	sdelay $0x3  }
0x33: {  	p0 =	seq.s32 s10, $0x1;
	s10 =	sld [smem:$0x3FB5];
	_ =	sdelay $0x3  }
0x34: {  	[smem:$0x3FB5] =	sst s10  }
0x35: {  	s10 =	sld [smem:$0x3FB4];
	_ =	sdelay $0x3  }
0x36: {  	p1 =	seq.s32 s10, $0x1;
	s10 =	sld [smem:$0x3FB5];
	_ =	sdelay $0x3  }
0x37: {  	[smem:$0x3FB5] =	sst s10  }
0x38: {  	s10 =	sld [smem:$0x3FB6]  }
0x39: {  	_ = 	snop;
	(pc) =	sbr.ind lr, $3  }
0x3a: {  	_ = 	snop  }
0x3b: {  	_ = 	snop  }
0x3c: {  	p2 =	seq.s32 s10, $0x1;
	s10 =	sld [smem:$0x3FB5]  }
0x3d: {  	_ =	shalt  }
0x3e: {  	_ =	shalt  }
0x3f: {  	_ =	shalt  }
0x40: {  	_ =	shalt  }
0x41: {  	_ =	shalt  }
0x42: {  	_ =	shalt  }
0x43: {  	_ =	shalt  }
0x44: {  	_ =	shalt  }
0x45: {  	_ =	shalt  }
0x46: {  	_ =	shalt  }
0x47: {  	_ =	shalt  }
0x48: {  	_ =	shalt  }
0x49: {  	_ =	shalt  }
0x4a: {  	_ =	shalt  }
0x4b: {  	_ =	shalt  }
0x4c: {  	_ =	shalt  }
0x4d: {  	_ =	shalt  }
0x4e: {  	_ =	shalt  }
0x4f: {  	_ =	shalt  }
0x50: {  	_ =	shalt  }
0x51: {  	_ =	shalt  }
0x52: {  	_ =	shalt  }
0x53: {  	_ =	shalt  }
0x54: {  	_ =	shalt  }
0x55: {  	_ =	shalt  }
0x56: {  	_ =	shalt  }
0x57: {  	_ =	shalt  }
0x58: {  	_ =	shalt  }
0x59: {  	_ =	shalt  }
0x5a: {  	_ =	shalt  }
0x5b: {  	_ =	shalt  }
0x5c: {  	_ =	shalt  }
0x5d: {  	_ =	shalt  }
0x5e: {  	_ =	shalt  }
0x5f: {  	_ =	shalt  }
0x60: {  	_ =	shalt  }
0x61: {  	_ =	shalt  }
0x62: {  	_ =	shalt  }
0x63: {  	_ =	shalt  }
0x64: {  	_ =	shalt  }
0x65: {  	_ =	shalt  }
0x66: {  	_ =	shalt  }
0x67: {  	_ =	shalt  }
0x68: {  	_ =	shalt  }
0x69: {  	_ =	shalt  }
0x6a: {  	_ =	shalt  }
0x6b: {  	_ =	shalt  }
0x6c: {  	_ =	shalt  }
0x6d: {  	_ =	shalt  }
0x6e: {  	_ =	shalt  }
0x6f: {  	_ =	shalt  }
0x70: {  	_ =	shalt  }
0x71: {  	_ =	shalt  }
0x72: {  	_ =	shalt  }
0x73: {  	_ =	shalt  }
0x74: {  	_ =	shalt  }
0x75: {  	_ =	shalt  }
0x76: {  	_ =	shalt  }
0x77: {  	_ =	shalt  }
0x78: {  	_ =	shalt  }
0x79: {  	_ =	shalt  }
0x7a: {  	_ =	shalt  }
0x7b: {  	_ =	shalt  }
0x7c: {  	_ =	shalt  }
0x7d: {  	_ =	shalt  }
0x7e: {  	_ =	shalt  }
0x7f: {  	_ =	shalt  }
0x80: {  	_ =	shalt  }
0x81: {  	_ =	shalt  }
0x82: {  	_ =	shalt  }
0x83: {  	_ =	shalt  }
0x84: {  	_ =	shalt  }
0x85: {  	_ =	shalt  }
0x86: {  	_ =	shalt  }
0x87: {  	_ =	shalt  }
.Lfunc_end0:
.L_simem_size_0:
called_computation.2_lowered:
.L_overlay_start_0:
0x88: {  	s2 =	sld [smem:$0x3FD9]  }
0x89: {  	s3 =	sld [smem:$0x3FFE];
	_ =	sdelay $0x1  }
0x8a: {  	s1 =	srdreg.scid  }
0x8b: {  	s0 =	sand.u32 $0x1, s1  }
0x8c: {  	s17 =	sshll.u32 s0, $0xA;
	s2 =	sadd.s32 s3, s2  }
0x8d: {  	s2 =	sadd.s32 s2, s17  }
0x8e: {  	[smem:$0x3FC1] =	sst s2  }
0x8f: {  	_ = 	snop  }
0x90: {  	s2 =	sld [smem:$0x3FD0];
	(tm) =	ssettm $0x1  }
0x91: {  	s18 =	sld [smem:$0x3FFB];
	_ =	sdelay $0x3  }
0x92: {  	_ =	strace s18  }
0x93: {  	s3 =	sld [smem:$0x3FFC];
	_ =	sdelay $0x3  }
0x94: {  	_ =	strace s3  }
0x95: {  	s3 =	sld [smem:$0x3FFD];
	_ =	sdelay $0x3  }
0x96: {  	_ =	strace s3  }
0x97: {  	_ =	strace $0x8FFFFFFF  }
0x98: {  	s19 =	sld [smem:$0x3FDB];
	_ =	sdelay $0x1  }
0x99: {  	s4 =	simm.s32 $_scs_section_size  }
0x9a: {  	s5 =	simm.s32 $_size__tile_overlayer_lowered;
	s6 =	simm.s32 $_tile_overlayer_lowered  }
0x9b: {  	s22 =	simm.s32 $0x1BFF;
	s21 =	sshll.u32 s6, $0x1;
	s3 =	sadd.s32 s4, s19  }
0x9c: {  	s7 =	simm.s32 $0x0;
	s20 =	sshll.u32 s5, $0x1;
	s5 =	sadd.s32 s21, s3  }
0x9d: {  	[timem:s7], [sflag:s22] =	dma.local [hbm:s5], s20  }
0x9e: {  	_ =	swait.ge [sflag:s22], s20  }
0x9f: {  	s4 =	ssub.s32 $0x0, s20;
	[sflag:s22] =	ssyncset.done $0x0  }
0xa0: {  	[sflag:s22] =	ssyncadd.s32 s4;
	_ =	sdelay $0x1  }
0xa1: {  	s23 =	simm.s32 $0x1B8B  }
0xa2: {  	_ =	swait.ge [sflag:s23], $0x1  }
0xa3: {  	[sflag:s23] =	ssyncset.done $0x0  }
0xa4: {  	s25 =	simm.s32 $0x1B8E;
	s24 =	sld [smem:$0x3FFE];
	[sflag:s23] =	ssyncadd.s32 $0xFFFFFFFF  }
0xa5: {  	s26 =	simm.s32 $execute0_lowered;
	[smem:$0x3FD2] =	sst s25  }
0xa6: {  	s5 =	sshll.u32 s26, $0x1;
	_ =	strace $0x80000050;
	[dreg:$0x1] =	wrdreg $0xFFFFFFFF  }
0xa7: {  	s28 =	simm.s32 $_size_execute0_lowered;
	s3 =	sadd.s32 s3, s5;
	[dreg:$0x0] =	wrdreg $0x0  }
0xa8: {  	s5 =	sshll.u32 s28, $0x1;
	[dreg:$0x2] =	wrdreg s3  }
0xa9: {  	[dreg:$0x3] =	wrdreg s5  }
0xaa: {  	[dreg:$0x4] =	wrdreg $0xC0  }
0xab: {  	_ =	task [dreg:s7], $0x5FFFF  }
0xac: {  	[dreg:$0x1] =	wrdreg $0xFFFFFFFF  }
0xad: {  	[dreg:$0x0] =	wrdreg $0x60  }
0xae: {  	[dreg:$0x2] =	wrdreg s24  }
0xaf: {  	[dreg:$0x3] =	wrdreg s2  }
0xb0: {  	[dreg:$0x4] =	wrdreg $0x9  }
0xb1: {  	_ =	task.clear_ibuf [dreg:s7], $0x5FFFF;
	_ =	strace $0x90000050  }
0xb2: {  	s29 =	simm.s32 $0x9;
	_ =	strace $0x80000056  }
0xb3: {  	_ =	swait.ge [sflag:s29], $0x1  }
0xb4: {  	[sflag:s29] =	ssyncadd.s32 $0xFFFFFFFF  }
0xb5: {  	_ =	strace $0x90000056  }
0xb6: {  	_ =	sfence  }
0xb7: {  	s30 =	sld [smem:$0x0];
	_ =	sdelay $0x2  }
0xb8: {  	s31 =	sshll.u32 s1, $0xD;
	s1 =	sshrl.u32 s1, $0x2  }
0xb9: {  	s3 =	sand.u32 $0x4000, s31;
	s1 =	sadd.s32 s1, s30  }
0xba: {  	s0 =	sor.u32 s3, s0;
	s1 =	sshll.u32 s1, $0x11  }
0xbb: {  	s0 =	sor.u32 s1, s0  }
0xbc: {  	s0 =	sadd.s32 $0x8F2B, s0  }
0xbd: {  	[sflag:s0] =	ssyncadd.remote.s32 $0x1  }
0xbe: {  	_ =	sfence.sel $0xFFFF  }
0xbf: {  	[dreg:$0x0] =	wrdreg $0xFFFFFFFF;
	(pc) =	sbr.abs _section_cstart, $3  }
0xc0: {  	[dreg:$0x1] =	wrdreg $0xFFFFFFFF  }
0xc1: {  	_ =	task.clear_ibuf [dreg:s7], $0x2FFFF;
	_ =	strace $0x9FFFFFFF  }
0xc2: {  	(tm) =	ssettm $0x7FFFFFFF  }
0xc3: {  	_ =	shalt  }
tec
execute0_lowered:
.L_overlay_start_1:
0x0: {  	(tag) =	ssettag $0x1  }
0x1: {  	s5 =	rddreg [dreg:$0x0]  }
0x2: {  	s1 =	rddreg [dreg:$0x1]  }
0x3: {  	s0 =	rddreg [dreg:$0x2]  }
0x4: {  	s2 =	simm.s32 $0x0;
	s3 =	srdreg.scid;
	s12 =	simm.s32 $0x80  }
0x5: {  	s13 =	simm.s32 $0x400;
	s14 =	simm.s32 $0x0;
	[smem:$0x7FF] =	sst s2  }
0x6: {  	s4 =	sadd.s32 $0x212E00, s5;
	s6 =	sand.u32 $0x1, s3;
	s3 =	stileid.u32  }
0x7: {  	_ =	strace $0x80000051;
	s7 =	sshll.u32 s6, $0x4;
	s8 =	ssub.s32 $0x2, s6  }
0x8: {  	s9 =	sshll.u32 s3, $0x5;
	s6 =	sshll.u32 s6, $0x14;
	s10 =	sshll.u32 s3, $0xC  }
0x9: {  	s11 =	sshll.u32 s3, $0x10;
	s5 =	sadd.s32 s7, s5;
	s9 =	sand.u32 $0x60, s9  }
0xa: {  	s30 =	sshrl.u32 s8, $0x1;
	s10 =	sand.u32 $0xC000, s10;
	s9 =	sadd.s32 s9, s5  }
0xb: {  	s8 =	ssub.s32 s8, s30;
	s5 =	sor.u32 s11, s6;
	s11 =	simm.s32 $0x4100  }
0xc: {  	s31 =	sadd.s32 s10, s9;
	s6 =	sadd.s32 s4, s5;
	s8 =	smax.u32 s8, $0x1  }
0xd: {  	v0 =	vimm.s32 $0x0;
	v1 =	vlaneseq.u32;
	v2 =	vimm.s32 $0x1;
	s9 =	simm.s32 $0x4000;
	s10 =	simm.s32 $0x1;
	s7 =	sadd.s32 $0x412E00, s31  }
.LBB2_1:
0xe: {  	[tilespmem:s9], [sflag:$0x1] =	stream.linear.gather [hbm4b:s1+s2], $0x100, $0x38;
	[tilespmem:$0xC100] =	vst v63  }
0xf: {  	_ =	swait.ge [sflag:s10], $0x100  }
0x10: {  	[sflag:s10] =	ssyncset.done $0x0  }
0x11: {  	s15 =	simm.s32 $0x0;
	s16 =	simm.s32 $0x400;
	[sflag:s10] =	ssyncadd.s32 $0xFFFFFF00  }
.LBB2_2:
0x12: {  	p0 =	sne.s32 s16, $0xFC00;
	[tilespmem:s15+$0xF0] =	vst v0  }
0x13: {  	[tilespmem:s15+$0x0] =	vst v0  }
0x14: {  	[tilespmem:s15+$0x10] =	vst v0  }
0x15: {  	[tilespmem:s15+$0x20] =	vst v0  }
0x16: {  	[tilespmem:s15+$0x30] =	vst v0  }
0x17: {  	[tilespmem:s15+$0x40] =	vst v0  }
0x18: {  	[tilespmem:s15+$0x50] =	vst v0  }
0x19: {  	[tilespmem:s15+$0x60] =	vst v0  }
0x1a: {  	[tilespmem:s15+$0x70] =	vst v0  }
0x1b: {  	[tilespmem:s15+$0x80] =	vst v0  }
0x1c: {  	[tilespmem:s15+$0x90] =	vst v0  }
.Ltmp0:
0x1d: {  	[tilespmem:s15+$0xA0] =	vst v0;
	(pc) =	sbr.rel @p0 .LBB2_2-.Ltmp0, $4  }
0x1e: {  	[tilespmem:s15+$0xB0] =	vst v0  }
0x1f: {  	[tilespmem:s15+$0xC0] =	vst v0  }
0x20: {  	[tilespmem:s15+$0xD0] =	vst v0  }
0x21: {  	[tilespmem:s15+$0xE0] =	vst v0;
	s15 =	sshra.s32 s16, $0x2;
	s16 =	sadd.s32 $0x400, s16  }
0x22: {  	[tilespmem:s15+$0xF0] =	vst v0  }
0x23: {  	[tilespmem:s15+$0x0] =	vst v0  }
0x24: {  	[tilespmem:s15+$0x10] =	vst v0  }
0x25: {  	[tilespmem:s15+$0x20] =	vst v0  }
0x26: {  	[tilespmem:s15+$0x30] =	vst v0  }
0x27: {  	[tilespmem:s15+$0x40] =	vst v0  }
0x28: {  	[tilespmem:s15+$0x50] =	vst v0  }
0x29: {  	[tilespmem:s15+$0x60] =	vst v0  }
0x2a: {  	[tilespmem:s15+$0x70] =	vst v0  }
0x2b: {  	[tilespmem:s15+$0x80] =	vst v0  }
0x2c: {  	[tilespmem:s15+$0x90] =	vst v0  }
0x2d: {  	[tilespmem:s15+$0xA0] =	vst v0  }
0x2e: {  	[tilespmem:s15+$0xB0] =	vst v0  }
0x2f: {  	[tilespmem:s15+$0xC0] =	vst v0  }
0x30: {  	[tilespmem:s15+$0xD0] =	vst v0  }
0x31: {  	[tilespmem:s15+$0xE0] =	vst v0  }
0x32: {  	s15 =	simm.s32 $0x0;
	s16 =	simm.s32 $0x1;
	v3 =	vld [tilespmem:$0x4000];
	_ =	strace $0x80000052  }
0x33: {  	[tilespmem:s11], [sflag:$0x2] =	stream.linear.gather [hbm4b:s6+s15], $0x4000, $0x200038;
	[tilespmem:$0xC100] =	vst v63  }
0x34: {  	s17 =	simm.s32 $0x0;
	s18 =	simm.s32 $0x0;
	_ =	strace $0x90000052  }
.LBB2_4:
0x35: {  	s19 =	smov.u32 s15;
	s15 =	sadd.s32 $0x1, s15  }
0x36: {  	p0 =	seq.s32 s15, $0x20  }
0x37: {  	s15 =	simm.s32 @p0 $0x0  }
0x38: {  	p6 =	sne.s32 s18, $0x1F;
	p1 =	sne.s32 s19, s15  }
0x39: {  	p0 =	por !p6, !p1  }
0x3a: {  	p0 =	por !p0, !p0  }
0x3b: {  	s20 =	sshll.u32 @p0 s15, $0xB  }
0x3c: {  	s19 =	sand.u32 @p0 $0x1, s16;
	_ =	strace @p0 $0x80000053;
	s20 =	sadd.s32 @p0 s5, s20  }
0x3d: {  	s22 =	simm.s32 @p0 $0x0;
	s21 =	sshll.u32 @p0 s19, $0xE;
	s20 =	sand.u32 @p0 $0x1FFFF800, s20  }
0x3e: {  	s19 =	sor.u32 @p0 $0x2, s19;
	s21 =	sadd.s32 @p0 $0x4100, s21;
	s20 =	sadd.s32 @p0 s4, s20  }
0x3f: {  	[tilespmem:s21], [sflag:s19] =	stream.linear.gather @p0 [hbm4b:s20+s22], $0x4000, $0x200038;
	[tilespmem:$0xC100] =	vst v63  }
0x40: {  	s30 =	sand.u32 $0x1, s17;
	_ =	strace @p0 $0x90000053  }
0x41: {  	s31 =	sor.u32 $0x2, s30;
	s19 =	sshll.u32 s30, $0xE;
	_ =	strace $0x80000054  }
0x42: {  	s19 =	sadd.s32 $0x4140, s19;
	_ =	swait.ge [sflag:s31], $0x4000  }
0x43: {  	v4 =	vmov s19;
	[sflag:s31] =	ssyncset.done $0x0  }
0x44: {  	[sflag:s31] =	ssyncadd.s32 $0xFFFFC000  }
0x45: {  	_ =	strace $0x90000054  }
0x46: {  	s19 =	simm.s32 $0x0;
	_ =	strace $0x80000055  }
.LBB2_5:
0x47: {  	s20 =	sshra.s32 s19, $0x2  }
0x48: {  	v5 =	vld.idx.msk [tilespmem:v4+s20+$0xFFFFFFC0 ss:$0x1], $0xffff;
	_ =	sdelay $0x4  }
0x49: {  	v6 =	vshrl.u32 v5, $0x14;
	v5 =	vshrl.u32 v5, $0x6  }
0x4a: {  	vm0 =	veq.s32 v6, v3;
	v5 =	vand.u32 $0x3FF0, v5  }
0x4b: {  	v5 =	vor.u32 v1, v5;
	_ =	sdelay $0x4  }
0x4c: {  	[tilespmem:v5+s2+$0x0] =	vst.idx.add.s32.msk vm0, v2  }
0x4d: {  	v5 =	vld.idx.msk [tilespmem:v4+s20+$0xFFFFFFD0 ss:$0x1], $0xffff;
	_ =	sdelay $0x4  }
0x4e: {  	v6 =	vshrl.u32 v5, $0x14;
	v5 =	vshrl.u32 v5, $0x6  }
0x4f: {  	vm9 =	veq.s32 v6, v3;
	v5 =	vand.u32 $0x3FF0, v5  }
0x50: {  	v5 =	vor.u32 v1, v5;
	_ =	sdelay $0x4  }
0x51: {  	[tilespmem:v5+s2+$0x0] =	vst.idx.add.s32.msk vm9, v2  }
0x52: {  	v5 =	vld.idx.msk [tilespmem:v4+s20+$0xFFFFFFE0 ss:$0x1], $0xffff;
	_ =	sdelay $0x4  }
0x53: {  	v6 =	vshrl.u32 v5, $0x14;
	v5 =	vshrl.u32 v5, $0x6  }
0x54: {  	vm10 =	veq.s32 v6, v3;
	v5 =	vand.u32 $0x3FF0, v5  }
0x55: {  	v5 =	vor.u32 v1, v5;
	_ =	sdelay $0x4  }
0x56: {  	[tilespmem:v5+s2+$0x0] =	vst.idx.add.s32.msk vm10, v2  }
0x57: {  	v5 =	vld.idx.msk [tilespmem:v4+s20+$0xFFFFFFF0 ss:$0x1], $0xffff;
	_ =	sdelay $0x4  }
0x58: {  	v6 =	vshrl.u32 v5, $0x14;
	v5 =	vshrl.u32 v5, $0x6  }
0x59: {  	vm11 =	veq.s32 v6, v3;
	v5 =	vand.u32 $0x3FF0, v5  }
0x5a: {  	v5 =	vor.u32 v1, v5;
	_ =	sdelay $0x4  }
0x5b: {  	[tilespmem:v5+s2+$0x0] =	vst.idx.add.s32.msk vm11, v2  }
0x5c: {  	v5 =	vld.idx.msk [tilespmem:v4+s20+$0x0 ss:$0x1], $0xffff;
	_ =	sdelay $0x4  }
0x5d: {  	v6 =	vshrl.u32 v5, $0x14;
	v5 =	vshrl.u32 v5, $0x6  }
0x5e: {  	vm12 =	veq.s32 v6, v3;
	v5 =	vand.u32 $0x3FF0, v5  }
0x5f: {  	v5 =	vor.u32 v1, v5;
	_ =	sdelay $0x4  }
0x60: {  	[tilespmem:v5+s2+$0x0] =	vst.idx.add.s32.msk vm12, v2  }
0x61: {  	v5 =	vld.idx.msk [tilespmem:v4+s20+$0x10 ss:$0x1], $0xffff;
	_ =	sdelay $0x4  }
0x62: {  	v6 =	vshrl.u32 v5, $0x14;
	v5 =	vshrl.u32 v5, $0x6  }
0x63: {  	vm13 =	veq.s32 v6, v3;
	v5 =	vand.u32 $0x3FF0, v5  }
0x64: {  	v5 =	vor.u32 v1, v5;
	_ =	sdelay $0x4  }
0x65: {  	[tilespmem:v5+s2+$0x0] =	vst.idx.add.s32.msk vm13, v2  }
0x66: {  	v5 =	vld.idx.msk [tilespmem:v4+s20+$0x20 ss:$0x1], $0xffff;
	_ =	sdelay $0x4  }
0x67: {  	v6 =	vshrl.u32 v5, $0x14;
	v5 =	vshrl.u32 v5, $0x6  }
0x68: {  	vm14 =	veq.s32 v6, v3;
	v5 =	vand.u32 $0x3FF0, v5  }
0x69: {  	v5 =	vor.u32 v1, v5;
	_ =	sdelay $0x4  }
0x6a: {  	[tilespmem:v5+s2+$0x0] =	vst.idx.add.s32.msk vm14, v2  }
0x6b: {  	v5 =	vld.idx.msk [tilespmem:v4+s20+$0x30 ss:$0x1], $0xffff;
	_ =	sdelay $0x4  }
0x6c: {  	v6 =	vshrl.u32 v5, $0x14;
	v5 =	vshrl.u32 v5, $0x6  }
0x6d: {  	vm15 =	veq.s32 v6, v3;
	v5 =	vand.u32 $0x3FF0, v5  }
0x6e: {  	p2 =	sne.s32 s19, $0xFE00;
	v5 =	vor.u32 v1, v5  }
.Ltmp1:
0x6f: {  	_ = 	snop;
	(pc) =	sbr.rel @p2 .LBB2_5-.Ltmp1, $2  }
0x70: {  	_ =	sdelay $0x2  }
0x71: {  	s19 =	sadd.s32 $0x200, s19;
	[tilespmem:v5+s2+$0x0] =	vst.idx.add.s32.msk vm15, v2  }
0x72: {  	p2 =	seq.s32 s18, $0x1F;
	s19 =	simm.s32 $0x1;
	s18 =	sadd.s32 $0x1, s18  }
0x73: {  	s19 =	simm.s32 @!p0 $0x0;
	p0 =	sne.s32 s18, $0x20  }
.Ltmp2:
0x74: {  	_ = 	snop;
	(pc) =	sbr.rel @p0 .LBB2_4-.Ltmp2, $4  }
0x75: {  	_ = 	snop  }
0x76: {  	s20 =	simm.s32 $0x1;
	p1 =	por p2, p1  }
0x77: {  	s20 =	simm.s32 @!p1 $0x0  }
0x78: {  	_ =	strace $0x90000055;
	s16 =	sadd.s32 s19, s16;
	s17 =	sadd.s32 s20, s17  }
0x79: {  	s14 =	sadd.s32 $0x1, s14  }
0x7a: {  	p0 =	sne.s32 s14, s8  }
.Ltmp3:
0x7b: {  	_ = 	snop;
	(pc) =	sbr.rel @p0 .LBB2_1-.Ltmp3, $4  }
0x7c: {  	[hbm4b:s7+s12] =	stream.strided.scatter [tilespmem:s2], [sflag:$0x1], $0x4000, s13, s12, $0x38;
	[tilespmem:$0xC100] =	vst v63  }
0x7d: {  	_ =	swait.ge [sflag:s10], $0x4000  }
0x7e: {  	[sflag:s10] =	ssyncset.done $0x0  }
0x7f: {  	[sflag:s10] =	ssyncadd.s32 $0xFFFFC000  }
0x80: {  	_ =	sfence.sel $0x180000  }
0x81: {  	[bflag:$0x0] =	sbarrier.arrive $0xFFFF  }
0x82: {  	p0 =	sne.s32 s3, $0x0;
	_ =	strace $0x90000051  }
0x83: {  	s0 =	sadd.s32 @!p0 $0x100000, s0;
	[bflag:$0x2] =	sbarrier.arrive $0xFFFF  }
0x84: {  	[sflag:s0] =	ssyncadd.tile.s32 @!p0 $0x1;
	_ =	shalt  }
.Lfunc_end2:
_tile_overlayer_lowered:
.L_overlay_start_2:
0x85: {  	(tag) =	ssettag $0x2  }
0x86: {  	s0 =	rddreg [dreg:$0x0];
	s2 =	stileid.u32  }
0x87: {  	s1 =	rddreg [dreg:$0x1];
	p0 =	sne.s32 s2, $0x0  }
0x88: {  	s3 =	rddreg [dreg:$0x2];
	[bflag:$0x3] =	sbarrier.arrive $0xFFFF;
	s2 =	simm.s32 @!p0 $0x1C02  }
0x89: {  	[timem:s3], [sflag:s2] =	dma.local @!p0 [hbm:s0], s1  }
0x8a: {  	s0 =	simm.s32 @!p0 $0x2  }
0x8b: {  	_ =	swait.ge @!p0 [sflag:s0], s1  }
0x8c: {  	s1 =	ssub.s32 @!p0 $0x0, s1;
	[sflag:s0] =	ssyncset.done @!p0 $0x0  }
0x8d: {  	[sflag:s0] =	ssyncadd.s32 @!p0 s1  }
0x8e: {  	[bflag:$0x3] =	sbarrier.arrive $0xFFFF  }
0x8f: {  	_ =	shalt  }

// kernel: kernel.17.cloned.1.call-start
scs
__scs_entry_jumppad:
0x0: {  	(pc) =	sbr.rel $0x88, $3  }
0x1: {  	(tag) =	ssettag $0x0;
	lr =	simm.s32 $0x1  }
0x2: {  	[smem:$0x3F9A] =	sst lr;
	_ =	strace $0xD0000000  }
0x3: {  	_ = 	snop  }
0x4: {  	_ = 	snop  }
0x5: {  	_ = 	snop  }
0x6: {  	_ = 	snop  }
0x7: {  	_ = 	snop  }
__scs_overlays_trampoline_lowered:
0x8: {  	[smem:$0x3FA9] =	sst s0  }
0x9: {  	[smem:$0x3FAA] =	sst s1  }
0xa: {  	[smem:$0x3FAB] =	sst s2  }
0xb: {  	[smem:$0x3FAC] =	sst s3  }
0xc: {  	[smem:$0x3FAD] =	sst s4  }
0xd: {  	[smem:$0x3FAE] =	sst s5  }
0xe: {  	[smem:$0x3FAF] =	sst s6  }
0xf: {  	[smem:$0x3FB0] =	sst s7  }
0x10: {  	[smem:$0x3FB1] =	sst s8  }
0x11: {  	[smem:$0x3FB2] =	sst s9;
	s0 =	simm.s32 @!p0 $0x0  }
0x12: {  	s1 =	sld [smem:$0x3F98];
	s0 =	simm.s32 @p0 $0x1  }
0x13: {  	[smem:$0x3FB3] =	sst s0;
	s0 =	simm.s32 @!p1 $0x0  }
0x14: {  	s2 =	sld [smem:$0x3F97];
	s0 =	simm.s32 @p1 $0x1  }
0x15: {  	[smem:$0x3FB4] =	sst s0;
	s0 =	simm.s32 @!p2 $0x0  }
0x16: {  	s3 =	sld [smem:$0x3FDB];
	s0 =	simm.s32 @p2 $0x1  }
0x17: {  	s4 =	simm.s32 $0x1BF5;
	[smem:$0x3FB6] =	sst s0  }
0x18: {  	s0 =	sld [smem:$0x3F99];
	_ =	swait.ge [sflag:s4], $0x0  }
0x19: {  	s7 =	sld [smem:$0x3F9A]  }
0x1a: {  	s8 =	sadd.s32 $0xFFFFE003, lr  }
0x1b: {  	s9 =	sadd.s32 $0xFFFFFEF7, lr;
	s5 =	simm.s32 $0xFFFFFFFF;
	p2 =	slt.u32 s8, $0xFFFFF086  }
0x1c: {  	p1 =	slt.u32 s9, $0xF7A;
	s5 =	simm.s32 @!p2 $0x0  }
0x1d: {  	s5 =	simm.s32 @p1 $0x1;
	p0 =	seq.s32 s7, s2  }
0x1e: {  	s7 =	smul.u32 @!p0 $0xF7A, s2;
	p2 =	seq.s32 @!p0 s5, $0x0  }
0x1f: {  	s9 =	smul.u32 $0xF7A, s1;
	s8 =	simm.s32 @!p0 $0x1BF5;
	p2 =	por !p2, p0  }
0x20: {  	[sflag:s8] =	ssyncset.s32 @!p0 $0xFFFFF086;
	s6 =	sadd.s32 @!p0 s3, s7;
	s7 =	simm.s32 @!p0 $0x108  }
0x21: {  	s3 =	sadd.s32 s3, s9;
	s6 =	sadd.s32 @!p0 $0x88, s6;
	s7 =	simm.s32 @p2 $0x1082  }
0x22: {  	[simem:s7], [sflag:s8] =	dma.local @!p0 [hbm:s6], $0xF7A  }
0x23: {  	s9 =	sor.u32 $0xD0000000, s2;
	s6 =	simm.s32 $0x108;
	_ =	swait.ge @!p0 [sflag:s8], $0x0  }
0x24: {  	s3 =	sadd.s32 $0x88, s3;
	s6 =	simm.s32 @!p1 $0x1082;
	[sflag:s4] =	ssyncset.s32 $0xFFFFF086  }
0x25: {  	[simem:s6], [sflag:s4] =	dma.local [hbm:s3], $0xF7A  }
0x26: {  	[smem:$0x3F9A] =	sst s1;
	(tag) =	ssettag s2;
	_ =	strace s9  }
0x27: {  	s1 =	sld [smem:$0x3FAA]  }
0x28: {  	s2 =	sld [smem:$0x3FAB]  }
0x29: {  	s4 =	sld [smem:$0x3FAD]  }
0x2a: {  	p0 =	seq.s32 s5, $0x0;
	s5 =	sld [smem:$0x3FAE]  }
0x2b: {  	s6 =	sld [smem:$0x3FAF]  }
0x2c: {  	s7 =	sld [smem:$0x3FB0]  }
0x2d: {  	s3 =	simm.s32 $0x108;
	s8 =	sld [smem:$0x3FB1]  }
0x2e: {  	s3 =	simm.s32 @!p0 $0x1082;
	s9 =	sld [smem:$0x3FB2]  }
0x2f: {  	lr =	sadd.s32 s0, s3;
	s0 =	sld [smem:$0x3FA9]  }
0x30: {  	s3 =	sld [smem:$0x3FAC]  }
0x31: {  	[smem:$0x3FB5] =	sst s10  }
0x32: {  	s10 =	sld [smem:$0x3FB3];
	_ =	sdelay $0x3  }
0x33: {  	p0 =	seq.s32 s10, $0x1;
	s10 =	sld [smem:$0x3FB5];
	_ =	sdelay $0x3  }
0x34: {  	[smem:$0x3FB5] =	sst s10  }
0x35: {  	s10 =	sld [smem:$0x3FB4];
	_ =	sdelay $0x3  }
0x36: {  	p1 =	seq.s32 s10, $0x1;
	s10 =	sld [smem:$0x3FB5];
	_ =	sdelay $0x3  }
0x37: {  	[smem:$0x3FB5] =	sst s10  }
0x38: {  	s10 =	sld [smem:$0x3FB6]  }
0x39: {  	_ = 	snop;
	(pc) =	sbr.ind lr, $3  }
0x3a: {  	_ = 	snop  }
0x3b: {  	_ = 	snop  }
0x3c: {  	p2 =	seq.s32 s10, $0x1;
	s10 =	sld [smem:$0x3FB5]  }
0x3d: {  	_ =	shalt  }
0x3e: {  	_ =	shalt  }
0x3f: {  	_ =	shalt  }
0x40: {  	_ =	shalt  }
0x41: {  	_ =	shalt  }
0x42: {  	_ =	shalt  }
0x43: {  	_ =	shalt  }
0x44: {  	_ =	shalt  }
0x45: {  	_ =	shalt  }
0x46: {  	_ =	shalt  }
0x47: {  	_ =	shalt  }
0x48: {  	_ =	shalt  }
0x49: {  	_ =	shalt  }
0x4a: {  	_ =	shalt  }
0x4b: {  	_ =	shalt  }
0x4c: {  	_ =	shalt  }
0x4d: {  	_ =	shalt  }
0x4e: {  	_ =	shalt  }
0x4f: {  	_ =	shalt  }
0x50: {  	_ =	shalt  }
0x51: {  	_ =	shalt  }
0x52: {  	_ =	shalt  }
0x53: {  	_ =	shalt  }
0x54: {  	_ =	shalt  }
0x55: {  	_ =	shalt  }
0x56: {  	_ =	shalt  }
0x57: {  	_ =	shalt  }
0x58: {  	_ =	shalt  }
0x59: {  	_ =	shalt  }
0x5a: {  	_ =	shalt  }
0x5b: {  	_ =	shalt  }
0x5c: {  	_ =	shalt  }
0x5d: {  	_ =	shalt  }
0x5e: {  	_ =	shalt  }
0x5f: {  	_ =	shalt  }
0x60: {  	_ =	shalt  }
0x61: {  	_ =	shalt  }
0x62: {  	_ =	shalt  }
0x63: {  	_ =	shalt  }
0x64: {  	_ =	shalt  }
0x65: {  	_ =	shalt  }
0x66: {  	_ =	shalt  }
0x67: {  	_ =	shalt  }
0x68: {  	_ =	shalt  }
0x69: {  	_ =	shalt  }
0x6a: {  	_ =	shalt  }
0x6b: {  	_ =	shalt  }
0x6c: {  	_ =	shalt  }
0x6d: {  	_ =	shalt  }
0x6e: {  	_ =	shalt  }
0x6f: {  	_ =	shalt  }
0x70: {  	_ =	shalt  }
0x71: {  	_ =	shalt  }
0x72: {  	_ =	shalt  }
0x73: {  	_ =	shalt  }
0x74: {  	_ =	shalt  }
0x75: {  	_ =	shalt  }
0x76: {  	_ =	shalt  }
0x77: {  	_ =	shalt  }
0x78: {  	_ =	shalt  }
0x79: {  	_ =	shalt  }
0x7a: {  	_ =	shalt  }
0x7b: {  	_ =	shalt  }
0x7c: {  	_ =	shalt  }
0x7d: {  	_ =	shalt  }
0x7e: {  	_ =	shalt  }
0x7f: {  	_ =	shalt  }
0x80: {  	_ =	shalt  }
0x81: {  	_ =	shalt  }
0x82: {  	_ =	shalt  }
0x83: {  	_ =	shalt  }
0x84: {  	_ =	shalt  }
0x85: {  	_ =	shalt  }
0x86: {  	_ =	shalt  }
0x87: {  	_ =	shalt  }
.Lfunc_end0:
.L_simem_size_0:
called_computation.3_lowered:
.L_overlay_start_0:
0x88: {  	s2 =	sld [smem:$0x3FD9]  }
0x89: {  	s3 =	sld [smem:$0x3FFE];
	_ =	sdelay $0x1  }
0x8a: {  	s1 =	srdreg.scid  }
0x8b: {  	s0 =	sand.u32 $0x1, s1  }
0x8c: {  	s17 =	sshll.u32 s0, $0xA;
	s2 =	sadd.s32 s3, s2  }
0x8d: {  	s2 =	sadd.s32 s2, s17  }
0x8e: {  	[smem:$0x3FC1] =	sst s2  }
0x8f: {  	_ = 	snop  }
0x90: {  	s2 =	sld [smem:$0x3FD0];
	(tm) =	ssettm $0x1  }
0x91: {  	s18 =	sld [smem:$0x3FFB];
	_ =	sdelay $0x3  }
0x92: {  	_ =	strace s18  }
0x93: {  	s3 =	sld [smem:$0x3FFC];
	_ =	sdelay $0x3  }
0x94: {  	_ =	strace s3  }
0x95: {  	s3 =	sld [smem:$0x3FFD];
	_ =	sdelay $0x3  }
0x96: {  	_ =	strace s3  }
0x97: {  	_ =	strace $0x8FFFFFFF  }
0x98: {  	s19 =	sld [smem:$0x3FDB];
	_ =	sdelay $0x1  }
0x99: {  	s4 =	simm.s32 $_scs_section_size  }
0x9a: {  	s5 =	simm.s32 $_size__tile_overlayer_lowered;
	s6 =	simm.s32 $_tile_overlayer_lowered  }
0x9b: {  	s22 =	simm.s32 $0x1BFF;
	s21 =	sshll.u32 s6, $0x1;
	s3 =	sadd.s32 s4, s19  }
0x9c: {  	s7 =	simm.s32 $0x0;
	s20 =	sshll.u32 s5, $0x1;
	s5 =	sadd.s32 s21, s3  }
0x9d: {  	[timem:s7], [sflag:s22] =	dma.local [hbm:s5], s20  }
0x9e: {  	_ =	swait.ge [sflag:s22], s20  }
0x9f: {  	s4 =	ssub.s32 $0x0, s20;
	[sflag:s22] =	ssyncset.done $0x0  }
0xa0: {  	[sflag:s22] =	ssyncadd.s32 s4;
	_ =	sdelay $0x1  }
0xa1: {  	s23 =	simm.s32 $0x1B8B  }
0xa2: {  	_ =	swait.ge [sflag:s23], $0x1  }
0xa3: {  	[sflag:s23] =	ssyncset.done $0x0  }
0xa4: {  	s25 =	simm.s32 $0x1B8E;
	s24 =	sld [smem:$0x3FFE];
	[sflag:s23] =	ssyncadd.s32 $0xFFFFFFFF  }
0xa5: {  	s26 =	simm.s32 $execute0_lowered;
	[smem:$0x3FD2] =	sst s25  }
0xa6: {  	s5 =	sshll.u32 s26, $0x1;
	_ =	strace $0x80000057;
	[dreg:$0x1] =	wrdreg $0xFFFFFFFF  }
0xa7: {  	s28 =	simm.s32 $_size_execute0_lowered;
	s3 =	sadd.s32 s3, s5;
	[dreg:$0x0] =	wrdreg $0x0  }
0xa8: {  	s5 =	sshll.u32 s28, $0x1;
	[dreg:$0x2] =	wrdreg s3  }
0xa9: {  	[dreg:$0x3] =	wrdreg s5  }
0xaa: {  	[dreg:$0x4] =	wrdreg $0xC0  }
0xab: {  	_ =	task [dreg:s7], $0x5FFFF  }
0xac: {  	[dreg:$0x1] =	wrdreg $0xFFFFFFFF  }
0xad: {  	[dreg:$0x0] =	wrdreg $0x60  }
0xae: {  	[dreg:$0x2] =	wrdreg s24  }
0xaf: {  	[dreg:$0x3] =	wrdreg s2  }
0xb0: {  	[dreg:$0x4] =	wrdreg $0x9  }
0xb1: {  	_ =	task.clear_ibuf [dreg:s7], $0x5FFFF;
	_ =	strace $0x90000057  }
0xb2: {  	s29 =	simm.s32 $0x9;
	_ =	strace $0x8000005D  }
0xb3: {  	_ =	swait.ge [sflag:s29], $0x1  }
0xb4: {  	[sflag:s29] =	ssyncadd.s32 $0xFFFFFFFF  }
0xb5: {  	_ =	strace $0x9000005D  }
0xb6: {  	_ =	sfence  }
0xb7: {  	s30 =	sld [smem:$0x0];
	_ =	sdelay $0x2  }
0xb8: {  	s31 =	sshll.u32 s1, $0xD;
	s1 =	sshrl.u32 s1, $0x2  }
0xb9: {  	s3 =	sand.u32 $0x4000, s31;
	s1 =	sadd.s32 s1, s30  }
0xba: {  	s0 =	sor.u32 s3, s0;
	s1 =	sshll.u32 s1, $0x11  }
0xbb: {  	s0 =	sor.u32 s1, s0  }
0xbc: {  	s0 =	sadd.s32 $0x8F2B, s0  }
0xbd: {  	[sflag:s0] =	ssyncadd.remote.s32 $0x1  }
0xbe: {  	_ =	sfence.sel $0xFFFF  }
0xbf: {  	[dreg:$0x0] =	wrdreg $0xFFFFFFFF;
	(pc) =	sbr.abs _section_cstart, $3  }
0xc0: {  	[dreg:$0x1] =	wrdreg $0xFFFFFFFF  }
0xc1: {  	_ =	task.clear_ibuf [dreg:s7], $0x2FFFF;
	_ =	strace $0x9FFFFFFF  }
0xc2: {  	(tm) =	ssettm $0x7FFFFFFF  }
0xc3: {  	_ =	shalt  }
tec
execute0_lowered:
.L_overlay_start_1:
0x0: {  	(tag) =	ssettag $0x1  }
0x1: {  	s5 =	rddreg [dreg:$0x0]  }
0x2: {  	s1 =	rddreg [dreg:$0x1]  }
0x3: {  	s0 =	rddreg [dreg:$0x2]  }
0x4: {  	s2 =	simm.s32 $0x0;
	s3 =	srdreg.scid;
	s12 =	simm.s32 $0x80  }
0x5: {  	s13 =	simm.s32 $0x400;
	s14 =	simm.s32 $0x0;
	[smem:$0x7FF] =	sst s2  }
0x6: {  	s4 =	sadd.s32 $0x212E00, s5;
	s6 =	sand.u32 $0x1, s3;
	s3 =	stileid.u32  }
0x7: {  	_ =	strace $0x80000058;
	s7 =	sshll.u32 s6, $0x4;
	s8 =	ssub.s32 $0x2, s6  }
0x8: {  	s9 =	sshll.u32 s3, $0x5;
	s6 =	sshll.u32 s6, $0x14;
	s10 =	sshll.u32 s3, $0xC  }
0x9: {  	s11 =	sshll.u32 s3, $0x10;
	s5 =	sadd.s32 s7, s5;
	s9 =	sand.u32 $0x60, s9  }
0xa: {  	s30 =	sshrl.u32 s8, $0x1;
	s10 =	sand.u32 $0xC000, s10;
	s9 =	sadd.s32 s9, s5  }
0xb: {  	s8 =	ssub.s32 s8, s30;
	s5 =	sor.u32 s11, s6;
	s11 =	simm.s32 $0x4100  }
0xc: {  	s31 =	sadd.s32 s10, s9;
	s6 =	sadd.s32 s4, s5;
	s8 =	smax.u32 s8, $0x1  }
0xd: {  	v0 =	vimm.s32 $0x0;
	v1 =	vlaneseq.u32;
	v2 =	vimm.s32 $0x1;
	s9 =	simm.s32 $0x4000;
	s10 =	simm.s32 $0x1;
	s7 =	sadd.s32 $0x412E00, s31  }
.LBB2_1:
0xe: {  	[tilespmem:s9], [sflag:$0x1] =	stream.linear.gather [hbm4b:s1+s2], $0x100, $0x38;
	[tilespmem:$0xC100] =	vst v63  }
0xf: {  	_ =	swait.ge [sflag:s10], $0x100  }
0x10: {  	[sflag:s10] =	ssyncset.done $0x0  }
0x11: {  	s15 =	simm.s32 $0x0;
	s16 =	simm.s32 $0x400;
	[sflag:s10] =	ssyncadd.s32 $0xFFFFFF00  }
.LBB2_2:
0x12: {  	p0 =	sne.s32 s16, $0xFC00;
	[tilespmem:s15+$0xF0] =	vst v0  }
0x13: {  	[tilespmem:s15+$0x0] =	vst v0  }
0x14: {  	[tilespmem:s15+$0x10] =	vst v0  }
0x15: {  	[tilespmem:s15+$0x20] =	vst v0  }
0x16: {  	[tilespmem:s15+$0x30] =	vst v0  }
0x17: {  	[tilespmem:s15+$0x40] =	vst v0  }
0x18: {  	[tilespmem:s15+$0x50] =	vst v0  }
0x19: {  	[tilespmem:s15+$0x60] =	vst v0  }
0x1a: {  	[tilespmem:s15+$0x70] =	vst v0  }
0x1b: {  	[tilespmem:s15+$0x80] =	vst v0  }
0x1c: {  	[tilespmem:s15+$0x90] =	vst v0  }
.Ltmp0:
0x1d: {  	[tilespmem:s15+$0xA0] =	vst v0;
	(pc) =	sbr.rel @p0 .LBB2_2-.Ltmp0, $4  }
0x1e: {  	[tilespmem:s15+$0xB0] =	vst v0  }
0x1f: {  	[tilespmem:s15+$0xC0] =	vst v0  }
0x20: {  	[tilespmem:s15+$0xD0] =	vst v0  }
0x21: {  	[tilespmem:s15+$0xE0] =	vst v0;
	s15 =	sshra.s32 s16, $0x2;
	s16 =	sadd.s32 $0x400, s16  }
0x22: {  	[tilespmem:s15+$0xF0] =	vst v0  }
0x23: {  	[tilespmem:s15+$0x0] =	vst v0  }
0x24: {  	[tilespmem:s15+$0x10] =	vst v0  }
0x25: {  	[tilespmem:s15+$0x20] =	vst v0  }
0x26: {  	[tilespmem:s15+$0x30] =	vst v0  }
0x27: {  	[tilespmem:s15+$0x40] =	vst v0  }
0x28: {  	[tilespmem:s15+$0x50] =	vst v0  }
0x29: {  	[tilespmem:s15+$0x60] =	vst v0  }
0x2a: {  	[tilespmem:s15+$0x70] =	vst v0  }
0x2b: {  	[tilespmem:s15+$0x80] =	vst v0  }
0x2c: {  	[tilespmem:s15+$0x90] =	vst v0  }
0x2d: {  	[tilespmem:s15+$0xA0] =	vst v0  }
0x2e: {  	[tilespmem:s15+$0xB0] =	vst v0  }
0x2f: {  	[tilespmem:s15+$0xC0] =	vst v0  }
0x30: {  	[tilespmem:s15+$0xD0] =	vst v0  }
0x31: {  	[tilespmem:s15+$0xE0] =	vst v0  }
0x32: {  	s15 =	simm.s32 $0x0;
	s16 =	simm.s32 $0x1;
	v3 =	vld [tilespmem:$0x4000];
	_ =	strace $0x80000059  }
0x33: {  	[tilespmem:s11], [sflag:$0x2] =	stream.linear.gather [hbm4b:s6+s15], $0x4000, $0x200038;
	[tilespmem:$0xC100] =	vst v63  }
0x34: {  	s17 =	simm.s32 $0x0;
	s18 =	simm.s32 $0x0;
	_ =	strace $0x90000059  }
.LBB2_4:
0x35: {  	s19 =	smov.u32 s15;
	s15 =	sadd.s32 $0x1, s15  }
0x36: {  	p0 =	seq.s32 s15, $0x20  }
0x37: {  	s15 =	simm.s32 @p0 $0x0  }
0x38: {  	p6 =	sne.s32 s18, $0x1F;
	p1 =	sne.s32 s19, s15  }
0x39: {  	p0 =	por !p6, !p1  }
0x3a: {  	p0 =	por !p0, !p0  }
0x3b: {  	s20 =	sshll.u32 @p0 s15, $0xB  }
0x3c: {  	s19 =	sand.u32 @p0 $0x1, s16;
	_ =	strace @p0 $0x8000005A;
	s20 =	sadd.s32 @p0 s5, s20  }
0x3d: {  	s22 =	simm.s32 @p0 $0x0;
	s21 =	sshll.u32 @p0 s19, $0xE;
	s20 =	sand.u32 @p0 $0x1FFFF800, s20  }
0x3e: {  	s19 =	sor.u32 @p0 $0x2, s19;
	s21 =	sadd.s32 @p0 $0x4100, s21;
	s20 =	sadd.s32 @p0 s4, s20  }
0x3f: {  	[tilespmem:s21], [sflag:s19] =	stream.linear.gather @p0 [hbm4b:s20+s22], $0x4000, $0x200038;
	[tilespmem:$0xC100] =	vst v63  }
0x40: {  	s30 =	sand.u32 $0x1, s17;
	_ =	strace @p0 $0x9000005A  }
0x41: {  	s31 =	sor.u32 $0x2, s30;
	s19 =	sshll.u32 s30, $0xE;
	_ =	strace $0x8000005B  }
0x42: {  	s19 =	sadd.s32 $0x4140, s19;
	_ =	swait.ge [sflag:s31], $0x4000  }
0x43: {  	v4 =	vmov s19;
	[sflag:s31] =	ssyncset.done $0x0  }
0x44: {  	[sflag:s31] =	ssyncadd.s32 $0xFFFFC000  }
0x45: {  	_ =	strace $0x9000005B  }
0x46: {  	s19 =	simm.s32 $0x0;
	_ =	strace $0x8000005C  }
.LBB2_5:
0x47: {  	s20 =	sshra.s32 s19, $0x2  }
0x48: {  	v5 =	vld.idx.msk [tilespmem:v4+s20+$0xFFFFFFC0 ss:$0x1], $0xffff;
	_ =	sdelay $0x4  }
0x49: {  	v6 =	vshrl.u32 v5, $0xA;
	v5 =	vshll.u32 v5, $0x4  }
0x4a: {  	v5 =	vor.u32 v1, v5;
	vm0 =	veq.s32 v6, v3  }
0x4b: {  	v5 =	vand.u32 $0x3FFF, v5;
	_ =	sdelay $0x4  }
0x4c: {  	[tilespmem:v5+s2+$0x0] =	vst.idx.add.s32.msk vm0, v2  }
0x4d: {  	v5 =	vld.idx.msk [tilespmem:v4+s20+$0xFFFFFFD0 ss:$0x1], $0xffff;
	_ =	sdelay $0x4  }
0x4e: {  	v6 =	vshrl.u32 v5, $0xA;
	v5 =	vshll.u32 v5, $0x4  }
0x4f: {  	v5 =	vor.u32 v1, v5;
	vm9 =	veq.s32 v6, v3  }
0x50: {  	v5 =	vand.u32 $0x3FFF, v5;
	_ =	sdelay $0x4  }
0x51: {  	[tilespmem:v5+s2+$0x0] =	vst.idx.add.s32.msk vm9, v2  }
0x52: {  	v5 =	vld.idx.msk [tilespmem:v4+s20+$0xFFFFFFE0 ss:$0x1], $0xffff;
	_ =	sdelay $0x4  }
0x53: {  	v6 =	vshrl.u32 v5, $0xA;
	v5 =	vshll.u32 v5, $0x4  }
0x54: {  	v5 =	vor.u32 v1, v5;
	vm10 =	veq.s32 v6, v3  }
0x55: {  	v5 =	vand.u32 $0x3FFF, v5;
	_ =	sdelay $0x4  }
0x56: {  	[tilespmem:v5+s2+$0x0] =	vst.idx.add.s32.msk vm10, v2  }
0x57: {  	v5 =	vld.idx.msk [tilespmem:v4+s20+$0xFFFFFFF0 ss:$0x1], $0xffff;
	_ =	sdelay $0x4  }
0x58: {  	v6 =	vshrl.u32 v5, $0xA;
	v5 =	vshll.u32 v5, $0x4  }
0x59: {  	v5 =	vor.u32 v1, v5;
	vm11 =	veq.s32 v6, v3  }
0x5a: {  	v5 =	vand.u32 $0x3FFF, v5;
	_ =	sdelay $0x4  }
0x5b: {  	[tilespmem:v5+s2+$0x0] =	vst.idx.add.s32.msk vm11, v2  }
0x5c: {  	v5 =	vld.idx.msk [tilespmem:v4+s20+$0x0 ss:$0x1], $0xffff;
	_ =	sdelay $0x4  }
0x5d: {  	v6 =	vshrl.u32 v5, $0xA;
	v5 =	vshll.u32 v5, $0x4  }
0x5e: {  	v5 =	vor.u32 v1, v5;
	vm12 =	veq.s32 v6, v3  }
0x5f: {  	v5 =	vand.u32 $0x3FFF, v5;
	_ =	sdelay $0x4  }
0x60: {  	[tilespmem:v5+s2+$0x0] =	vst.idx.add.s32.msk vm12, v2  }
0x61: {  	v5 =	vld.idx.msk [tilespmem:v4+s20+$0x10 ss:$0x1], $0xffff;
	_ =	sdelay $0x4  }
0x62: {  	v6 =	vshrl.u32 v5, $0xA;
	v5 =	vshll.u32 v5, $0x4  }
0x63: {  	v5 =	vor.u32 v1, v5;
	vm13 =	veq.s32 v6, v3  }
0x64: {  	v5 =	vand.u32 $0x3FFF, v5;
	_ =	sdelay $0x4  }
0x65: {  	[tilespmem:v5+s2+$0x0] =	vst.idx.add.s32.msk vm13, v2  }
0x66: {  	v5 =	vld.idx.msk [tilespmem:v4+s20+$0x20 ss:$0x1], $0xffff;
	_ =	sdelay $0x4  }
0x67: {  	v6 =	vshrl.u32 v5, $0xA;
	v5 =	vshll.u32 v5, $0x4  }
0x68: {  	v5 =	vor.u32 v1, v5;
	vm14 =	veq.s32 v6, v3  }
0x69: {  	v5 =	vand.u32 $0x3FFF, v5;
	_ =	sdelay $0x4  }
0x6a: {  	[tilespmem:v5+s2+$0x0] =	vst.idx.add.s32.msk vm14, v2  }
0x6b: {  	v5 =	vld.idx.msk [tilespmem:v4+s20+$0x30 ss:$0x1], $0xffff;
	_ =	sdelay $0x4  }
0x6c: {  	v6 =	vshrl.u32 v5, $0xA;
	v5 =	vshll.u32 v5, $0x4  }
0x6d: {  	v5 =	vor.u32 v1, v5;
	vm15 =	veq.s32 v6, v3  }
0x6e: {  	p2 =	sne.s32 s19, $0xFE00;
	v5 =	vand.u32 $0x3FFF, v5  }
.Ltmp1:
0x6f: {  	_ = 	snop;
	(pc) =	sbr.rel @p2 .LBB2_5-.Ltmp1, $2  }
0x70: {  	_ =	sdelay $0x2  }
0x71: {  	s19 =	sadd.s32 $0x200, s19;
	[tilespmem:v5+s2+$0x0] =	vst.idx.add.s32.msk vm15, v2  }
0x72: {  	p2 =	seq.s32 s18, $0x1F;
	s19 =	simm.s32 $0x1;
	s18 =	sadd.s32 $0x1, s18  }
0x73: {  	s19 =	simm.s32 @!p0 $0x0;
	p0 =	sne.s32 s18, $0x20  }
.Ltmp2:
0x74: {  	_ = 	snop;
	(pc) =	sbr.rel @p0 .LBB2_4-.Ltmp2, $4  }
0x75: {  	_ = 	snop  }
0x76: {  	s20 =	simm.s32 $0x1;
	p1 =	por p2, p1  }
0x77: {  	s20 =	simm.s32 @!p1 $0x0  }
0x78: {  	_ =	strace $0x9000005C;
	s16 =	sadd.s32 s19, s16;
	s17 =	sadd.s32 s20, s17  }
0x79: {  	s14 =	sadd.s32 $0x1, s14  }
0x7a: {  	p0 =	sne.s32 s14, s8  }
.Ltmp3:
0x7b: {  	_ = 	snop;
	(pc) =	sbr.rel @p0 .LBB2_1-.Ltmp3, $4  }
0x7c: {  	[hbm4b:s7+s12] =	stream.strided.scatter [tilespmem:s2], [sflag:$0x1], $0x4000, s13, s12, $0x38;
	[tilespmem:$0xC100] =	vst v63  }
0x7d: {  	_ =	swait.ge [sflag:s10], $0x4000  }
0x7e: {  	[sflag:s10] =	ssyncset.done $0x0  }
0x7f: {  	[sflag:s10] =	ssyncadd.s32 $0xFFFFC000  }
0x80: {  	_ =	sfence.sel $0x180000  }
0x81: {  	[bflag:$0x0] =	sbarrier.arrive $0xFFFF  }
0x82: {  	p0 =	sne.s32 s3, $0x0;
	_ =	strace $0x90000058  }
0x83: {  	s0 =	sadd.s32 @!p0 $0x100000, s0;
	[bflag:$0x2] =	sbarrier.arrive $0xFFFF  }
0x84: {  	[sflag:s0] =	ssyncadd.tile.s32 @!p0 $0x1;
	_ =	shalt  }
.Lfunc_end2:
_tile_overlayer_lowered:
.L_overlay_start_2:
0x85: {  	(tag) =	ssettag $0x2  }
0x86: {  	s0 =	rddreg [dreg:$0x0];
	s2 =	stileid.u32  }
0x87: {  	s1 =	rddreg [dreg:$0x1];
	p0 =	sne.s32 s2, $0x0  }
0x88: {  	s3 =	rddreg [dreg:$0x2];
	[bflag:$0x3] =	sbarrier.arrive $0xFFFF;
	s2 =	simm.s32 @!p0 $0x1C02  }
0x89: {  	[timem:s3], [sflag:s2] =	dma.local @!p0 [hbm:s0], s1  }
0x8a: {  	s0 =	simm.s32 @!p0 $0x2  }
0x8b: {  	_ =	swait.ge @!p0 [sflag:s0], s1  }
0x8c: {  	s1 =	ssub.s32 @!p0 $0x0, s1;
	[sflag:s0] =	ssyncset.done @!p0 $0x0  }
0x8d: {  	[sflag:s0] =	ssyncadd.s32 @!p0 s1  }
0x8e: {  	[bflag:$0x3] =	sbarrier.arrive $0xFFFF  }
0x8f: {  	_ =	shalt  }

// kernel: sparse-core-data-format-call.cloned.1.call-start
scs
called_computation_lowered:
.L_overlay_start_0:
0x0: {  	s1 =	sld [smem:$0x3FD9]  }
0x1: {  	s2 =	sld [smem:$0x3FFE];
	_ =	sdelay $0x1  }
0x2: {  	s3 =	srdreg.scid  }
0x3: {  	s0 =	sand.u32 $0x1, s3  }
0x4: {  	s17 =	sshll.u32 s0, $0xA;
	s1 =	sadd.s32 s2, s1  }
0x5: {  	s1 =	sadd.s32 s1, s17  }
0x6: {  	[smem:$0x3FC1] =	sst s1  }
0x7: {  	_ = 	snop  }
0x8: {  	(tm) =	ssettm $0x1  }
0x9: {  	s18 =	sld [smem:$0x3FFB];
	_ =	sdelay $0x3  }
0xa: {  	_ =	strace s18  }
0xb: {  	s1 =	sld [smem:$0x3FFC];
	_ =	sdelay $0x3  }
0xc: {  	_ =	strace s1  }
0xd: {  	s1 =	sld [smem:$0x3FFD];
	_ =	sdelay $0x3  }
0xe: {  	_ =	strace s1  }
0xf: {  	_ =	strace $0x8FFFFFFF  }
0x10: {  	s19 =	sld [smem:$0x3FDB];
	_ =	sdelay $0x1  }
0x11: {  	s20 =	simm.s32 $_scs_section_size  }
0x12: {  	s4 =	simm.s32 $_size__tile_overlayer_lowered;
	s5 =	simm.s32 $_tile_overlayer_lowered  }
0x13: {  	s23 =	simm.s32 $0x1BFF;
	s22 =	sshll.u32 s5, $0x1;
	s1 =	sadd.s32 s20, s19  }
0x14: {  	s6 =	simm.s32 $0x0;
	s21 =	sshll.u32 s4, $0x1;
	s4 =	sadd.s32 s22, s1  }
0x15: {  	[timem:s6], [sflag:s23] =	dma.local [hbm:s4], s21  }
0x16: {  	_ =	swait.ge [sflag:s23], s21  }
0x17: {  	s2 =	ssub.s32 $0x0, s21;
	[sflag:s23] =	ssyncset.done $0x0  }
0x18: {  	[sflag:s23] =	ssyncadd.s32 s2;
	_ =	sdelay $0x1  }
0x19: {  	s24 =	simm.s32 $0x1B8B  }
0x1a: {  	_ =	swait.ge [sflag:s24], $0x1  }
0x1b: {  	[sflag:s24] =	ssyncset.done $0x0  }
0x1c: {  	s26 =	simm.s32 $0x1B8E;
	s25 =	sld [smem:$0x3FFE];
	[sflag:s24] =	ssyncadd.s32 $0xFFFFFFFF  }
0x1d: {  	s27 =	simm.s32 $execute0_lowered;
	[smem:$0x3FD2] =	sst s26  }
0x1e: {  	s4 =	sshll.u32 s27, $0x1;
	_ =	strace $0x80000046;
	[dreg:$0x1] =	wrdreg $0xFFFFFFFF  }
0x1f: {  	s28 =	simm.s32 $_size_execute0_lowered;
	s1 =	sadd.s32 s1, s4;
	[dreg:$0x0] =	wrdreg $0x0  }
0x20: {  	s4 =	sshll.u32 s28, $0x1;
	[dreg:$0x2] =	wrdreg s1  }
0x21: {  	[dreg:$0x3] =	wrdreg s4  }
0x22: {  	[dreg:$0x4] =	wrdreg $0xC0  }
0x23: {  	_ =	task [dreg:s6], $0x5FFFF  }
0x24: {  	[dreg:$0x1] =	wrdreg $0xFFFFFFFF  }
0x25: {  	[dreg:$0x0] =	wrdreg $0x60  }
0x26: {  	[dreg:$0x2] =	wrdreg s25  }
0x27: {  	[dreg:$0x3] =	wrdreg $0x9  }
0x28: {  	_ =	task.clear_ibuf [dreg:s6], $0x4FFFF;
	_ =	strace $0x90000046  }
0x29: {  	s29 =	simm.s32 $0x9;
	_ =	strace $0x80000048  }
0x2a: {  	_ =	swait.ge [sflag:s29], $0x1  }
0x2b: {  	[sflag:s29] =	ssyncadd.s32 $0xFFFFFFFF  }
0x2c: {  	_ =	strace $0x90000048  }
0x2d: {  	_ =	sfence  }
0x2e: {  	s30 =	sld [smem:$0x0];
	_ =	sdelay $0x2  }
0x2f: {  	s31 =	sshll.u32 s3, $0xD;
	s3 =	sshrl.u32 s3, $0x2  }
0x30: {  	s2 =	sand.u32 $0x4000, s31;
	s1 =	sadd.s32 s3, s30  }
0x31: {  	s0 =	sor.u32 s2, s0;
	s1 =	sshll.u32 s1, $0x11  }
0x32: {  	s0 =	sor.u32 s1, s0  }
0x33: {  	s0 =	sadd.s32 $0x8F2B, s0  }
0x34: {  	[sflag:s0] =	ssyncadd.remote.s32 $0x1  }
0x35: {  	_ =	sfence.sel $0xFFFF  }
0x36: {  	[dreg:$0x0] =	wrdreg $0xFFFFFFFF;
	(pc) =	sbr.abs _section_cstart, $3  }
0x37: {  	[dreg:$0x1] =	wrdreg $0xFFFFFFFF  }
0x38: {  	_ =	task.clear_ibuf [dreg:s6], $0x2FFFF;
	_ =	strace $0x9FFFFFFF  }
0x39: {  	(tm) =	ssettm $0x7FFFFFFF  }
tec
execute0_lowered:
.L_overlay_start_1:
0x0: {  	(tag) =	ssettag $0x1  }
0x1: {  	s1 =	rddreg [dreg:$0x0]  }
0x2: {  	s0 =	rddreg [dreg:$0x1]  }
0x3: {  	_ =	strace $0x80000047;
	s4 =	srdreg.scid;
	s6 =	simm.s32 $0x2  }
0x4: {  	s11 =	simm.s32 $0x0;
	p0 =	por $0x0, $0x0;
	s7 =	simm.s32 $0x1000  }
.Ltmp0:
0x5: {  	s12 =	simm.s32 $0x0;
	s9 =	simm.s32 $0x0;
	(pc) =	sbr.rel .LBB1_1-.Ltmp0, $4  }
0x6: {  	s2 =	sadd.s32 $0x12E00, s1;
	s3 =	sadd.s32 $0x212E00, s1;
	s5 =	sshll.u32 s4, $0x4  }
0x7: {  	s1 =	stileid.u32;
	s4 =	simm.s32 $0x1;
	s5 =	sand.u32 $0x10, s5  }
0x8: {  	s8 =	simm.s32 $0x0;
	[sflag:s4] =	ssyncpa.u1 $0x0;
	s5 =	sor.u32 s1, s5  }
0x9: {  	[sflag:s6] =	ssyncpa.u1 $0x0;
	s6 =	simm.s32 $0x800;
	s10 =	smov.u32 s5  }
.LBB1_7:
0xa: {  	s13 =	sadd.s32 $0x10, s9  }
0xb: {  	s11 =	sadd.s32 $0x20, s10;
	s15 =	smov.u32 s10;
	p2 =	sgt.s32 s13, $0x1F  }
0xc: {  	p1 =	slt.u32 s8, $0x2;
	s15 =	smov.u32 @p2 s11  }
0xd: {  	s8 =	sadd.s32 $0x1, s8;
	s13 =	simm.s32 @p2 $0x0;
	p2 =	sgt.s32 s15, $0x1FF  }
0xe: {  	s15 =	smov.u32 @p2 s5;
	p2 =	sne.s32 s8, $0x22  }
.Ltmp1:
0xf: {  	_ = 	snop;
	(pc) =	sbr.rel @!p2 .LBB1_8-.Ltmp1, $4  }
0x10: {  	s14 =	simm.s32 @!p1 $0x2  }
0x11: {  	s12 =	smov.u32 s10;
	_ =	swait.ge @!p1 [sflag:s14], $0x4000  }
0x12: {  	p0 =	por !p0, !p0;
	s11 =	smov.u32 s9;
	[sflag:s14] =	ssyncset.done @!p1 $0x0  }
0x13: {  	s9 =	smov.u32 s13;
	[sflag:s14] =	ssyncadd.s32 @!p1 $0xFFFFC000;
	s10 =	smov.u32 s15  }
.LBB1_1:
0x14: {  	p1 =	sgt.u32 s8, $0x1F  }
0x15: {  	s13 =	sxor.u32 @!p1 $0xFFFFFFFF, s8;
	s14 =	sshll.u32 @!p1 s10, $0xC  }
0x16: {  	s15 =	sshll.u32 @!p1 s9, $0x7;
	s13 =	sshll.u32 @!p1 s13, $0xE;
	s14 =	sadd.s32 @!p1 s2, s14  }
0x17: {  	s13 =	sand.u32 @!p1 $0x4000, s13;
	s14 =	sadd.s32 @!p1 s15, s14;
	s15 =	simm.s32 @!p1 $0x0  }
0x18: {  	[tilespmem:s13], [sflag:$0x1] =	stream.linear.gather @!p1 [hbm4b:s14+s15], $0x4000, $0x38;
	[tilespmem:$0x10000] =	vst v63  }
0x19: {  	p1 =	seq.s32 s8, $0x0  }
0x1a: {  	p2 =	seq.s32 @!p1 s8, $0x21  }
0x1b: {  	p1 =	por p1, p2  }
.Ltmp2:
0x1c: {  	_ = 	snop;
	(pc) =	sbr.rel @p1 .LBB1_7-.Ltmp2, $1  }
0x1d: {  	_ =	sdelay $0x3  }
0x1e: {  	s13 =	simm.s32 $0x1;
	_ =	swait.ge [sflag:s4], $0x4000;
	s16 =	sshll.u32 s8, $0xE  }
0x1f: {  	s13 =	simm.s32 @!p0 $0x0;
	[sflag:s4] =	ssyncset.done $0x0;
	s31 =	sand.u32 $0x4000, s16  }
0x20: {  	s16 =	simm.s32 $0x0;
	s14 =	sshll.u32 s13, $0xE;
	[sflag:s4] =	ssyncadd.s32 $0xFFFFC000  }
0x21: {  	s13 =	sor.u32 $0x8040, s14;
	s15 =	sor.u32 $0x40, s14;
	s14 =	sor.u32 $0x8000, s31  }
.LBB1_3:
0x22: {  	v0 =	vmov s15;
	_ =	sdelay $0x3  }
0x23: {  	s18 =	simm.s32 $0x0  }
0x24: {  	v6 =	vld.idx.msk [tilespmem:v0+s18+$0x30 ss:$0x1], $0xffff  }
0x25: {  	v7 =	vld.idx.msk [tilespmem:v0+s18+$0xFFFFFFC0 ss:$0x1], $0xffff  }
0x26: {  	v5 =	vld.idx.msk [tilespmem:v0+s18+$0xFFFFFFD0 ss:$0x1], $0xffff  }
0x27: {  	v4 =	vld.idx.msk [tilespmem:v0+s18+$0xFFFFFFE0 ss:$0x1], $0xffff  }
0x28: {  	v3 =	vld.idx.msk [tilespmem:v0+s18+$0xFFFFFFF0 ss:$0x1], $0xffff  }
0x29: {  	v1 =	vld.idx.msk [tilespmem:v0+s18+$0x0 ss:$0x1], $0xffff  }
0x2a: {  	v2 =	vld.idx.msk [tilespmem:v0+s18+$0x10 ss:$0x1], $0xffff;
	[tilespmem:s13+$0x30] =	vst v6  }
0x2b: {  	s17 =	simm.s32 $0x80;
	s19 =	simm.s32 $0x400;
	[tilespmem:s13+$0xFFFFFFC0] =	vst v7;
	v6 =	vld.idx.msk [tilespmem:v0+s18+$0x20 ss:$0x1], $0xffff;
	s18 =	smov.u32 s13  }
.LBB1_4:
0x2c: {  	p1 =	sne.s32 s19, $0xE00;
	v7 =	vld.idx.msk [tilespmem:v0+s17+$0x30 ss:$0x1], $0xffff;
	[tilespmem:s18+$0xFFFFFFD0] =	vst v5  }
0x2d: {  	v8 =	vld.idx.msk [tilespmem:v0+s17+$0xFFFFFFC0 ss:$0x1], $0xffff;
	[tilespmem:s18+$0xFFFFFFE0] =	vst v4  }
0x2e: {  	v5 =	vld.idx.msk [tilespmem:v0+s17+$0xFFFFFFD0 ss:$0x1], $0xffff;
	[tilespmem:s18+$0xFFFFFFF0] =	vst v3  }
.Ltmp3:
0x2f: {  	v4 =	vld.idx.msk [tilespmem:v0+s17+$0xFFFFFFE0 ss:$0x1], $0xffff;
	[tilespmem:s18+$0x0] =	vst v1;
	(pc) =	sbr.rel @p1 .LBB1_4-.Ltmp3, $4  }
0x30: {  	v3 =	vld.idx.msk [tilespmem:v0+s17+$0xFFFFFFF0 ss:$0x1], $0xffff;
	[tilespmem:s18+$0x10] =	vst v2  }
0x31: {  	v1 =	vld.idx.msk [tilespmem:v0+s17+$0x0 ss:$0x1], $0xffff;
	[tilespmem:s18+$0x20] =	vst v6;
	s18 =	sadd.s32 $0x800, s18  }
0x32: {  	v2 =	vld.idx.msk [tilespmem:v0+s17+$0x10 ss:$0x1], $0xffff;
	[tilespmem:s18+$0x30] =	vst v7  }
0x33: {  	[tilespmem:s18+$0xFFFFFFC0] =	vst v8;
	v6 =	vld.idx.msk [tilespmem:v0+s17+$0x20 ss:$0x1], $0xffff;
	s17 =	sshra.s32 s19, $0x2;
	s19 =	sadd.s32 $0x200, s19  }
0x34: {  	_ =	sdelay $0x2  }
0x35: {  	[tilespmem:s18+$0xFFFFFFD0] =	vst v5  }
0x36: {  	v56 =	vld.idx.msk [tilespmem:v0+s17+$0x30 ss:$0x1], $0xffff;
	[tilespmem:s18+$0xFFFFFFE0] =	vst v4  }
0x37: {  	v57 =	vld.idx.msk [tilespmem:v0+s17+$0xFFFFFFC0 ss:$0x1], $0xffff;
	[tilespmem:s18+$0xFFFFFFF0] =	vst v3  }
0x38: {  	v58 =	vld.idx.msk [tilespmem:v0+s17+$0xFFFFFFD0 ss:$0x1], $0xffff;
	[tilespmem:s18+$0x0] =	vst v1  }
0x39: {  	v59 =	vld.idx.msk [tilespmem:v0+s17+$0xFFFFFFE0 ss:$0x1], $0xffff;
	[tilespmem:s18+$0x10] =	vst v2  }
0x3a: {  	v60 =	vld.idx.msk [tilespmem:v0+s17+$0xFFFFFFF0 ss:$0x1], $0xffff;
	s31 =	sadd.s32 $0x800, s18;
	[tilespmem:s18+$0x20] =	vst v6  }
0x3b: {  	v61 =	vld.idx.msk [tilespmem:v0+s17+$0x0 ss:$0x1], $0xffff;
	[tilespmem:s31+$0x30] =	vst v56  }
0x3c: {  	v62 =	vld.idx.msk [tilespmem:v0+s17+$0x10 ss:$0x1], $0xffff;
	s16 =	sadd.s32 $0x1, s16;
	[tilespmem:s31+$0xFFFFFFC0] =	vst v57  }
0x3d: {  	v63 =	vld.idx.msk [tilespmem:v0+s17+$0x20 ss:$0x1], $0xffff;
	p1 =	sne.s32 s16, $0x10;
	[tilespmem:s31+$0xFFFFFFD0] =	vst v58  }
.Ltmp4:
0x3e: {  	[tilespmem:s31+$0xFFFFFFE0] =	vst v59;
	(pc) =	sbr.rel @p1 .LBB1_3-.Ltmp4, $4  }
0x3f: {  	[tilespmem:s31+$0xFFFFFFF0] =	vst v60  }
0x40: {  	[tilespmem:s31+$0x0] =	vst v61  }
0x41: {  	[tilespmem:s31+$0x10] =	vst v62  }
0x42: {  	s13 =	sadd.s32 $0x80, s13;
	s15 =	sadd.s32 $0x400, s15;
	[tilespmem:s31+$0x20] =	vst v63  }
.Ltmp5:
0x43: {  	(pc) =	sbr.rel .LBB1_7-.Ltmp5, $4  }
0x44: {  	s12 =	sshll.u32 s12, $0xC;
	s11 =	sshll.u32 s11, $0x4  }
0x45: {  	s11 =	sand.u32 $0x1F0, s11;
	s12 =	sadd.s32 s3, s12  }
0x46: {  	s11 =	sadd.s32 s11, s12  }
0x47: {  	[hbm4b:s11+s6] =	stream.strided.scatter [tilespmem:s14], [sflag:$0x2], $0x4000, s7, s6, $0x38;
	[tilespmem:$0x10000] =	vst v63  }
.LBB1_8:
0x48: {  	_ =	sfence.sel $0x180000  }
0x49: {  	s2 =	simm.s32 $0x1;
	[bflag:$0x0] =	sbarrier.arrive $0xFFFF  }
0x4a: {  	s31 =	simm.s32 $0x2;
	[sflag:s2] =	ssyncpa.u1 $0x1  }
0x4b: {  	[sflag:s31] =	ssyncpa.u1 $0x1  }
0x4c: {  	p0 =	sne.s32 s1, $0x0;
	_ =	strace $0x90000047  }
0x4d: {  	s0 =	sadd.s32 @!p0 $0x100000, s0;
	[bflag:$0x2] =	sbarrier.arrive $0xFFFF  }
0x4e: {  	[sflag:s0] =	ssyncadd.tile.s32 @!p0 $0x1;
	_ =	shalt  }
.Lfunc_end1:
_tile_overlayer_lowered:
.L_overlay_start_2:
0x4f: {  	(tag) =	ssettag $0x2  }
0x50: {  	s0 =	rddreg [dreg:$0x0];
	s2 =	stileid.u32  }
0x51: {  	s1 =	rddreg [dreg:$0x1];
	p0 =	sne.s32 s2, $0x0  }
0x52: {  	s3 =	rddreg [dreg:$0x2];
	[bflag:$0x3] =	sbarrier.arrive $0xFFFF;
	s2 =	simm.s32 @!p0 $0x1C01  }
0x53: {  	[timem:s3], [sflag:s2] =	dma.local @!p0 [hbm:s0], s1  }
0x54: {  	s0 =	simm.s32 @!p0 $0x1  }
0x55: {  	_ =	swait.ge @!p0 [sflag:s0], s1  }
0x56: {  	s1 =	ssub.s32 @!p0 $0x0, s1;
	[sflag:s0] =	ssyncset.done @!p0 $0x0  }
0x57: {  	[sflag:s0] =	ssyncadd.s32 @!p0 s1  }
0x58: {  	[bflag:$0x3] =	sbarrier.arrive $0xFFFF  }
0x59: {  	_ =	shalt  }

</sc_bundles>
